<compile_context>
chip_gen: v7x
topology: tpu7x:2x2x1
jax: 0.10.2.dev20260603
libtpu: 0.0.44.dev20260713+nightly
codegen_flags: <defaults>
</compile_context>

<pallas_src>
import functools

import jax
import jax.numpy as jnp
from jax.experimental import pallas as pl

LANES = 128
N_PRE = 12000
N_POST = 2000
_K_FAST = 2560


def _decode_kernel(loc_ref, anch_ref, fg_ref, par_ref,
                   xy_ref, fgm_ref, cnt_ref, *, n_valid):
    img_w = par_ref[0, 0]
    img_h = par_ref[0, 1]
    min_size = par_ref[0, 2]
    aw = anch_ref[2]
    ah = anch_ref[3]
    cx = loc_ref[0] * aw * 0.1 + anch_ref[0]
    cy = loc_ref[1] * ah * 0.1 + anch_ref[1]
    w = jnp.exp(loc_ref[2] * 0.2) * aw
    h = jnp.exp(loc_ref[3] * 0.2) * ah
    x1 = jnp.clip(cx - w * 0.5, 0.0, img_w)
    y1 = jnp.clip(cy - h * 0.5, 0.0, img_h)
    x2 = jnp.clip(cx + w * 0.5, 0.0, img_w)
    y2 = jnp.clip(cy + h * 0.5, 0.0, img_h)
    ok = ((y2 - y1) >= min_size) & ((x2 - x1) >= min_size)
    rows = jax.lax.broadcasted_iota(jnp.int32, x1.shape, 0)
    cols = jax.lax.broadcasted_iota(jnp.int32, x1.shape, 1)
    valid = (rows * LANES + cols) < n_valid
    fgm = jnp.where(ok & valid, fg_ref[...], -jnp.inf)
    fgm_ref[...] = fgm
    cnt_ref[...] = jnp.sum(jnp.where(jnp.isfinite(fgm), 1.0, 0.0),
                           keepdims=True)
    xy_ref[0] = x1
    xy_ref[1] = y1
    xy_ref[2] = x2
    xy_ref[3] = y2


def _nms_kernel(x1_ref, y1_ref, x2_ref, y2_ref, fg_ref, thr_ref,
                keep_ref, *, n_rows, n_post):
    thr = thr_ref[0, 0]
    keep_ref[...] = jnp.zeros_like(keep_ref)
    eye = (jax.lax.broadcasted_iota(jnp.int32, (LANES, LANES), 0) ==
           jax.lax.broadcasted_iota(jnp.int32, (LANES, LANES), 1)
           ).astype(jnp.float32)
    sub_i = jax.lax.broadcasted_iota(jnp.int32, (LANES, LANES), 0)
    lane_i = jax.lax.broadcasted_iota(jnp.int32, (LANES, LANES), 1)

    def row2col(r):
        return jnp.sum(r * eye, axis=1, keepdims=True)

    def col2row(c):
        return jnp.sum(c * eye, axis=0, keepdims=True)

    def block_body(carry):
        b, kept = carry
        x1r = x1_ref[pl.ds(b, 1), :]
        y1r = y1_ref[pl.ds(b, 1), :]
        x2r = x2_ref[pl.ds(b, 1), :]
        y2r = y2_ref[pl.ds(b, 1), :]
        fgr = fg_ref[pl.ds(b, 1), :]
        x1c = row2col(x1r)
        y1c = row2col(y1r)
        x2c = row2col(x2r)
        y2c = row2col(y2r)
        areac = jnp.maximum(x2c - x1c, 0.0) * jnp.maximum(y2c - y1c, 0.0)

        def cross(pb, supc):
            px1 = x1_ref[pl.ds(pb, 1), :]
            py1 = y1_ref[pl.ds(pb, 1), :]
            px2 = x2_ref[pl.ds(pb, 1), :]
            py2 = y2_ref[pl.ds(pb, 1), :]
            pkeep = keep_ref[pl.ds(pb, 1), :]
            parea = (jnp.maximum(px2 - px1, 0.0) *
                     jnp.maximum(py2 - py1, 0.0))
            inter = (jnp.maximum(jnp.minimum(x2c, px2) -
                                 jnp.maximum(x1c, px1), 0.0) *
                     jnp.maximum(jnp.minimum(y2c, py2) -
                                 jnp.maximum(y1c, py1), 0.0))
            iou = inter / (areac + parea - inter + 1e-9)
            hit = jnp.where((iou > thr) & (pkeep > 0.5), 1.0, 0.0)
            return jnp.maximum(supc, jnp.max(hit, axis=1, keepdims=True))

        supc0 = jax.lax.fori_loop(
            0, b, cross, jnp.zeros((LANES, 1), jnp.float32))
        suprow0 = col2row(supc0)

        arear = jnp.maximum(x2r - x1r, 0.0) * jnp.maximum(y2r - y1r, 0.0)
        inter = (jnp.maximum(jnp.minimum(x2c, x2r) -
                             jnp.maximum(x1c, x1r), 0.0) *
                 jnp.maximum(jnp.minimum(y2c, y2r) -
                             jnp.maximum(y1c, y1r), 0.0))
        iou = inter / (areac + arear - inter + 1e-9)
        hit = jnp.where(iou > thr, 1.0, 0.0)
        s_sv = jnp.where(lane_i > sub_i, hit, 0.0)
        s_vs = jnp.where(lane_i < sub_i, hit, 0.0)

        alive0_row = jnp.where(jnp.isfinite(fgr) & (suprow0 < 0.5),
                               1.0, 0.0)
        alive0_col = row2col(alive0_row)

        def jac_cond(c):
            it, changed, _, _ = c
            return changed & (it < 64)

        def jac_body(c):
            it, _, ar, ac = c
            sup_c = jnp.max(s_vs * ar, axis=1, keepdims=True)
            ac_new = alive0_col * jnp.where(sup_c > 0.5, 0.0, 1.0)
            sup_r = jnp.max(s_sv * ac_new, axis=0, keepdims=True)
            ar_new = alive0_row * jnp.where(sup_r > 0.5, 0.0, 1.0)
            changed = jnp.max(jnp.abs(ac_new - ac)) > 0.0
            return it + 1, changed, ar_new, ac_new

        _, _, keeprow, _ = jax.lax.while_loop(
            jac_cond, jac_body,
            (jnp.int32(0), True, alive0_row, alive0_col))
        keep_ref[pl.ds(b, 1), :] = keeprow
        return b + 1, kept + jnp.sum(keeprow)

    def cond(carry):
        b, kept = carry
        return (b < n_rows) & (kept < float(n_post))

    jax.lax.while_loop(cond, block_body,
                       (jnp.int32(0), jnp.float32(0.0)))


def _nms_call(x1s, y1s, x2s, y2s, fgs, thr, n_post):
    n_rows = x1s.shape[0]
    return pl.pallas_call(
        functools.partial(_nms_kernel, n_rows=n_rows, n_post=n_post),
        out_shape=jax.ShapeDtypeStruct((n_rows, LANES), jnp.float32),
    )(x1s, y1s, x2s, y2s, fgs, thr)


def kernel(rpn_loc, rpn_fg, anchor_boxes_cxcy, scale, img_width,
           img_height, train):
    f32 = jnp.float32
    n = rpn_loc.shape[1]
    n_rows_in = (n + LANES - 1) // LANES
    n_pad = n_rows_in * LANES
    locg = jnp.pad(rpn_loc[0].astype(f32).T,
                   ((0, 0), (0, n_pad - n))).reshape(4, n_rows_in, LANES)
    anchg = jnp.pad(anchor_boxes_cxcy.astype(f32).T,
                    ((0, 0), (0, n_pad - n))).reshape(4, n_rows_in, LANES)
    fgg = jnp.pad(rpn_fg[0].astype(f32),
                  (0, n_pad - n)).reshape(n_rows_in, LANES)
    par = jnp.stack([
        jnp.asarray(img_width, f32), jnp.asarray(img_height, f32),
        16.0 * jnp.asarray(scale, f32), jnp.zeros((), f32)]).reshape(1, 4)
    xy, fgm, cnt = pl.pallas_call(
        functools.partial(_decode_kernel, n_valid=n),
        out_shape=[jax.ShapeDtypeStruct((4, n_rows_in, LANES), f32),
                   jax.ShapeDtypeStruct((n_rows_in, LANES), f32),
                   jax.ShapeDtypeStruct((1, 1), f32)],
    )(locg, anchg, fgg, par)

    fgm_flat = fgm.reshape(-1)
    xy_flat = xy.reshape(4, n_pad)
    thr = (0.7 * jnp.asarray(train, f32)).reshape(1, 1)

    def run_path(k_sel):
        scores, order = jax.lax.top_k(fgm_flat, k_sel)
        k_rows = (k_sel + LANES - 1) // LANES
        k_pad = k_rows * LANES

        def sort_grid(v):
            g = v[order]
            return jnp.pad(g, (0, k_pad - k_sel)).reshape(k_rows, LANES)

        x1s, y1s, x2s, y2s = (sort_grid(xy_flat[0]), sort_grid(xy_flat[1]),
                              sort_grid(xy_flat[2]), sort_grid(xy_flat[3]))
        fgs = jnp.pad(scores, (0, k_pad - k_sel),
                      constant_values=-jnp.inf).reshape(k_rows, LANES)
        keep = _nms_call(x1s, y1s, x2s, y2s, fgs, thr, N_POST)
        kept = jnp.sum(keep)
        keepb = keep.reshape(-1)[:k_sel] > 0.5
        keep_idx = jnp.nonzero(keepb, size=N_POST, fill_value=0)[0]
        rois_sorted = jnp.stack([
            x1s.reshape(-1), y1s.reshape(-1),
            x2s.reshape(-1), y2s.reshape(-1)], axis=1)
        return rois_sorted[keep_idx], kept

    k_fast = _K_FAST
    finite_cnt = cnt[0, 0]
    out_fast, kept_fast = run_path(k_fast)
    fast_ok = (kept_fast >= float(N_POST)) | (finite_cnt <= float(k_fast))
    return jax.lax.cond(fast_ok,
                        lambda: out_fast,
                        lambda: run_path(N_PRE)[0])

# --- scband reference (transcript-rebuilt; emitter-appended) ---
"""Pipeline reference for scband-proposal-52836687675621 (READ-ONLY COPY).

The authoritative reference and input builder live on the scoring server;
editing this copy changes nothing except your own understanding.
"""

import jax, jax.numpy as jnp
import numpy as np


def gcxgcy_to_cxcy(gcxgcy, priors_cxcy):
    return jnp.concatenate([
        gcxgcy[:, :2] * priors_cxcy[:, 2:] / 10.0 + priors_cxcy[:, :2],
        jnp.exp(gcxgcy[:, 2:] / 5.0) * priors_cxcy[:, 2:]
    ], axis=1)


def cxcy_to_xy(cxcy):
    return jnp.concatenate([
        cxcy[:, :2] - cxcy[:, 2:] / 2.0,
        cxcy[:, :2] + cxcy[:, 2:] / 2.0
    ], axis=1)


def _nms_keep_indices(boxes, scores, thresh, n_post):
    # boxes assumed sorted by descending score; greedy NMS.
    n = boxes.shape[0]
    x1, y1, x2, y2 = boxes[:, 0], boxes[:, 1], boxes[:, 2], boxes[:, 3]
    areas = jnp.maximum(x2 - x1, 0.0) * jnp.maximum(y2 - y1, 0.0)
    idxs = jnp.arange(n)

    def body(i, keep):
        xi1 = jnp.maximum(x1[i], x1)
        yi1 = jnp.maximum(y1[i], y1)
        xi2 = jnp.minimum(x2[i], x2)
        yi2 = jnp.minimum(y2[i], y2)
        inter = jnp.maximum(xi2 - xi1, 0.0) * jnp.maximum(yi2 - yi1, 0.0)
        iou = inter / (areas[i] + areas - inter + 1e-9)
        suppress = (iou > thresh) & (idxs > i) & keep[i]
        return keep & (~suppress)

    keep0 = jnp.isfinite(scores)  # boxes masked out by size filter carry -inf score
    keep = jax.lax.fori_loop(0, n, body, keep0)
    # fixed-size output: first n_post kept indices (padded with 0 if fewer kept)
    keep_idx = jnp.nonzero(keep, size=n_post, fill_value=0)[0]
    return keep_idx


def setup_inputs(seed: int = 0) -> dict:
    key = jax.random.key(seed)
    k1, k2, k3 = jax.random.split(key, 3)
    N = 20000
    rpn_loc = jax.random.normal(k1, (1, N, 4), dtype=jnp.float32)
    rpn_fg = jax.random.uniform(k2, (1, N), dtype=jnp.float32)
    u = jax.random.uniform(k3, (N, 4), dtype=jnp.float32)
    cx = u[:, 0] * 800.0
    cy = u[:, 1] * 600.0
    w = 16.0 + u[:, 2] * 240.0
    h = 16.0 + u[:, 3] * 240.0
    anchor_boxes_cxcy = jnp.stack([cx, cy, w, h], axis=1)
    return {
        'rpn_loc': rpn_loc,
        'rpn_fg': rpn_fg,
        'anchor_boxes_cxcy': anchor_boxes_cxcy,
        'scale': 1,
        'img_width': 800,
        'img_height': 600,
        'train': 1,
    }


def reference(rpn_loc, rpn_fg, anchor_boxes_cxcy, scale, img_width, img_height, train):
    nms_thresh = 0.7 * train
    n_pre_nms, n_post_nms = 12000, 2000
    min_size = 16.0 * scale

    rois_cxcy = gcxgcy_to_cxcy(rpn_loc[0], anchor_boxes_cxcy)
    rois_xy = cxcy_to_xy(rois_cxcy)
    fg = rpn_fg[0]

    rois_xy = jnp.stack([
        jnp.clip(rois_xy[:, 0], 0.0, img_width),
        jnp.clip(rois_xy[:, 1], 0.0, img_height),
        jnp.clip(rois_xy[:, 2], 0.0, img_width),
        jnp.clip(rois_xy[:, 3], 0.0, img_height),
    ], axis=1)

    hs = rois_xy[:, 3] - rois_xy[:, 1]
    ws = rois_xy[:, 2] - rois_xy[:, 0]
    size_ok = (hs >= min_size) & (ws >= min_size)
    fg_masked = jnp.where(size_ok, fg, -jnp.inf)

    order = jnp.argsort(-fg_masked)[:n_pre_nms]
    fg_sorted = fg_masked[order]
    rois_sorted = rois_xy[order]

    keep_idx = _nms_keep_indices(
        jax.lax.stop_gradient(rois_sorted),
        jax.lax.stop_gradient(fg_sorted),
        nms_thresh, n_post_nms)
    return rois_sorted[keep_idx]

if __name__ == "__main__":
    import jax
    _d = setup_inputs()
    print(jax.jit(kernel)(*tuple(_d.values())))

</pallas_src>

<mosaic_0001>
module attributes {stable_mosaic.version = 14 : i64} {
  func.func @_decode_kernel(%arg0: memref<4x157x128xf32, #tpu.memory_space<vmem>>, %arg1: memref<4x157x128xf32, #tpu.memory_space<vmem>>, %arg2: memref<157x128xf32, #tpu.memory_space<vmem>>, %arg3: memref<1x4xf32, #tpu.memory_space<vmem>>, %arg4: memref<4x157x128xf32, #tpu.memory_space<vmem>>, %arg5: memref<157x128xf32, #tpu.memory_space<vmem>>, %arg6: memref<1x1xf32, #tpu.memory_space<vmem>>) attributes {dimension_semantics = [], scalar_prefetch = 0 : i64, scratch_operands = 0 : i64, tpu.core_type = #tpu.core_type<tc>} {
    %get3A = arith.constant 0 : index
    %get3A_0 = arith.constant 0 : index
    %get3A_1 = vector.load %arg3[%get3A, %get3A_0] : memref<1x4xf32, #tpu.memory_space<vmem>>, vector<1x1xf32>
    %get3A_2 = vector.extract %get3A_1[0, 0] : f32 from vector<1x1xf32>
    %get3A_3 = arith.constant 0 : index
    %get3A_4 = arith.constant 1 : index
    %get3A_5 = vector.load %arg3[%get3A_3, %get3A_4] : memref<1x4xf32, #tpu.memory_space<vmem>>, vector<1x1xf32>
    %get3A_6 = vector.extract %get3A_5[0, 0] : f32 from vector<1x1xf32>
    %get3A_7 = arith.constant 0 : index
    %get3A_8 = arith.constant 2 : index
    %get3A_9 = vector.load %arg3[%get3A_7, %get3A_8] : memref<1x4xf32, #tpu.memory_space<vmem>>, vector<1x1xf32>
    %get3A_10 = vector.extract %get3A_9[0, 0] : f32 from vector<1x1xf32>
    %get3A_11 = arith.constant 2 : index
    %get3A_12 = arith.constant 0 : index
    %get3A_13 = arith.constant 0 : index
    %get3A_14 = vector.load %arg1[%get3A_11, %get3A_12, %get3A_13] : memref<4x157x128xf32, #tpu.memory_space<vmem>>, vector<1x157x128xf32>
    %get3A_15 = vector.shape_cast %get3A_14 : vector<1x157x128xf32> to vector<157x128xf32>
    %get3A_16 = arith.constant 3 : index
    %get3A_17 = arith.constant 0 : index
    %get3A_18 = arith.constant 0 : index
    %get3A_19 = vector.load %arg1[%get3A_16, %get3A_17, %get3A_18] : memref<4x157x128xf32, #tpu.memory_space<vmem>>, vector<1x157x128xf32>
    %get3A_20 = vector.shape_cast %get3A_19 : vector<1x157x128xf32> to vector<157x128xf32>
    %get3A_21 = arith.constant 0 : index
    %get3A_22 = arith.constant 0 : index
    %get3A_23 = arith.constant 0 : index
    %get3A_24 = vector.load %arg0[%get3A_21, %get3A_22, %get3A_23] : memref<4x157x128xf32, #tpu.memory_space<vmem>>, vector<1x157x128xf32>
    %get3A_25 = vector.shape_cast %get3A_24 : vector<1x157x128xf32> to vector<157x128xf32>
    %mul3A = arith.mulf %get3A_25, %get3A_15 : vector<157x128xf32>
    %mul3A_26 = arith.constant 1.000000e-01 : f32
    %mul3A_27 = vector.broadcast %mul3A_26 : f32 to vector<157x128xf32>
    %mul3A_28 = arith.mulf %mul3A, %mul3A_27 : vector<157x128xf32>
    %get3A_29 = arith.constant 0 : index
    %get3A_30 = arith.constant 0 : index
    %get3A_31 = arith.constant 0 : index
    %get3A_32 = vector.load %arg1[%get3A_29, %get3A_30, %get3A_31] : memref<4x157x128xf32, #tpu.memory_space<vmem>>, vector<1x157x128xf32>
    %get3A_33 = vector.shape_cast %get3A_32 : vector<1x157x128xf32> to vector<157x128xf32>
    %add3A = arith.addf %mul3A_28, %get3A_33 : vector<157x128xf32>
    %get3A_34 = arith.constant 1 : index
    %get3A_35 = arith.constant 0 : index
    %get3A_36 = arith.constant 0 : index
    %get3A_37 = vector.load %arg0[%get3A_34, %get3A_35, %get3A_36] : memref<4x157x128xf32, #tpu.memory_space<vmem>>, vector<1x157x128xf32>
    %get3A_38 = vector.shape_cast %get3A_37 : vector<1x157x128xf32> to vector<157x128xf32>
    %mul3A_39 = arith.mulf %get3A_38, %get3A_20 : vector<157x128xf32>
    %mul3A_40 = arith.constant 1.000000e-01 : f32
    %mul3A_41 = vector.broadcast %mul3A_40 : f32 to vector<157x128xf32>
    %mul3A_42 = arith.mulf %mul3A_39, %mul3A_41 : vector<157x128xf32>
    %get3A_43 = arith.constant 1 : index
    %get3A_44 = arith.constant 0 : index
    %get3A_45 = arith.constant 0 : index
    %get3A_46 = vector.load %arg1[%get3A_43, %get3A_44, %get3A_45] : memref<4x157x128xf32, #tpu.memory_space<vmem>>, vector<1x157x128xf32>
    %get3A_47 = vector.shape_cast %get3A_46 : vector<1x157x128xf32> to vector<157x128xf32>
    %add3A_48 = arith.addf %mul3A_42, %get3A_47 : vector<157x128xf32>
    %get3A_49 = arith.constant 2 : index
    %get3A_50 = arith.constant 0 : index
    %get3A_51 = arith.constant 0 : index
    %get3A_52 = vector.load %arg0[%get3A_49, %get3A_50, %get3A_51] : memref<4x157x128xf32, #tpu.memory_space<vmem>>, vector<1x157x128xf32>
    %get3A_53 = vector.shape_cast %get3A_52 : vector<1x157x128xf32> to vector<157x128xf32>
    %mul3A_54 = arith.constant 2.000000e-01 : f32
    %mul3A_55 = vector.broadcast %mul3A_54 : f32 to vector<157x128xf32>
    %mul3A_56 = arith.mulf %get3A_53, %mul3A_55 : vector<157x128xf32>
    %exp3A = math.exp %mul3A_56 : vector<157x128xf32>
    %mul3A_57 = arith.mulf %exp3A, %get3A_15 : vector<157x128xf32>
    %get3A_58 = arith.constant 3 : index
    %get3A_59 = arith.constant 0 : index
    %get3A_60 = arith.constant 0 : index
    %get3A_61 = vector.load %arg0[%get3A_58, %get3A_59, %get3A_60] : memref<4x157x128xf32, #tpu.memory_space<vmem>>, vector<1x157x128xf32>
    %get3A_62 = vector.shape_cast %get3A_61 : vector<1x157x128xf32> to vector<157x128xf32>
    %mul3A_63 = arith.constant 2.000000e-01 : f32
    %mul3A_64 = vector.broadcast %mul3A_63 : f32 to vector<157x128xf32>
    %mul3A_65 = arith.mulf %get3A_62, %mul3A_64 : vector<157x128xf32>
    %exp3A_66 = math.exp %mul3A_65 : vector<157x128xf32>
    %mul3A_67 = arith.mulf %exp3A_66, %get3A_20 : vector<157x128xf32>
    %mul3A_68 = arith.constant 5.000000e-01 : f32
    %mul3A_69 = vector.broadcast %mul3A_68 : f32 to vector<157x128xf32>
    %mul3A_70 = arith.mulf %mul3A_57, %mul3A_69 : vector<157x128xf32>
    %sub3A = arith.subf %add3A, %mul3A_70 : vector<157x128xf32>
    %jit3A = arith.constant 0.000000e+00 : f32
    %max3A = vector.broadcast %jit3A : f32 to vector<157x128xf32>
    %max3A_71 = arith.maximumf %max3A, %sub3A : vector<157x128xf32>
    %min3A = vector.broadcast %get3A_2 : f32 to vector<157x128xf32>
    %min3A_72 = arith.minimumf %min3A, %max3A_71 : vector<157x128xf32>
    %mul3A_73 = arith.constant 5.000000e-01 : f32
    %mul3A_74 = vector.broadcast %mul3A_73 : f32 to vector<157x128xf32>
    %mul3A_75 = arith.mulf %mul3A_67, %mul3A_74 : vector<157x128xf32>
    %sub3A_76 = arith.subf %add3A_48, %mul3A_75 : vector<157x128xf32>
    %jit3A_77 = arith.constant 0.000000e+00 : f32
    %max3A_78 = vector.broadcast %jit3A_77 : f32 to vector<157x128xf32>
    %max3A_79 = arith.maximumf %max3A_78, %sub3A_76 : vector<157x128xf32>
    %min3A_80 = vector.broadcast %get3A_6 : f32 to vector<157x128xf32>
    %min3A_81 = arith.minimumf %min3A_80, %max3A_79 : vector<157x128xf32>
    %mul3A_82 = arith.constant 5.000000e-01 : f32
    %mul3A_83 = vector.broadcast %mul3A_82 : f32 to vector<157x128xf32>
    %mul3A_84 = arith.mulf %mul3A_57, %mul3A_83 : vector<157x128xf32>
    %add3A_85 = arith.addf %add3A, %mul3A_84 : vector<157x128xf32>
    %jit3A_86 = arith.constant 0.000000e+00 : f32
    %max3A_87 = vector.broadcast %jit3A_86 : f32 to vector<157x128xf32>
    %max3A_88 = arith.maximumf %max3A_87, %add3A_85 : vector<157x128xf32>
    %min3A_89 = vector.broadcast %get3A_2 : f32 to vector<157x128xf32>
    %min3A_90 = arith.minimumf %min3A_89, %max3A_88 : vector<157x128xf32>
    %mul3A_91 = arith.constant 5.000000e-01 : f32
    %mul3A_92 = vector.broadcast %mul3A_91 : f32 to vector<157x128xf32>
    %mul3A_93 = arith.mulf %mul3A_67, %mul3A_92 : vector<157x128xf32>
    %add3A_94 = arith.addf %add3A_48, %mul3A_93 : vector<157x128xf32>
    %jit3A_95 = arith.constant 0.000000e+00 : f32
    %max3A_96 = vector.broadcast %jit3A_95 : f32 to vector<157x128xf32>
    %max3A_97 = arith.maximumf %max3A_96, %add3A_94 : vector<157x128xf32>
    %min3A_98 = vector.broadcast %get3A_6 : f32 to vector<157x128xf32>
    %min3A_99 = arith.minimumf %min3A_98, %max3A_97 : vector<157x128xf32>
    %sub3A_100 = arith.subf %min3A_99, %min3A_81 : vector<157x128xf32>
    %ge3A = vector.broadcast %get3A_10 : f32 to vector<157x128xf32>
    %ge3A_101 = arith.cmpf oge, %sub3A_100, %ge3A : vector<157x128xf32>
    %sub3A_102 = arith.subf %min3A_90, %min3A_72 : vector<157x128xf32>
    %ge3A_103 = vector.broadcast %get3A_10 : f32 to vector<157x128xf32>
    %ge3A_104 = arith.cmpf oge, %sub3A_102, %ge3A_103 : vector<157x128xf32>
    %and3A = arith.andi %ge3A_101, %ge3A_104 : vector<157x128xi1>
    %iota3A = tpu.iota {dimensions = array<i32: 0>} : vector<157x128xi32>
    %iota3A_105 = tpu.iota {dimensions = array<i32: 1>} : vector<157x128xi32>
    %mul3A_106 = arith.constant 128 : i32
    %mul3A_107 = vector.broadcast %mul3A_106 : i32 to vector<157x128xi32>
    %mul3A_108 = arith.muli %iota3A, %mul3A_107 : vector<157x128xi32>
    %add3A_109 = arith.addi %mul3A_108, %iota3A_105 : vector<157x128xi32>
    %lt3A = arith.constant 20000 : i32
    %lt3A_110 = vector.broadcast %lt3A : i32 to vector<157x128xi32>
    %lt3A_111 = arith.cmpi slt, %add3A_109, %lt3A_110 : vector<157x128xi32>
    %and3A_112 = arith.andi %and3A, %lt3A_111 : vector<157x128xi1>
    %get3A_113 = arith.constant 0 : index
    %get3A_114 = arith.constant 0 : index
    %get3A_115 = vector.load %arg2[%get3A_113, %get3A_114] : memref<157x128xf32, #tpu.memory_space<vmem>>, vector<157x128xf32>
    %jit3A_116 = arith.constant 0xFF800000 : f32
    %broadcast_in_dim3A = vector.broadcast %jit3A_116 : f32 to vector<157x128xf32>
    %select_n3A = arith.select %and3A_112, %get3A_115, %broadcast_in_dim3A : vector<157x128xi1>, vector<157x128xf32>
    %swap3A = arith.constant 0 : index
    %swap3A_117 = arith.constant 0 : index
    %swap3A_118 = vector.load %arg5[%swap3A, %swap3A_117] : memref<157x128xf32, #tpu.memory_space<vmem>>, vector<157x128xf32>
    tpu.vector_store %arg5[%swap3A, %swap3A_117], %select_n3A {strides = array<i32>} : memref<157x128xf32, #tpu.memory_space<vmem>>, vector<157x128xf32>,
    %is_finite3A = tpu.weird %select_n3A : vector<157x128xf32> -> vector<157x128xi1>
    %is_finite3A_119 = arith.constant dense<true> : vector<157x128xi1>
    %is_finite3A_120 = arith.xori %is_finite3A, %is_finite3A_119 : vector<157x128xi1>
    %jit3A_121 = arith.constant 1.000000e+00 : f32
    %jit3A_122 = arith.constant 0.000000e+00 : f32
    %broadcast_in_dim3A_123 = vector.broadcast %jit3A_121 : f32 to vector<157x128xf32>
    %broadcast_in_dim3A_124 = vector.broadcast %jit3A_122 : f32 to vector<157x128xf32>
    %select_n3A_125 = arith.select %is_finite3A_120, %broadcast_in_dim3A_123, %broadcast_in_dim3A_124 : vector<157x128xi1>, vector<157x128xf32>
    %reduce_sum3A = vector.shape_cast %select_n3A_125 : vector<157x128xf32> to vector<1x157x128xf32>
    %reduce_sum3A_126 = arith.constant dense<0.000000e+00> : vector<1xf32>
    %reduce_sum3A_127 = vector.multi_reduction <add>, %reduce_sum3A, %reduce_sum3A_126 [1, 2] : vector<1x157x128xf32> to vector<1xf32>
    %reduce_sum3A_128 = vector.shape_cast %reduce_sum3A_127 : vector<1xf32> to vector<1x1x1xf32>
    %reduce_sum3A_129 = vector.extract %reduce_sum3A_128[0, 0, 0] : f32 from vector<1x1x1xf32>
    %broadcast_in_dim3A_130 = vector.broadcast %reduce_sum3A_129 : f32 to vector<1x1xf32>
    %swap3A_131 = arith.constant 0 : index
    %swap3A_132 = arith.constant 0 : index
    %swap3A_133 = vector.load %arg6[%swap3A_131, %swap3A_132] : memref<1x1xf32, #tpu.memory_space<vmem>>, vector<1x1xf32>
    tpu.vector_store %arg6[%swap3A_131, %swap3A_132], %broadcast_in_dim3A_130 {strides = array<i32>} : memref<1x1xf32, #tpu.memory_space<vmem>>, vector<1x1xf32>,
    %swap3A_134 = arith.constant 0 : index
    %swap3A_135 = arith.constant 0 : index
    %swap3A_136 = arith.constant 0 : index
    %swap3A_137 = vector.load %arg4[%swap3A_134, %swap3A_135, %swap3A_136] : memref<4x157x128xf32, #tpu.memory_space<vmem>>, vector<1x157x128xf32>
    %swap3A_138 = vector.shape_cast %swap3A_137 : vector<1x157x128xf32> to vector<157x128xf32>
    %swap3A_139 = vector.shape_cast %min3A_72 : vector<157x128xf32> to vector<1x157x128xf32>
    tpu.vector_store %arg4[%swap3A_134, %swap3A_135, %swap3A_136], %swap3A_139 {strides = array<i32>} : memref<4x157x128xf32, #tpu.memory_space<vmem>>, vector<1x157x128xf32>,
    %swap3A_140 = arith.constant 1 : index
    %swap3A_141 = arith.constant 0 : index
    %swap3A_142 = arith.constant 0 : index
    %swap3A_143 = vector.load %arg4[%swap3A_140, %swap3A_141, %swap3A_142] : memref<4x157x128xf32, #tpu.memory_space<vmem>>, vector<1x157x128xf32>
    %swap3A_144 = vector.shape_cast %swap3A_143 : vector<1x157x128xf32> to vector<157x128xf32>
    %swap3A_145 = vector.shape_cast %min3A_81 : vector<157x128xf32> to vector<1x157x128xf32>
    tpu.vector_store %arg4[%swap3A_140, %swap3A_141, %swap3A_142], %swap3A_145 {strides = array<i32>} : memref<4x157x128xf32, #tpu.memory_space<vmem>>, vector<1x157x128xf32>,
    %swap3A_146 = arith.constant 2 : index
    %swap3A_147 = arith.constant 0 : index
    %swap3A_148 = arith.constant 0 : index
    %swap3A_149 = vector.load %arg4[%swap3A_146, %swap3A_147, %swap3A_148] : memref<4x157x128xf32, #tpu.memory_space<vmem>>, vector<1x157x128xf32>
    %swap3A_150 = vector.shape_cast %swap3A_149 : vector<1x157x128xf32> to vector<157x128xf32>
    %swap3A_151 = vector.shape_cast %min3A_90 : vector<157x128xf32> to vector<1x157x128xf32>
    tpu.vector_store %arg4[%swap3A_146, %swap3A_147, %swap3A_148], %swap3A_151 {strides = array<i32>} : memref<4x157x128xf32, #tpu.memory_space<vmem>>, vector<1x157x128xf32>,
    %swap3A_152 = arith.constant 3 : index
    %swap3A_153 = arith.constant 0 : index
    %swap3A_154 = arith.constant 0 : index
    %swap3A_155 = vector.load %arg4[%swap3A_152, %swap3A_153, %swap3A_154] : memref<4x157x128xf32, #tpu.memory_space<vmem>>, vector<1x157x128xf32>
    %swap3A_156 = vector.shape_cast %swap3A_155 : vector<1x157x128xf32> to vector<157x128xf32>
    %swap3A_157 = vector.shape_cast %min3A_99 : vector<157x128xf32> to vector<1x157x128xf32>
    tpu.vector_store %arg4[%swap3A_152, %swap3A_153, %swap3A_154], %swap3A_157 {strides = array<i32>} : memref<4x157x128xf32, #tpu.memory_space<vmem>>, vector<1x157x128xf32>,
    return
  }
}

module attributes {stable_mosaic.version = 14 : i64} {
  func.func @_nms_kernel(%arg0: memref<20x128xf32, #tpu.memory_space<vmem>>, %arg1: memref<20x128xf32, #tpu.memory_space<vmem>>, %arg2: memref<20x128xf32, #tpu.memory_space<vmem>>, %arg3: memref<20x128xf32, #tpu.memory_space<vmem>>, %arg4: memref<20x128xf32, #tpu.memory_space<vmem>>, %arg5: memref<1x1xf32, #tpu.memory_space<vmem>>, %arg6: memref<20x128xf32, #tpu.memory_space<vmem>>) attributes {dimension_semantics = [], scalar_prefetch = 0 : i64, scratch_operands = 0 : i64, tpu.core_type = #tpu.core_type<tc>} {
    %get3A = arith.constant 0 : index
    %get3A_0 = arith.constant 0 : index
    %get3A_1 = vector.load %arg5[%get3A, %get3A_0] : memref<1x1xf32, #tpu.memory_space<vmem>>, vector<1x1xf32>
    %get3A_2 = vector.extract %get3A_1[0, 0] : f32 from vector<1x1xf32>
    %broadcast_in_dim3A = arith.constant 0.000000e+00 : f32
    %broadcast_in_dim3A_3 = vector.broadcast %broadcast_in_dim3A : f32 to vector<20x128xf32>
    %swap3A = arith.constant 0 : index
    %swap3A_4 = arith.constant 0 : index
    %swap3A_5 = vector.load %arg6[%swap3A, %swap3A_4] : memref<20x128xf32, #tpu.memory_space<vmem>>, vector<20x128xf32>
    tpu.vector_store %arg6[%swap3A, %swap3A_4], %broadcast_in_dim3A_3 {strides = array<i32>} : memref<20x128xf32, #tpu.memory_space<vmem>>, vector<20x128xf32>,
    %iota3A = tpu.iota {dimensions = array<i32: 0>} : vector<128x128xi32>
    %iota3A_6 = tpu.iota {dimensions = array<i32: 1>} : vector<128x128xi32>
    %eq3A = arith.cmpi eq, %iota3A, %iota3A_6 : vector<128x128xi32>
    %convert_element_type3A = arith.extui %eq3A : vector<128x128xi1> to vector<128x128xi32>
    %convert_element_type3A_7 = arith.sitofp %convert_element_type3A : vector<128x128xi32> to vector<128x128xf32>
    %iota3A_8 = tpu.iota {dimensions = array<i32: 0>} : vector<128x128xi32>
    %iota3A_9 = tpu.iota {dimensions = array<i32: 1>} : vector<128x128xi32>
    %while3A = arith.constant 0 : i32
    %while3A_10 = arith.constant 0.000000e+00 : f32
    %while3A_11:2 = scf.while (%while3A_12 = %while3A, %while3A_13 = %while3A_10) : (i32, f32) -> (i32, f32) {
      %lt3A = arith.constant 20 : i32
      %lt3A_14 = arith.cmpi slt, %while3A_12, %lt3A : i32
      %lt3A_15 = arith.constant 2.000000e+03 : f32
      %lt3A_16 = arith.cmpf olt, %while3A_13, %lt3A_15 : f32
      %and3A = arith.andi %lt3A_14, %lt3A_16 : i1
      scf.condition(%and3A) %while3A_12, %while3A_13 : i32, f32
    } do {
    ^bb0(%while3A_12: i32, %while3A_13: f32):
      %get3A_14 = arith.index_cast %while3A_12 : i32 to index
      %get3A_15 = arith.constant 0 : index
      %get3A_16 = vector.load %arg0[%get3A_14, %get3A_15] : memref<20x128xf32, #tpu.memory_space<vmem>>, vector<1x128xf32>
      %get3A_17 = arith.index_cast %while3A_12 : i32 to index
      %get3A_18 = arith.constant 0 : index
      %get3A_19 = vector.load %arg1[%get3A_17, %get3A_18] : memref<20x128xf32, #tpu.memory_space<vmem>>, vector<1x128xf32>
      %get3A_20 = arith.index_cast %while3A_12 : i32 to index
      %get3A_21 = arith.constant 0 : index
      %get3A_22 = vector.load %arg2[%get3A_20, %get3A_21] : memref<20x128xf32, #tpu.memory_space<vmem>>, vector<1x128xf32>
      %get3A_23 = arith.index_cast %while3A_12 : i32 to index
      %get3A_24 = arith.constant 0 : index
      %get3A_25 = vector.load %arg3[%get3A_23, %get3A_24] : memref<20x128xf32, #tpu.memory_space<vmem>>, vector<1x128xf32>
      %get3A_26 = arith.index_cast %while3A_12 : i32 to index
      %get3A_27 = arith.constant 0 : index
      %get3A_28 = vector.load %arg4[%get3A_26, %get3A_27] : memref<20x128xf32, #tpu.memory_space<vmem>>, vector<1x128xf32>
      %mul3A = vector.broadcast %get3A_16 : vector<1x128xf32> to vector<128x128xf32>
      %mul3A_29 = arith.mulf %mul3A, %convert_element_type3A_7 : vector<128x128xf32>
      %reduce_sum3A = arith.constant dense<0.000000e+00> : vector<128xf32>
      %reduce_sum3A_30 = vector.multi_reduction <add>, %mul3A_29, %reduce_sum3A [1] : vector<128x128xf32> to vector<128xf32>
      %broadcast_in_dim3A_31 = vector.shape_cast %reduce_sum3A_30 : vector<128xf32> to vector<128x1xf32>
      %mul3A_32 = vector.broadcast %get3A_19 : vector<1x128xf32> to vector<128x128xf32>
      %mul3A_33 = arith.mulf %mul3A_32, %convert_element_type3A_7 : vector<128x128xf32>
      %reduce_sum3A_34 = arith.constant dense<0.000000e+00> : vector<128xf32>
      %reduce_sum3A_35 = vector.multi_reduction <add>, %mul3A_33, %reduce_sum3A_34 [1] : vector<128x128xf32> to vector<128xf32>
      %broadcast_in_dim3A_36 = vector.shape_cast %reduce_sum3A_35 : vector<128xf32> to vector<128x1xf32>
      %mul3A_37 = vector.broadcast %get3A_22 : vector<1x128xf32> to vector<128x128xf32>
      %mul3A_38 = arith.mulf %mul3A_37, %convert_element_type3A_7 : vector<128x128xf32>
      %reduce_sum3A_39 = arith.constant dense<0.000000e+00> : vector<128xf32>
      %reduce_sum3A_40 = vector.multi_reduction <add>, %mul3A_38, %reduce_sum3A_39 [1] : vector<128x128xf32> to vector<128xf32>
      %broadcast_in_dim3A_41 = vector.shape_cast %reduce_sum3A_40 : vector<128xf32> to vector<128x1xf32>
      %mul3A_42 = vector.broadcast %get3A_25 : vector<1x128xf32> to vector<128x128xf32>
      %mul3A_43 = arith.mulf %mul3A_42, %convert_element_type3A_7 : vector<128x128xf32>
      %reduce_sum3A_44 = arith.constant dense<0.000000e+00> : vector<128xf32>
      %reduce_sum3A_45 = vector.multi_reduction <add>, %mul3A_43, %reduce_sum3A_44 [1] : vector<128x128xf32> to vector<128xf32>
      %broadcast_in_dim3A_46 = vector.shape_cast %reduce_sum3A_45 : vector<128xf32> to vector<128x1xf32>
      %sub3A = arith.subf %broadcast_in_dim3A_41, %broadcast_in_dim3A_31 : vector<128x1xf32>
      %max3A = arith.constant 0.000000e+00 : f32
      %max3A_47 = vector.broadcast %max3A : f32 to vector<128x1xf32>
      %max3A_48 = arith.maximumf %sub3A, %max3A_47 : vector<128x1xf32>
      %sub3A_49 = arith.subf %broadcast_in_dim3A_46, %broadcast_in_dim3A_36 : vector<128x1xf32>
      %max3A_50 = arith.constant 0.000000e+00 : f32
      %max3A_51 = vector.broadcast %max3A_50 : f32 to vector<128x1xf32>
      %max3A_52 = arith.maximumf %sub3A_49, %max3A_51 : vector<128x1xf32>
      %mul3A_53 = arith.mulf %max3A_48, %max3A_52 : vector<128x1xf32>
      %broadcast_in_dim3A_54 = arith.constant 0.000000e+00 : f32
      %broadcast_in_dim3A_55 = vector.broadcast %broadcast_in_dim3A_54 : f32 to vector<128x1xf32>
      %while3A_56 = arith.constant 0 : i32
      %while3A_57 = arith.subi %while3A_12, %while3A_56 : i32
      %while3A_58 = arith.addi %while3A_56, %while3A_57 : i32
      %while3A_59 = arith.constant 1 : i32
      %while3A_60 = arith.divsi %while3A_57, %while3A_59 : i32
      %while3A_61 = arith.muli %while3A_60, %while3A_59 : i32
      %while3A_62 = arith.addi %while3A_56, %while3A_61 : i32
      %while3A_63 = arith.constant 1 : i32
      %while3A_64 = scf.for %while3A_147 = %while3A_56 to %while3A_62 step %while3A_63 iter_args(%while3A_148 = %broadcast_in_dim3A_55) -> (vector<128x1xf32>)  : i32 {
        %get3A_149 = arith.index_cast %while3A_147 : i32 to index
        %get3A_150 = arith.constant 0 : index
        %get3A_151 = vector.load %arg0[%get3A_149, %get3A_150] : memref<20x128xf32, #tpu.memory_space<vmem>>, vector<1x128xf32>
        %get3A_152 = arith.index_cast %while3A_147 : i32 to index
        %get3A_153 = arith.constant 0 : index
        %get3A_154 = vector.load %arg1[%get3A_152, %get3A_153] : memref<20x128xf32, #tpu.memory_space<vmem>>, vector<1x128xf32>
        %get3A_155 = arith.index_cast %while3A_147 : i32 to index
        %get3A_156 = arith.constant 0 : index
        %get3A_157 = vector.load %arg2[%get3A_155, %get3A_156] : memref<20x128xf32, #tpu.memory_space<vmem>>, vector<1x128xf32>
        %get3A_158 = arith.index_cast %while3A_147 : i32 to index
        %get3A_159 = arith.constant 0 : index
        %get3A_160 = vector.load %arg3[%get3A_158, %get3A_159] : memref<20x128xf32, #tpu.memory_space<vmem>>, vector<1x128xf32>
        %get3A_161 = arith.index_cast %while3A_147 : i32 to index
        %get3A_162 = arith.constant 0 : index
        %get3A_163 = vector.load %arg6[%get3A_161, %get3A_162] : memref<20x128xf32, #tpu.memory_space<vmem>>, vector<1x128xf32>
        %sub3A_164 = arith.subf %get3A_157, %get3A_151 : vector<1x128xf32>
        %max3A_165 = arith.constant 0.000000e+00 : f32
        %max3A_166 = vector.broadcast %max3A_165 : f32 to vector<1x128xf32>
        %max3A_167 = arith.maximumf %sub3A_164, %max3A_166 : vector<1x128xf32>
        %sub3A_168 = arith.subf %get3A_160, %get3A_154 : vector<1x128xf32>
        %max3A_169 = arith.constant 0.000000e+00 : f32
        %max3A_170 = vector.broadcast %max3A_169 : f32 to vector<1x128xf32>
        %max3A_171 = arith.maximumf %sub3A_168, %max3A_170 : vector<1x128xf32>
        %mul3A_172 = arith.mulf %max3A_167, %max3A_171 : vector<1x128xf32>
        %min3A_173 = vector.broadcast %broadcast_in_dim3A_41 : vector<128x1xf32> to vector<128x128xf32>
        %min3A_174 = vector.broadcast %get3A_157 : vector<1x128xf32> to vector<128x128xf32>
        %min3A_175 = arith.minimumf %min3A_173, %min3A_174 : vector<128x128xf32>
        %max3A_176 = vector.broadcast %broadcast_in_dim3A_31 : vector<128x1xf32> to vector<128x128xf32>
        %max3A_177 = vector.broadcast %get3A_151 : vector<1x128xf32> to vector<128x128xf32>
        %max3A_178 = arith.maximumf %max3A_176, %max3A_177 : vector<128x128xf32>
        %sub3A_179 = arith.subf %min3A_175, %max3A_178 : vector<128x128xf32>
        %max3A_180 = arith.constant 0.000000e+00 : f32
        %max3A_181 = vector.broadcast %max3A_180 : f32 to vector<128x128xf32>
        %max3A_182 = arith.maximumf %sub3A_179, %max3A_181 : vector<128x128xf32>
        %min3A_183 = vector.broadcast %broadcast_in_dim3A_46 : vector<128x1xf32> to vector<128x128xf32>
        %min3A_184 = vector.broadcast %get3A_160 : vector<1x128xf32> to vector<128x128xf32>
        %min3A_185 = arith.minimumf %min3A_183, %min3A_184 : vector<128x128xf32>
        %max3A_186 = vector.broadcast %broadcast_in_dim3A_36 : vector<128x1xf32> to vector<128x128xf32>
        %max3A_187 = vector.broadcast %get3A_154 : vector<1x128xf32> to vector<128x128xf32>
        %max3A_188 = arith.maximumf %max3A_186, %max3A_187 : vector<128x128xf32>
        %sub3A_189 = arith.subf %min3A_185, %max3A_188 : vector<128x128xf32>
        %max3A_190 = arith.constant 0.000000e+00 : f32
        %max3A_191 = vector.broadcast %max3A_190 : f32 to vector<128x128xf32>
        %max3A_192 = arith.maximumf %sub3A_189, %max3A_191 : vector<128x128xf32>
        %mul3A_193 = arith.mulf %max3A_182, %max3A_192 : vector<128x128xf32>
        %add3A_194 = vector.broadcast %mul3A_53 : vector<128x1xf32> to vector<128x128xf32>
        %add3A_195 = vector.broadcast %mul3A_172 : vector<1x128xf32> to vector<128x128xf32>
        %add3A_196 = arith.addf %add3A_194, %add3A_195 : vector<128x128xf32>
        %sub3A_197 = arith.subf %add3A_196, %mul3A_193 : vector<128x128xf32>
        %add3A_198 = arith.constant 9.99999971E-10 : f32
        %add3A_199 = vector.broadcast %add3A_198 : f32 to vector<128x128xf32>
        %add3A_200 = arith.addf %sub3A_197, %add3A_199 : vector<128x128xf32>
        %div3A_201 = arith.divf %mul3A_193, %add3A_200 : vector<128x128xf32>
        %gt3A_202 = vector.broadcast %get3A_2 : f32 to vector<128x128xf32>
        %gt3A_203 = arith.cmpf ogt, %div3A_201, %gt3A_202 : vector<128x128xf32>
        %gt3A_204 = arith.constant 5.000000e-01 : f32
        %gt3A_205 = vector.broadcast %gt3A_204 : f32 to vector<1x128xf32>
        %gt3A_206 = arith.cmpf ogt, %get3A_163, %gt3A_205 : vector<1x128xf32>
        %and3A_207 = vector.broadcast %gt3A_206 : vector<1x128xi1> to vector<128x128xi1>
        %and3A_208 = arith.andi %gt3A_203, %and3A_207 : vector<128x128xi1>
        %jit3A_209 = arith.constant 1.000000e+00 : f32
        %jit3A_210 = arith.constant 0.000000e+00 : f32
        %broadcast_in_dim3A_211 = vector.broadcast %jit3A_209 : f32 to vector<128x128xf32>
        %broadcast_in_dim3A_212 = vector.broadcast %jit3A_210 : f32 to vector<128x128xf32>
        %select_n3A_213 = arith.select %and3A_208, %broadcast_in_dim3A_211, %broadcast_in_dim3A_212 : vector<128x128xi1>, vector<128x128xf32>
        %reduce_max3A = arith.constant dense<0xFF800000> : vector<128xf32>
        %reduce_max3A_214 = vector.multi_reduction <maximumf>, %select_n3A_213, %reduce_max3A [1] : vector<128x128xf32> to vector<128xf32>
        %broadcast_in_dim3A_215 = vector.shape_cast %reduce_max3A_214 : vector<128xf32> to vector<128x1xf32>
        %max3A_216 = arith.maximumf %while3A_148, %broadcast_in_dim3A_215 : vector<128x1xf32>
        scf.yield %max3A_216 : vector<128x1xf32>
      }
      %while3A_65 = arith.constant 1 : i32
      %while3A_66 = scf.for %while3A_147 = %while3A_62 to %while3A_58 step %while3A_65 iter_args(%while3A_148 = %while3A_64) -> (vector<128x1xf32>)  : i32 {
        %get3A_149 = arith.index_cast %while3A_147 : i32 to index
        %get3A_150 = arith.constant 0 : index
        %get3A_151 = vector.load %arg0[%get3A_149, %get3A_150] : memref<20x128xf32, #tpu.memory_space<vmem>>, vector<1x128xf32>
        %get3A_152 = arith.index_cast %while3A_147 : i32 to index
        %get3A_153 = arith.constant 0 : index
        %get3A_154 = vector.load %arg1[%get3A_152, %get3A_153] : memref<20x128xf32, #tpu.memory_space<vmem>>, vector<1x128xf32>
        %get3A_155 = arith.index_cast %while3A_147 : i32 to index
        %get3A_156 = arith.constant 0 : index
        %get3A_157 = vector.load %arg2[%get3A_155, %get3A_156] : memref<20x128xf32, #tpu.memory_space<vmem>>, vector<1x128xf32>
        %get3A_158 = arith.index_cast %while3A_147 : i32 to index
        %get3A_159 = arith.constant 0 : index
        %get3A_160 = vector.load %arg3[%get3A_158, %get3A_159] : memref<20x128xf32, #tpu.memory_space<vmem>>, vector<1x128xf32>
        %get3A_161 = arith.index_cast %while3A_147 : i32 to index
        %get3A_162 = arith.constant 0 : index
        %get3A_163 = vector.load %arg6[%get3A_161, %get3A_162] : memref<20x128xf32, #tpu.memory_space<vmem>>, vector<1x128xf32>
        %sub3A_164 = arith.subf %get3A_157, %get3A_151 : vector<1x128xf32>
        %max3A_165 = arith.constant 0.000000e+00 : f32
        %max3A_166 = vector.broadcast %max3A_165 : f32 to vector<1x128xf32>
        %max3A_167 = arith.maximumf %sub3A_164, %max3A_166 : vector<1x128xf32>
        %sub3A_168 = arith.subf %get3A_160, %get3A_154 : vector<1x128xf32>
        %max3A_169 = arith.constant 0.000000e+00 : f32
        %max3A_170 = vector.broadcast %max3A_169 : f32 to vector<1x128xf32>
        %max3A_171 = arith.maximumf %sub3A_168, %max3A_170 : vector<1x128xf32>
        %mul3A_172 = arith.mulf %max3A_167, %max3A_171 : vector<1x128xf32>
        %min3A_173 = vector.broadcast %broadcast_in_dim3A_41 : vector<128x1xf32> to vector<128x128xf32>
        %min3A_174 = vector.broadcast %get3A_157 : vector<1x128xf32> to vector<128x128xf32>
        %min3A_175 = arith.minimumf %min3A_173, %min3A_174 : vector<128x128xf32>
        %max3A_176 = vector.broadcast %broadcast_in_dim3A_31 : vector<128x1xf32> to vector<128x128xf32>
        %max3A_177 = vector.broadcast %get3A_151 : vector<1x128xf32> to vector<128x128xf32>
        %max3A_178 = arith.maximumf %max3A_176, %max3A_177 : vector<128x128xf32>
        %sub3A_179 = arith.subf %min3A_175, %max3A_178 : vector<128x128xf32>
        %max3A_180 = arith.constant 0.000000e+00 : f32
        %max3A_181 = vector.broadcast %max3A_180 : f32 to vector<128x128xf32>
        %max3A_182 = arith.maximumf %sub3A_179, %max3A_181 : vector<128x128xf32>
        %min3A_183 = vector.broadcast %broadcast_in_dim3A_46 : vector<128x1xf32> to vector<128x128xf32>
        %min3A_184 = vector.broadcast %get3A_160 : vector<1x128xf32> to vector<128x128xf32>
        %min3A_185 = arith.minimumf %min3A_183, %min3A_184 : vector<128x128xf32>
        %max3A_186 = vector.broadcast %broadcast_in_dim3A_36 : vector<128x1xf32> to vector<128x128xf32>
        %max3A_187 = vector.broadcast %get3A_154 : vector<1x128xf32> to vector<128x128xf32>
        %max3A_188 = arith.maximumf %max3A_186, %max3A_187 : vector<128x128xf32>
        %sub3A_189 = arith.subf %min3A_185, %max3A_188 : vector<128x128xf32>
        %max3A_190 = arith.constant 0.000000e+00 : f32
        %max3A_191 = vector.broadcast %max3A_190 : f32 to vector<128x128xf32>
        %max3A_192 = arith.maximumf %sub3A_189, %max3A_191 : vector<128x128xf32>
        %mul3A_193 = arith.mulf %max3A_182, %max3A_192 : vector<128x128xf32>
        %add3A_194 = vector.broadcast %mul3A_53 : vector<128x1xf32> to vector<128x128xf32>
        %add3A_195 = vector.broadcast %mul3A_172 : vector<1x128xf32> to vector<128x128xf32>
        %add3A_196 = arith.addf %add3A_194, %add3A_195 : vector<128x128xf32>
        %sub3A_197 = arith.subf %add3A_196, %mul3A_193 : vector<128x128xf32>
        %add3A_198 = arith.constant 9.99999971E-10 : f32
        %add3A_199 = vector.broadcast %add3A_198 : f32 to vector<128x128xf32>
        %add3A_200 = arith.addf %sub3A_197, %add3A_199 : vector<128x128xf32>
        %div3A_201 = arith.divf %mul3A_193, %add3A_200 : vector<128x128xf32>
        %gt3A_202 = vector.broadcast %get3A_2 : f32 to vector<128x128xf32>
        %gt3A_203 = arith.cmpf ogt, %div3A_201, %gt3A_202 : vector<128x128xf32>
        %gt3A_204 = arith.constant 5.000000e-01 : f32
        %gt3A_205 = vector.broadcast %gt3A_204 : f32 to vector<1x128xf32>
        %gt3A_206 = arith.cmpf ogt, %get3A_163, %gt3A_205 : vector<1x128xf32>
        %and3A_207 = vector.broadcast %gt3A_206 : vector<1x128xi1> to vector<128x128xi1>
        %and3A_208 = arith.andi %gt3A_203, %and3A_207 : vector<128x128xi1>
        %jit3A_209 = arith.constant 1.000000e+00 : f32
        %jit3A_210 = arith.constant 0.000000e+00 : f32
        %broadcast_in_dim3A_211 = vector.broadcast %jit3A_209 : f32 to vector<128x128xf32>
        %broadcast_in_dim3A_212 = vector.broadcast %jit3A_210 : f32 to vector<128x128xf32>
        %select_n3A_213 = arith.select %and3A_208, %broadcast_in_dim3A_211, %broadcast_in_dim3A_212 : vector<128x128xi1>, vector<128x128xf32>
        %reduce_max3A = arith.constant dense<0xFF800000> : vector<128xf32>
        %reduce_max3A_214 = vector.multi_reduction <maximumf>, %select_n3A_213, %reduce_max3A [1] : vector<128x128xf32> to vector<128xf32>
        %broadcast_in_dim3A_215 = vector.shape_cast %reduce_max3A_214 : vector<128xf32> to vector<128x1xf32>
        %max3A_216 = arith.maximumf %while3A_148, %broadcast_in_dim3A_215 : vector<128x1xf32>
        scf.yield %max3A_216 : vector<128x1xf32>
      }
      %mul3A_67 = vector.broadcast %while3A_66 : vector<128x1xf32> to vector<128x128xf32>
      %mul3A_68 = arith.mulf %mul3A_67, %convert_element_type3A_7 : vector<128x128xf32>
      %reduce_sum3A_69 = arith.constant dense<0.000000e+00> : vector<128xf32>
      %reduce_sum3A_70 = vector.multi_reduction <add>, %mul3A_68, %reduce_sum3A_69 [0] : vector<128x128xf32> to vector<128xf32>
      %broadcast_in_dim3A_71 = vector.shape_cast %reduce_sum3A_70 : vector<128xf32> to vector<1x128xf32>
      %sub3A_72 = arith.subf %get3A_22, %get3A_16 : vector<1x128xf32>
      %max3A_73 = arith.constant 0.000000e+00 : f32
      %max3A_74 = vector.broadcast %max3A_73 : f32 to vector<1x128xf32>
      %max3A_75 = arith.maximumf %sub3A_72, %max3A_74 : vector<1x128xf32>
      %sub3A_76 = arith.subf %get3A_25, %get3A_19 : vector<1x128xf32>
      %max3A_77 = arith.constant 0.000000e+00 : f32
      %max3A_78 = vector.broadcast %max3A_77 : f32 to vector<1x128xf32>
      %max3A_79 = arith.maximumf %sub3A_76, %max3A_78 : vector<1x128xf32>
      %mul3A_80 = arith.mulf %max3A_75, %max3A_79 : vector<1x128xf32>
      %min3A = vector.broadcast %broadcast_in_dim3A_41 : vector<128x1xf32> to vector<128x128xf32>
      %min3A_81 = vector.broadcast %get3A_22 : vector<1x128xf32> to vector<128x128xf32>
      %min3A_82 = arith.minimumf %min3A, %min3A_81 : vector<128x128xf32>
      %max3A_83 = vector.broadcast %broadcast_in_dim3A_31 : vector<128x1xf32> to vector<128x128xf32>
      %max3A_84 = vector.broadcast %get3A_16 : vector<1x128xf32> to vector<128x128xf32>
      %max3A_85 = arith.maximumf %max3A_83, %max3A_84 : vector<128x128xf32>
      %sub3A_86 = arith.subf %min3A_82, %max3A_85 : vector<128x128xf32>
      %max3A_87 = arith.constant 0.000000e+00 : f32
      %max3A_88 = vector.broadcast %max3A_87 : f32 to vector<128x128xf32>
      %max3A_89 = arith.maximumf %sub3A_86, %max3A_88 : vector<128x128xf32>
      %min3A_90 = vector.broadcast %broadcast_in_dim3A_46 : vector<128x1xf32> to vector<128x128xf32>
      %min3A_91 = vector.broadcast %get3A_25 : vector<1x128xf32> to vector<128x128xf32>
      %min3A_92 = arith.minimumf %min3A_90, %min3A_91 : vector<128x128xf32>
      %max3A_93 = vector.broadcast %broadcast_in_dim3A_36 : vector<128x1xf32> to vector<128x128xf32>
      %max3A_94 = vector.broadcast %get3A_19 : vector<1x128xf32> to vector<128x128xf32>
      %max3A_95 = arith.maximumf %max3A_93, %max3A_94 : vector<128x128xf32>
      %sub3A_96 = arith.subf %min3A_92, %max3A_95 : vector<128x128xf32>
      %max3A_97 = arith.constant 0.000000e+00 : f32
      %max3A_98 = vector.broadcast %max3A_97 : f32 to vector<128x128xf32>
      %max3A_99 = arith.maximumf %sub3A_96, %max3A_98 : vector<128x128xf32>
      %mul3A_100 = arith.mulf %max3A_89, %max3A_99 : vector<128x128xf32>
      %add3A = vector.broadcast %mul3A_53 : vector<128x1xf32> to vector<128x128xf32>
      %add3A_101 = vector.broadcast %mul3A_80 : vector<1x128xf32> to vector<128x128xf32>
      %add3A_102 = arith.addf %add3A, %add3A_101 : vector<128x128xf32>
      %sub3A_103 = arith.subf %add3A_102, %mul3A_100 : vector<128x128xf32>
      %add3A_104 = arith.constant 9.99999971E-10 : f32
      %add3A_105 = vector.broadcast %add3A_104 : f32 to vector<128x128xf32>
      %add3A_106 = arith.addf %sub3A_103, %add3A_105 : vector<128x128xf32>
      %div3A = arith.divf %mul3A_100, %add3A_106 : vector<128x128xf32>
      %gt3A = vector.broadcast %get3A_2 : f32 to vector<128x128xf32>
      %gt3A_107 = arith.cmpf ogt, %div3A, %gt3A : vector<128x128xf32>
      %jit3A = arith.constant 1.000000e+00 : f32
      %jit3A_108 = arith.constant 0.000000e+00 : f32
      %broadcast_in_dim3A_109 = vector.broadcast %jit3A : f32 to vector<128x128xf32>
      %broadcast_in_dim3A_110 = vector.broadcast %jit3A_108 : f32 to vector<128x128xf32>
      %select_n3A = arith.select %gt3A_107, %broadcast_in_dim3A_109, %broadcast_in_dim3A_110 : vector<128x128xi1>, vector<128x128xf32>
      %gt3A_111 = arith.cmpi sgt, %iota3A_9, %iota3A_8 : vector<128x128xi32>
      %jit3A_112 = arith.constant 0.000000e+00 : f32
      %broadcast_in_dim3A_113 = vector.broadcast %jit3A_112 : f32 to vector<128x128xf32>
      %select_n3A_114 = arith.select %gt3A_111, %select_n3A, %broadcast_in_dim3A_113 : vector<128x128xi1>, vector<128x128xf32>
      %lt3A = arith.cmpi slt, %iota3A_9, %iota3A_8 : vector<128x128xi32>
      %jit3A_115 = arith.constant 0.000000e+00 : f32
      %broadcast_in_dim3A_116 = vector.broadcast %jit3A_115 : f32 to vector<128x128xf32>
      %select_n3A_117 = arith.select %lt3A, %select_n3A, %broadcast_in_dim3A_116 : vector<128x128xi1>, vector<128x128xf32>
      %is_finite3A = tpu.weird %get3A_28 : vector<1x128xf32> -> vector<1x128xi1>
      %is_finite3A_118 = arith.constant dense<true> : vector<1x128xi1>
      %is_finite3A_119 = arith.xori %is_finite3A, %is_finite3A_118 : vector<1x128xi1>
      %lt3A_120 = arith.constant 5.000000e-01 : f32
      %lt3A_121 = vector.broadcast %lt3A_120 : f32 to vector<1x128xf32>
      %lt3A_122 = arith.cmpf olt, %broadcast_in_dim3A_71, %lt3A_121 : vector<1x128xf32>
      %and3A = arith.andi %is_finite3A_119, %lt3A_122 : vector<1x128xi1>
      %jit3A_123 = arith.constant 1.000000e+00 : f32
      %jit3A_124 = arith.constant 0.000000e+00 : f32
      %broadcast_in_dim3A_125 = vector.broadcast %jit3A_123 : f32 to vector<1x128xf32>
      %broadcast_in_dim3A_126 = vector.broadcast %jit3A_124 : f32 to vector<1x128xf32>
      %select_n3A_127 = arith.select %and3A, %broadcast_in_dim3A_125, %broadcast_in_dim3A_126 : vector<1x128xi1>, vector<1x128xf32>
      %mul3A_128 = vector.broadcast %select_n3A_127 : vector<1x128xf32> to vector<128x128xf32>
      %mul3A_129 = arith.mulf %mul3A_128, %convert_element_type3A_7 : vector<128x128xf32>
      %reduce_sum3A_130 = arith.constant dense<0.000000e+00> : vector<128xf32>
      %reduce_sum3A_131 = vector.multi_reduction <add>, %mul3A_129, %reduce_sum3A_130 [1] : vector<128x128xf32> to vector<128xf32>
      %broadcast_in_dim3A_132 = vector.shape_cast %reduce_sum3A_131 : vector<128xf32> to vector<128x1xf32>
      %while3A_133 = arith.constant 0 : i32
      %while3A_134 = arith.constant true
      %while3A_135:4 = scf.while (%while3A_147 = %while3A_133, %while3A_148 = %while3A_134, %while3A_149 = %select_n3A_127, %while3A_150 = %broadcast_in_dim3A_132) : (i32, i1, vector<1x128xf32>, vector<128x1xf32>) -> (i32, i1, vector<1x128xf32>, vector<128x1xf32>) {
        %lt3A_151 = arith.constant 64 : i32
        %lt3A_152 = arith.cmpi slt, %while3A_147, %lt3A_151 : i32
        %and3A_153 = arith.andi %while3A_148, %lt3A_152 : i1
        scf.condition(%and3A_153) %while3A_147, %while3A_148, %while3A_149, %while3A_150 : i32, i1, vector<1x128xf32>, vector<128x1xf32>
      } do {
      ^bb0(%while3A_147: i32, %while3A_148: i1, %while3A_149: vector<1x128xf32>, %while3A_150: vector<128x1xf32>):
        %mul3A_151 = vector.broadcast %while3A_149 : vector<1x128xf32> to vector<128x128xf32>
        %mul3A_152 = arith.mulf %select_n3A_117, %mul3A_151 : vector<128x128xf32>
        %reduce_max3A = arith.constant dense<0xFF800000> : vector<128xf32>
        %reduce_max3A_153 = vector.multi_reduction <maximumf>, %mul3A_152, %reduce_max3A [1] : vector<128x128xf32> to vector<128xf32>
        %broadcast_in_dim3A_154 = vector.shape_cast %reduce_max3A_153 : vector<128xf32> to vector<128x1xf32>
        %gt3A_155 = arith.constant 5.000000e-01 : f32
        %gt3A_156 = vector.broadcast %gt3A_155 : f32 to vector<128x1xf32>
        %gt3A_157 = arith.cmpf ogt, %broadcast_in_dim3A_154, %gt3A_156 : vector<128x1xf32>
        %jit3A_158 = arith.constant 0.000000e+00 : f32
        %jit3A_159 = arith.constant 1.000000e+00 : f32
        %broadcast_in_dim3A_160 = vector.broadcast %jit3A_158 : f32 to vector<128x1xf32>
        %broadcast_in_dim3A_161 = vector.broadcast %jit3A_159 : f32 to vector<128x1xf32>
        %select_n3A_162 = arith.select %gt3A_157, %broadcast_in_dim3A_160, %broadcast_in_dim3A_161 : vector<128x1xi1>, vector<128x1xf32>
        %mul3A_163 = arith.mulf %broadcast_in_dim3A_132, %select_n3A_162 : vector<128x1xf32>
        %mul3A_164 = vector.broadcast %mul3A_163 : vector<128x1xf32> to vector<128x128xf32>
        %mul3A_165 = arith.mulf %select_n3A_114, %mul3A_164 : vector<128x128xf32>
        %reduce_max3A_166 = arith.constant dense<0xFF800000> : vector<128xf32>
        %reduce_max3A_167 = vector.multi_reduction <maximumf>, %mul3A_165, %reduce_max3A_166 [0] : vector<128x128xf32> to vector<128xf32>
        %broadcast_in_dim3A_168 = vector.shape_cast %reduce_max3A_167 : vector<128xf32> to vector<1x128xf32>
        %gt3A_169 = arith.constant 5.000000e-01 : f32
        %gt3A_170 = vector.broadcast %gt3A_169 : f32 to vector<1x128xf32>
        %gt3A_171 = arith.cmpf ogt, %broadcast_in_dim3A_168, %gt3A_170 : vector<1x128xf32>
        %jit3A_172 = arith.constant 0.000000e+00 : f32
        %jit3A_173 = arith.constant 1.000000e+00 : f32
        %broadcast_in_dim3A_174 = vector.broadcast %jit3A_172 : f32 to vector<1x128xf32>
        %broadcast_in_dim3A_175 = vector.broadcast %jit3A_173 : f32 to vector<1x128xf32>
        %select_n3A_176 = arith.select %gt3A_171, %broadcast_in_dim3A_174, %broadcast_in_dim3A_175 : vector<1x128xi1>, vector<1x128xf32>
        %mul3A_177 = arith.mulf %select_n3A_127, %select_n3A_176 : vector<1x128xf32>
        %sub3A_178 = arith.subf %mul3A_163, %while3A_150 : vector<128x1xf32>
        %abs3A = math.absf %sub3A_178 : vector<128x1xf32>
        %reduce_max3A_179 = vector.shape_cast %abs3A : vector<128x1xf32> to vector<1x128x1xf32>
        %reduce_max3A_180 = arith.constant dense<0xFF800000> : vector<1xf32>
        %reduce_max3A_181 = vector.multi_reduction <maximumf>, %reduce_max3A_179, %reduce_max3A_180 [1, 2] : vector<1x128x1xf32> to vector<1xf32>
        %reduce_max3A_182 = vector.shape_cast %reduce_max3A_181 : vector<1xf32> to vector<1x1x1xf32>
        %reduce_max3A_183 = vector.extract %reduce_max3A_182[0, 0, 0] : f32 from vector<1x1x1xf32>
        %gt3A_184 = arith.constant 0.000000e+00 : f32
        %gt3A_185 = arith.cmpf ogt, %reduce_max3A_183, %gt3A_184 : f32
        %add3A_186 = arith.constant 1 : i32
        %add3A_187 = arith.addi %while3A_147, %add3A_186 : i32
        scf.yield %add3A_187, %gt3A_185, %mul3A_177, %mul3A_163 : i32, i1, vector<1x128xf32>, vector<128x1xf32>
      }
      %swap3A_136 = arith.index_cast %while3A_12 : i32 to index
      %swap3A_137 = arith.constant 0 : index
      %swap3A_138 = vector.load %arg6[%swap3A_136, %swap3A_137] : memref<20x128xf32, #tpu.memory_space<vmem>>, vector<1x128xf32>
      tpu.vector_store %arg6[%swap3A_136, %swap3A_137], %while3A_135#2 {strides = array<i32>} : memref<20x128xf32, #tpu.memory_space<vmem>>, vector<1x128xf32>,
      %add3A_139 = arith.constant 1 : i32
      %add3A_140 = arith.addi %while3A_12, %add3A_139 : i32
      %reduce_sum3A_141 = vector.shape_cast %while3A_135#2 : vector<1x128xf32> to vector<1x1x128xf32>
      %reduce_sum3A_142 = arith.constant dense<0.000000e+00> : vector<1xf32>
      %reduce_sum3A_143 = vector.multi_reduction <add>, %reduce_sum3A_141, %reduce_sum3A_142 [1, 2] : vector<1x1x128xf32> to vector<1xf32>
      %reduce_sum3A_144 = vector.shape_cast %reduce_sum3A_143 : vector<1xf32> to vector<1x1x1xf32>
      %reduce_sum3A_145 = vector.extract %reduce_sum3A_144[0, 0, 0] : f32 from vector<1x1x1xf32>
      %add3A_146 = arith.addf %while3A_13, %reduce_sum3A_145 : f32
      scf.yield %add3A_140, %add3A_146 : i32, f32
    }
    return
  }
}

module attributes {stable_mosaic.version = 14 : i64} {
  func.func @_nms_kernel(%arg0: memref<94x128xf32, #tpu.memory_space<vmem>>, %arg1: memref<94x128xf32, #tpu.memory_space<vmem>>, %arg2: memref<94x128xf32, #tpu.memory_space<vmem>>, %arg3: memref<94x128xf32, #tpu.memory_space<vmem>>, %arg4: memref<94x128xf32, #tpu.memory_space<vmem>>, %arg5: memref<1x1xf32, #tpu.memory_space<vmem>>, %arg6: memref<94x128xf32, #tpu.memory_space<vmem>>) attributes {dimension_semantics = [], scalar_prefetch = 0 : i64, scratch_operands = 0 : i64, tpu.core_type = #tpu.core_type<tc>} {
    %get3A = arith.constant 0 : index
    %get3A_0 = arith.constant 0 : index
    %get3A_1 = vector.load %arg5[%get3A, %get3A_0] : memref<1x1xf32, #tpu.memory_space<vmem>>, vector<1x1xf32>
    %get3A_2 = vector.extract %get3A_1[0, 0] : f32 from vector<1x1xf32>
    %broadcast_in_dim3A = arith.constant 0.000000e+00 : f32
    %broadcast_in_dim3A_3 = vector.broadcast %broadcast_in_dim3A : f32 to vector<94x128xf32>
    %swap3A = arith.constant 0 : index
    %swap3A_4 = arith.constant 0 : index
    %swap3A_5 = vector.load %arg6[%swap3A, %swap3A_4] : memref<94x128xf32, #tpu.memory_space<vmem>>, vector<94x128xf32>
    tpu.vector_store %arg6[%swap3A, %swap3A_4], %broadcast_in_dim3A_3 {strides = array<i32>} : memref<94x128xf32, #tpu.memory_space<vmem>>, vector<94x128xf32>,
    %iota3A = tpu.iota {dimensions = array<i32: 0>} : vector<128x128xi32>
    %iota3A_6 = tpu.iota {dimensions = array<i32: 1>} : vector<128x128xi32>
    %eq3A = arith.cmpi eq, %iota3A, %iota3A_6 : vector<128x128xi32>
    %convert_element_type3A = arith.extui %eq3A : vector<128x128xi1> to vector<128x128xi32>
    %convert_element_type3A_7 = arith.sitofp %convert_element_type3A : vector<128x128xi32> to vector<128x128xf32>
    %iota3A_8 = tpu.iota {dimensions = array<i32: 0>} : vector<128x128xi32>
    %iota3A_9 = tpu.iota {dimensions = array<i32: 1>} : vector<128x128xi32>
    %while3A = arith.constant 0 : i32
    %while3A_10 = arith.constant 0.000000e+00 : f32
    %while3A_11:2 = scf.while (%while3A_12 = %while3A, %while3A_13 = %while3A_10) : (i32, f32) -> (i32, f32) {
      %lt3A = arith.constant 94 : i32
      %lt3A_14 = arith.cmpi slt, %while3A_12, %lt3A : i32
      %lt3A_15 = arith.constant 2.000000e+03 : f32
      %lt3A_16 = arith.cmpf olt, %while3A_13, %lt3A_15 : f32
      %and3A = arith.andi %lt3A_14, %lt3A_16 : i1
      scf.condition(%and3A) %while3A_12, %while3A_13 : i32, f32
    } do {
    ^bb0(%while3A_12: i32, %while3A_13: f32):
      %get3A_14 = arith.index_cast %while3A_12 : i32 to index
      %get3A_15 = arith.constant 0 : index
      %get3A_16 = vector.load %arg0[%get3A_14, %get3A_15] : memref<94x128xf32, #tpu.memory_space<vmem>>, vector<1x128xf32>
      %get3A_17 = arith.index_cast %while3A_12 : i32 to index
      %get3A_18 = arith.constant 0 : index
      %get3A_19 = vector.load %arg1[%get3A_17, %get3A_18] : memref<94x128xf32, #tpu.memory_space<vmem>>, vector<1x128xf32>
      %get3A_20 = arith.index_cast %while3A_12 : i32 to index
      %get3A_21 = arith.constant 0 : index
      %get3A_22 = vector.load %arg2[%get3A_20, %get3A_21] : memref<94x128xf32, #tpu.memory_space<vmem>>, vector<1x128xf32>
      %get3A_23 = arith.index_cast %while3A_12 : i32 to index
      %get3A_24 = arith.constant 0 : index
      %get3A_25 = vector.load %arg3[%get3A_23, %get3A_24] : memref<94x128xf32, #tpu.memory_space<vmem>>, vector<1x128xf32>
      %get3A_26 = arith.index_cast %while3A_12 : i32 to index
      %get3A_27 = arith.constant 0 : index
      %get3A_28 = vector.load %arg4[%get3A_26, %get3A_27] : memref<94x128xf32, #tpu.memory_space<vmem>>, vector<1x128xf32>
      %mul3A = vector.broadcast %get3A_16 : vector<1x128xf32> to vector<128x128xf32>
      %mul3A_29 = arith.mulf %mul3A, %convert_element_type3A_7 : vector<128x128xf32>
      %reduce_sum3A = arith.constant dense<0.000000e+00> : vector<128xf32>
      %reduce_sum3A_30 = vector.multi_reduction <add>, %mul3A_29, %reduce_sum3A [1] : vector<128x128xf32> to vector<128xf32>
      %broadcast_in_dim3A_31 = vector.shape_cast %reduce_sum3A_30 : vector<128xf32> to vector<128x1xf32>
      %mul3A_32 = vector.broadcast %get3A_19 : vector<1x128xf32> to vector<128x128xf32>
      %mul3A_33 = arith.mulf %mul3A_32, %convert_element_type3A_7 : vector<128x128xf32>
      %reduce_sum3A_34 = arith.constant dense<0.000000e+00> : vector<128xf32>
      %reduce_sum3A_35 = vector.multi_reduction <add>, %mul3A_33, %reduce_sum3A_34 [1] : vector<128x128xf32> to vector<128xf32>
      %broadcast_in_dim3A_36 = vector.shape_cast %reduce_sum3A_35 : vector<128xf32> to vector<128x1xf32>
      %mul3A_37 = vector.broadcast %get3A_22 : vector<1x128xf32> to vector<128x128xf32>
      %mul3A_38 = arith.mulf %mul3A_37, %convert_element_type3A_7 : vector<128x128xf32>
      %reduce_sum3A_39 = arith.constant dense<0.000000e+00> : vector<128xf32>
      %reduce_sum3A_40 = vector.multi_reduction <add>, %mul3A_38, %reduce_sum3A_39 [1] : vector<128x128xf32> to vector<128xf32>
      %broadcast_in_dim3A_41 = vector.shape_cast %reduce_sum3A_40 : vector<128xf32> to vector<128x1xf32>
      %mul3A_42 = vector.broadcast %get3A_25 : vector<1x128xf32> to vector<128x128xf32>
      %mul3A_43 = arith.mulf %mul3A_42, %convert_element_type3A_7 : vector<128x128xf32>
      %reduce_sum3A_44 = arith.constant dense<0.000000e+00> : vector<128xf32>
      %reduce_sum3A_45 = vector.multi_reduction <add>, %mul3A_43, %reduce_sum3A_44 [1] : vector<128x128xf32> to vector<128xf32>
      %broadcast_in_dim3A_46 = vector.shape_cast %reduce_sum3A_45 : vector<128xf32> to vector<128x1xf32>
      %sub3A = arith.subf %broadcast_in_dim3A_41, %broadcast_in_dim3A_31 : vector<128x1xf32>
      %max3A = arith.constant 0.000000e+00 : f32
      %max3A_47 = vector.broadcast %max3A : f32 to vector<128x1xf32>
      %max3A_48 = arith.maximumf %sub3A, %max3A_47 : vector<128x1xf32>
      %sub3A_49 = arith.subf %broadcast_in_dim3A_46, %broadcast_in_dim3A_36 : vector<128x1xf32>
      %max3A_50 = arith.constant 0.000000e+00 : f32
      %max3A_51 = vector.broadcast %max3A_50 : f32 to vector<128x1xf32>
      %max3A_52 = arith.maximumf %sub3A_49, %max3A_51 : vector<128x1xf32>
      %mul3A_53 = arith.mulf %max3A_48, %max3A_52 : vector<128x1xf32>
      %broadcast_in_dim3A_54 = arith.constant 0.000000e+00 : f32
      %broadcast_in_dim3A_55 = vector.broadcast %broadcast_in_dim3A_54 : f32 to vector<128x1xf32>
      %while3A_56 = arith.constant 0 : i32
      %while3A_57 = arith.subi %while3A_12, %while3A_56 : i32
      %while3A_58 = arith.addi %while3A_56, %while3A_57 : i32
      %while3A_59 = arith.constant 1 : i32
      %while3A_60 = arith.divsi %while3A_57, %while3A_59 : i32
      %while3A_61 = arith.muli %while3A_60, %while3A_59 : i32
      %while3A_62 = arith.addi %while3A_56, %while3A_61 : i32
      %while3A_63 = arith.constant 1 : i32
      %while3A_64 = scf.for %while3A_147 = %while3A_56 to %while3A_62 step %while3A_63 iter_args(%while3A_148 = %broadcast_in_dim3A_55) -> (vector<128x1xf32>)  : i32 {
        %get3A_149 = arith.index_cast %while3A_147 : i32 to index
        %get3A_150 = arith.constant 0 : index
        %get3A_151 = vector.load %arg0[%get3A_149, %get3A_150] : memref<94x128xf32, #tpu.memory_space<vmem>>, vector<1x128xf32>
        %get3A_152 = arith.index_cast %while3A_147 : i32 to index
        %get3A_153 = arith.constant 0 : index
        %get3A_154 = vector.load %arg1[%get3A_152, %get3A_153] : memref<94x128xf32, #tpu.memory_space<vmem>>, vector<1x128xf32>
        %get3A_155 = arith.index_cast %while3A_147 : i32 to index
        %get3A_156 = arith.constant 0 : index
        %get3A_157 = vector.load %arg2[%get3A_155, %get3A_156] : memref<94x128xf32, #tpu.memory_space<vmem>>, vector<1x128xf32>
        %get3A_158 = arith.index_cast %while3A_147 : i32 to index
        %get3A_159 = arith.constant 0 : index
        %get3A_160 = vector.load %arg3[%get3A_158, %get3A_159] : memref<94x128xf32, #tpu.memory_space<vmem>>, vector<1x128xf32>
        %get3A_161 = arith.index_cast %while3A_147 : i32 to index
        %get3A_162 = arith.constant 0 : index
        %get3A_163 = vector.load %arg6[%get3A_161, %get3A_162] : memref<94x128xf32, #tpu.memory_space<vmem>>, vector<1x128xf32>
        %sub3A_164 = arith.subf %get3A_157, %get3A_151 : vector<1x128xf32>
        %max3A_165 = arith.constant 0.000000e+00 : f32
        %max3A_166 = vector.broadcast %max3A_165 : f32 to vector<1x128xf32>
        %max3A_167 = arith.maximumf %sub3A_164, %max3A_166 : vector<1x128xf32>
        %sub3A_168 = arith.subf %get3A_160, %get3A_154 : vector<1x128xf32>
        %max3A_169 = arith.constant 0.000000e+00 : f32
        %max3A_170 = vector.broadcast %max3A_169 : f32 to vector<1x128xf32>
        %max3A_171 = arith.maximumf %sub3A_168, %max3A_170 : vector<1x128xf32>
        %mul3A_172 = arith.mulf %max3A_167, %max3A_171 : vector<1x128xf32>
        %min3A_173 = vector.broadcast %broadcast_in_dim3A_41 : vector<128x1xf32> to vector<128x128xf32>
        %min3A_174 = vector.broadcast %get3A_157 : vector<1x128xf32> to vector<128x128xf32>
        %min3A_175 = arith.minimumf %min3A_173, %min3A_174 : vector<128x128xf32>
        %max3A_176 = vector.broadcast %broadcast_in_dim3A_31 : vector<128x1xf32> to vector<128x128xf32>
        %max3A_177 = vector.broadcast %get3A_151 : vector<1x128xf32> to vector<128x128xf32>
        %max3A_178 = arith.maximumf %max3A_176, %max3A_177 : vector<128x128xf32>
        %sub3A_179 = arith.subf %min3A_175, %max3A_178 : vector<128x128xf32>
        %max3A_180 = arith.constant 0.000000e+00 : f32
        %max3A_181 = vector.broadcast %max3A_180 : f32 to vector<128x128xf32>
        %max3A_182 = arith.maximumf %sub3A_179, %max3A_181 : vector<128x128xf32>
        %min3A_183 = vector.broadcast %broadcast_in_dim3A_46 : vector<128x1xf32> to vector<128x128xf32>
        %min3A_184 = vector.broadcast %get3A_160 : vector<1x128xf32> to vector<128x128xf32>
        %min3A_185 = arith.minimumf %min3A_183, %min3A_184 : vector<128x128xf32>
        %max3A_186 = vector.broadcast %broadcast_in_dim3A_36 : vector<128x1xf32> to vector<128x128xf32>
        %max3A_187 = vector.broadcast %get3A_154 : vector<1x128xf32> to vector<128x128xf32>
        %max3A_188 = arith.maximumf %max3A_186, %max3A_187 : vector<128x128xf32>
        %sub3A_189 = arith.subf %min3A_185, %max3A_188 : vector<128x128xf32>
        %max3A_190 = arith.constant 0.000000e+00 : f32
        %max3A_191 = vector.broadcast %max3A_190 : f32 to vector<128x128xf32>
        %max3A_192 = arith.maximumf %sub3A_189, %max3A_191 : vector<128x128xf32>
        %mul3A_193 = arith.mulf %max3A_182, %max3A_192 : vector<128x128xf32>
        %add3A_194 = vector.broadcast %mul3A_53 : vector<128x1xf32> to vector<128x128xf32>
        %add3A_195 = vector.broadcast %mul3A_172 : vector<1x128xf32> to vector<128x128xf32>
        %add3A_196 = arith.addf %add3A_194, %add3A_195 : vector<128x128xf32>
        %sub3A_197 = arith.subf %add3A_196, %mul3A_193 : vector<128x128xf32>
        %add3A_198 = arith.constant 9.99999971E-10 : f32
        %add3A_199 = vector.broadcast %add3A_198 : f32 to vector<128x128xf32>
        %add3A_200 = arith.addf %sub3A_197, %add3A_199 : vector<128x128xf32>
        %div3A_201 = arith.divf %mul3A_193, %add3A_200 : vector<128x128xf32>
        %gt3A_202 = vector.broadcast %get3A_2 : f32 to vector<128x128xf32>
        %gt3A_203 = arith.cmpf ogt, %div3A_201, %gt3A_202 : vector<128x128xf32>
        %gt3A_204 = arith.constant 5.000000e-01 : f32
        %gt3A_205 = vector.broadcast %gt3A_204 : f32 to vector<1x128xf32>
        %gt3A_206 = arith.cmpf ogt, %get3A_163, %gt3A_205 : vector<1x128xf32>
        %and3A_207 = vector.broadcast %gt3A_206 : vector<1x128xi1> to vector<128x128xi1>
        %and3A_208 = arith.andi %gt3A_203, %and3A_207 : vector<128x128xi1>
        %jit3A_209 = arith.constant 1.000000e+00 : f32
        %jit3A_210 = arith.constant 0.000000e+00 : f32
        %broadcast_in_dim3A_211 = vector.broadcast %jit3A_209 : f32 to vector<128x128xf32>
        %broadcast_in_dim3A_212 = vector.broadcast %jit3A_210 : f32 to vector<128x128xf32>
        %select_n3A_213 = arith.select %and3A_208, %broadcast_in_dim3A_211, %broadcast_in_dim3A_212 : vector<128x128xi1>, vector<128x128xf32>
        %reduce_max3A = arith.constant dense<0xFF800000> : vector<128xf32>
        %reduce_max3A_214 = vector.multi_reduction <maximumf>, %select_n3A_213, %reduce_max3A [1] : vector<128x128xf32> to vector<128xf32>
        %broadcast_in_dim3A_215 = vector.shape_cast %reduce_max3A_214 : vector<128xf32> to vector<128x1xf32>
        %max3A_216 = arith.maximumf %while3A_148, %broadcast_in_dim3A_215 : vector<128x1xf32>
        scf.yield %max3A_216 : vector<128x1xf32>
      }
      %while3A_65 = arith.constant 1 : i32
      %while3A_66 = scf.for %while3A_147 = %while3A_62 to %while3A_58 step %while3A_65 iter_args(%while3A_148 = %while3A_64) -> (vector<128x1xf32>)  : i32 {
        %get3A_149 = arith.index_cast %while3A_147 : i32 to index
        %get3A_150 = arith.constant 0 : index
        %get3A_151 = vector.load %arg0[%get3A_149, %get3A_150] : memref<94x128xf32, #tpu.memory_space<vmem>>, vector<1x128xf32>
        %get3A_152 = arith.index_cast %while3A_147 : i32 to index
        %get3A_153 = arith.constant 0 : index
        %get3A_154 = vector.load %arg1[%get3A_152, %get3A_153] : memref<94x128xf32, #tpu.memory_space<vmem>>, vector<1x128xf32>
        %get3A_155 = arith.index_cast %while3A_147 : i32 to index
        %get3A_156 = arith.constant 0 : index
        %get3A_157 = vector.load %arg2[%get3A_155, %get3A_156] : memref<94x128xf32, #tpu.memory_space<vmem>>, vector<1x128xf32>
        %get3A_158 = arith.index_cast %while3A_147 : i32 to index
        %get3A_159 = arith.constant 0 : index
        %get3A_160 = vector.load %arg3[%get3A_158, %get3A_159] : memref<94x128xf32, #tpu.memory_space<vmem>>, vector<1x128xf32>
        %get3A_161 = arith.index_cast %while3A_147 : i32 to index
        %get3A_162 = arith.constant 0 : index
        %get3A_163 = vector.load %arg6[%get3A_161, %get3A_162] : memref<94x128xf32, #tpu.memory_space<vmem>>, vector<1x128xf32>
        %sub3A_164 = arith.subf %get3A_157, %get3A_151 : vector<1x128xf32>
        %max3A_165 = arith.constant 0.000000e+00 : f32
        %max3A_166 = vector.broadcast %max3A_165 : f32 to vector<1x128xf32>
        %max3A_167 = arith.maximumf %sub3A_164, %max3A_166 : vector<1x128xf32>
        %sub3A_168 = arith.subf %get3A_160, %get3A_154 : vector<1x128xf32>
        %max3A_169 = arith.constant 0.000000e+00 : f32
        %max3A_170 = vector.broadcast %max3A_169 : f32 to vector<1x128xf32>
        %max3A_171 = arith.maximumf %sub3A_168, %max3A_170 : vector<1x128xf32>
        %mul3A_172 = arith.mulf %max3A_167, %max3A_171 : vector<1x128xf32>
        %min3A_173 = vector.broadcast %broadcast_in_dim3A_41 : vector<128x1xf32> to vector<128x128xf32>
        %min3A_174 = vector.broadcast %get3A_157 : vector<1x128xf32> to vector<128x128xf32>
        %min3A_175 = arith.minimumf %min3A_173, %min3A_174 : vector<128x128xf32>
        %max3A_176 = vector.broadcast %broadcast_in_dim3A_31 : vector<128x1xf32> to vector<128x128xf32>
        %max3A_177 = vector.broadcast %get3A_151 : vector<1x128xf32> to vector<128x128xf32>
        %max3A_178 = arith.maximumf %max3A_176, %max3A_177 : vector<128x128xf32>
        %sub3A_179 = arith.subf %min3A_175, %max3A_178 : vector<128x128xf32>
        %max3A_180 = arith.constant 0.000000e+00 : f32
        %max3A_181 = vector.broadcast %max3A_180 : f32 to vector<128x128xf32>
        %max3A_182 = arith.maximumf %sub3A_179, %max3A_181 : vector<128x128xf32>
        %min3A_183 = vector.broadcast %broadcast_in_dim3A_46 : vector<128x1xf32> to vector<128x128xf32>
        %min3A_184 = vector.broadcast %get3A_160 : vector<1x128xf32> to vector<128x128xf32>
        %min3A_185 = arith.minimumf %min3A_183, %min3A_184 : vector<128x128xf32>
        %max3A_186 = vector.broadcast %broadcast_in_dim3A_36 : vector<128x1xf32> to vector<128x128xf32>
        %max3A_187 = vector.broadcast %get3A_154 : vector<1x128xf32> to vector<128x128xf32>
        %max3A_188 = arith.maximumf %max3A_186, %max3A_187 : vector<128x128xf32>
        %sub3A_189 = arith.subf %min3A_185, %max3A_188 : vector<128x128xf32>
        %max3A_190 = arith.constant 0.000000e+00 : f32
        %max3A_191 = vector.broadcast %max3A_190 : f32 to vector<128x128xf32>
        %max3A_192 = arith.maximumf %sub3A_189, %max3A_191 : vector<128x128xf32>
        %mul3A_193 = arith.mulf %max3A_182, %max3A_192 : vector<128x128xf32>
        %add3A_194 = vector.broadcast %mul3A_53 : vector<128x1xf32> to vector<128x128xf32>
        %add3A_195 = vector.broadcast %mul3A_172 : vector<1x128xf32> to vector<128x128xf32>
        %add3A_196 = arith.addf %add3A_194, %add3A_195 : vector<128x128xf32>
        %sub3A_197 = arith.subf %add3A_196, %mul3A_193 : vector<128x128xf32>
        %add3A_198 = arith.constant 9.99999971E-10 : f32
        %add3A_199 = vector.broadcast %add3A_198 : f32 to vector<128x128xf32>
        %add3A_200 = arith.addf %sub3A_197, %add3A_199 : vector<128x128xf32>
        %div3A_201 = arith.divf %mul3A_193, %add3A_200 : vector<128x128xf32>
        %gt3A_202 = vector.broadcast %get3A_2 : f32 to vector<128x128xf32>
        %gt3A_203 = arith.cmpf ogt, %div3A_201, %gt3A_202 : vector<128x128xf32>
        %gt3A_204 = arith.constant 5.000000e-01 : f32
        %gt3A_205 = vector.broadcast %gt3A_204 : f32 to vector<1x128xf32>
        %gt3A_206 = arith.cmpf ogt, %get3A_163, %gt3A_205 : vector<1x128xf32>
        %and3A_207 = vector.broadcast %gt3A_206 : vector<1x128xi1> to vector<128x128xi1>
        %and3A_208 = arith.andi %gt3A_203, %and3A_207 : vector<128x128xi1>
        %jit3A_209 = arith.constant 1.000000e+00 : f32
        %jit3A_210 = arith.constant 0.000000e+00 : f32
        %broadcast_in_dim3A_211 = vector.broadcast %jit3A_209 : f32 to vector<128x128xf32>
        %broadcast_in_dim3A_212 = vector.broadcast %jit3A_210 : f32 to vector<128x128xf32>
        %select_n3A_213 = arith.select %and3A_208, %broadcast_in_dim3A_211, %broadcast_in_dim3A_212 : vector<128x128xi1>, vector<128x128xf32>
        %reduce_max3A = arith.constant dense<0xFF800000> : vector<128xf32>
        %reduce_max3A_214 = vector.multi_reduction <maximumf>, %select_n3A_213, %reduce_max3A [1] : vector<128x128xf32> to vector<128xf32>
        %broadcast_in_dim3A_215 = vector.shape_cast %reduce_max3A_214 : vector<128xf32> to vector<128x1xf32>
        %max3A_216 = arith.maximumf %while3A_148, %broadcast_in_dim3A_215 : vector<128x1xf32>
        scf.yield %max3A_216 : vector<128x1xf32>
      }
      %mul3A_67 = vector.broadcast %while3A_66 : vector<128x1xf32> to vector<128x128xf32>
      %mul3A_68 = arith.mulf %mul3A_67, %convert_element_type3A_7 : vector<128x128xf32>
      %reduce_sum3A_69 = arith.constant dense<0.000000e+00> : vector<128xf32>
      %reduce_sum3A_70 = vector.multi_reduction <add>, %mul3A_68, %reduce_sum3A_69 [0] : vector<128x128xf32> to vector<128xf32>
      %broadcast_in_dim3A_71 = vector.shape_cast %reduce_sum3A_70 : vector<128xf32> to vector<1x128xf32>
      %sub3A_72 = arith.subf %get3A_22, %get3A_16 : vector<1x128xf32>
      %max3A_73 = arith.constant 0.000000e+00 : f32
      %max3A_74 = vector.broadcast %max3A_73 : f32 to vector<1x128xf32>
      %max3A_75 = arith.maximumf %sub3A_72, %max3A_74 : vector<1x128xf32>
      %sub3A_76 = arith.subf %get3A_25, %get3A_19 : vector<1x128xf32>
      %max3A_77 = arith.constant 0.000000e+00 : f32
      %max3A_78 = vector.broadcast %max3A_77 : f32 to vector<1x128xf32>
      %max3A_79 = arith.maximumf %sub3A_76, %max3A_78 : vector<1x128xf32>
      %mul3A_80 = arith.mulf %max3A_75, %max3A_79 : vector<1x128xf32>
      %min3A = vector.broadcast %broadcast_in_dim3A_41 : vector<128x1xf32> to vector<128x128xf32>
      %min3A_81 = vector.broadcast %get3A_22 : vector<1x128xf32> to vector<128x128xf32>
      %min3A_82 = arith.minimumf %min3A, %min3A_81 : vector<128x128xf32>
      %max3A_83 = vector.broadcast %broadcast_in_dim3A_31 : vector<128x1xf32> to vector<128x128xf32>
      %max3A_84 = vector.broadcast %get3A_16 : vector<1x128xf32> to vector<128x128xf32>
      %max3A_85 = arith.maximumf %max3A_83, %max3A_84 : vector<128x128xf32>
      %sub3A_86 = arith.subf %min3A_82, %max3A_85 : vector<128x128xf32>
      %max3A_87 = arith.constant 0.000000e+00 : f32
      %max3A_88 = vector.broadcast %max3A_87 : f32 to vector<128x128xf32>
      %max3A_89 = arith.maximumf %sub3A_86, %max3A_88 : vector<128x128xf32>
      %min3A_90 = vector.broadcast %broadcast_in_dim3A_46 : vector<128x1xf32> to vector<128x128xf32>
      %min3A_91 = vector.broadcast %get3A_25 : vector<1x128xf32> to vector<128x128xf32>
      %min3A_92 = arith.minimumf %min3A_90, %min3A_91 : vector<128x128xf32>
      %max3A_93 = vector.broadcast %broadcast_in_dim3A_36 : vector<128x1xf32> to vector<128x128xf32>
      %max3A_94 = vector.broadcast %get3A_19 : vector<1x128xf32> to vector<128x128xf32>
      %max3A_95 = arith.maximumf %max3A_93, %max3A_94 : vector<128x128xf32>
      %sub3A_96 = arith.subf %min3A_92, %max3A_95 : vector<128x128xf32>
      %max3A_97 = arith.constant 0.000000e+00 : f32
      %max3A_98 = vector.broadcast %max3A_97 : f32 to vector<128x128xf32>
      %max3A_99 = arith.maximumf %sub3A_96, %max3A_98 : vector<128x128xf32>
      %mul3A_100 = arith.mulf %max3A_89, %max3A_99 : vector<128x128xf32>
      %add3A = vector.broadcast %mul3A_53 : vector<128x1xf32> to vector<128x128xf32>
      %add3A_101 = vector.broadcast %mul3A_80 : vector<1x128xf32> to vector<128x128xf32>
      %add3A_102 = arith.addf %add3A, %add3A_101 : vector<128x128xf32>
      %sub3A_103 = arith.subf %add3A_102, %mul3A_100 : vector<128x128xf32>
      %add3A_104 = arith.constant 9.99999971E-10 : f32
      %add3A_105 = vector.broadcast %add3A_104 : f32 to vector<128x128xf32>
      %add3A_106 = arith.addf %sub3A_103, %add3A_105 : vector<128x128xf32>
      %div3A = arith.divf %mul3A_100, %add3A_106 : vector<128x128xf32>
      %gt3A = vector.broadcast %get3A_2 : f32 to vector<128x128xf32>
      %gt3A_107 = arith.cmpf ogt, %div3A, %gt3A : vector<128x128xf32>
      %jit3A = arith.constant 1.000000e+00 : f32
      %jit3A_108 = arith.constant 0.000000e+00 : f32
      %broadcast_in_dim3A_109 = vector.broadcast %jit3A : f32 to vector<128x128xf32>
      %broadcast_in_dim3A_110 = vector.broadcast %jit3A_108 : f32 to vector<128x128xf32>
      %select_n3A = arith.select %gt3A_107, %broadcast_in_dim3A_109, %broadcast_in_dim3A_110 : vector<128x128xi1>, vector<128x128xf32>
      %gt3A_111 = arith.cmpi sgt, %iota3A_9, %iota3A_8 : vector<128x128xi32>
      %jit3A_112 = arith.constant 0.000000e+00 : f32
      %broadcast_in_dim3A_113 = vector.broadcast %jit3A_112 : f32 to vector<128x128xf32>
      %select_n3A_114 = arith.select %gt3A_111, %select_n3A, %broadcast_in_dim3A_113 : vector<128x128xi1>, vector<128x128xf32>
      %lt3A = arith.cmpi slt, %iota3A_9, %iota3A_8 : vector<128x128xi32>
      %jit3A_115 = arith.constant 0.000000e+00 : f32
      %broadcast_in_dim3A_116 = vector.broadcast %jit3A_115 : f32 to vector<128x128xf32>
      %select_n3A_117 = arith.select %lt3A, %select_n3A, %broadcast_in_dim3A_116 : vector<128x128xi1>, vector<128x128xf32>
      %is_finite3A = tpu.weird %get3A_28 : vector<1x128xf32> -> vector<1x128xi1>
      %is_finite3A_118 = arith.constant dense<true> : vector<1x128xi1>
      %is_finite3A_119 = arith.xori %is_finite3A, %is_finite3A_118 : vector<1x128xi1>
      %lt3A_120 = arith.constant 5.000000e-01 : f32
      %lt3A_121 = vector.broadcast %lt3A_120 : f32 to vector<1x128xf32>
      %lt3A_122 = arith.cmpf olt, %broadcast_in_dim3A_71, %lt3A_121 : vector<1x128xf32>
      %and3A = arith.andi %is_finite3A_119, %lt3A_122 : vector<1x128xi1>
      %jit3A_123 = arith.constant 1.000000e+00 : f32
      %jit3A_124 = arith.constant 0.000000e+00 : f32
      %broadcast_in_dim3A_125 = vector.broadcast %jit3A_123 : f32 to vector<1x128xf32>
      %broadcast_in_dim3A_126 = vector.broadcast %jit3A_124 : f32 to vector<1x128xf32>
      %select_n3A_127 = arith.select %and3A, %broadcast_in_dim3A_125, %broadcast_in_dim3A_126 : vector<1x128xi1>, vector<1x128xf32>
      %mul3A_128 = vector.broadcast %select_n3A_127 : vector<1x128xf32> to vector<128x128xf32>
      %mul3A_129 = arith.mulf %mul3A_128, %convert_element_type3A_7 : vector<128x128xf32>
      %reduce_sum3A_130 = arith.constant dense<0.000000e+00> : vector<128xf32>
      %reduce_sum3A_131 = vector.multi_reduction <add>, %mul3A_129, %reduce_sum3A_130 [1] : vector<128x128xf32> to vector<128xf32>
      %broadcast_in_dim3A_132 = vector.shape_cast %reduce_sum3A_131 : vector<128xf32> to vector<128x1xf32>
      %while3A_133 = arith.constant 0 : i32
      %while3A_134 = arith.constant true
      %while3A_135:4 = scf.while (%while3A_147 = %while3A_133, %while3A_148 = %while3A_134, %while3A_149 = %select_n3A_127, %while3A_150 = %broadcast_in_dim3A_132) : (i32, i1, vector<1x128xf32>, vector<128x1xf32>) -> (i32, i1, vector<1x128xf32>, vector<128x1xf32>) {
        %lt3A_151 = arith.constant 64 : i32
        %lt3A_152 = arith.cmpi slt, %while3A_147, %lt3A_151 : i32
        %and3A_153 = arith.andi %while3A_148, %lt3A_152 : i1
        scf.condition(%and3A_153) %while3A_147, %while3A_148, %while3A_149, %while3A_150 : i32, i1, vector<1x128xf32>, vector<128x1xf32>
      } do {
      ^bb0(%while3A_147: i32, %while3A_148: i1, %while3A_149: vector<1x128xf32>, %while3A_150: vector<128x1xf32>):
        %mul3A_151 = vector.broadcast %while3A_149 : vector<1x128xf32> to vector<128x128xf32>
        %mul3A_152 = arith.mulf %select_n3A_117, %mul3A_151 : vector<128x128xf32>
        %reduce_max3A = arith.constant dense<0xFF800000> : vector<128xf32>
        %reduce_max3A_153 = vector.multi_reduction <maximumf>, %mul3A_152, %reduce_max3A [1] : vector<128x128xf32> to vector<128xf32>
        %broadcast_in_dim3A_154 = vector.shape_cast %reduce_max3A_153 : vector<128xf32> to vector<128x1xf32>
        %gt3A_155 = arith.constant 5.000000e-01 : f32
        %gt3A_156 = vector.broadcast %gt3A_155 : f32 to vector<128x1xf32>
        %gt3A_157 = arith.cmpf ogt, %broadcast_in_dim3A_154, %gt3A_156 : vector<128x1xf32>
        %jit3A_158 = arith.constant 0.000000e+00 : f32
        %jit3A_159 = arith.constant 1.000000e+00 : f32
        %broadcast_in_dim3A_160 = vector.broadcast %jit3A_158 : f32 to vector<128x1xf32>
        %broadcast_in_dim3A_161 = vector.broadcast %jit3A_159 : f32 to vector<128x1xf32>
        %select_n3A_162 = arith.select %gt3A_157, %broadcast_in_dim3A_160, %broadcast_in_dim3A_161 : vector<128x1xi1>, vector<128x1xf32>
        %mul3A_163 = arith.mulf %broadcast_in_dim3A_132, %select_n3A_162 : vector<128x1xf32>
        %mul3A_164 = vector.broadcast %mul3A_163 : vector<128x1xf32> to vector<128x128xf32>
        %mul3A_165 = arith.mulf %select_n3A_114, %mul3A_164 : vector<128x128xf32>
        %reduce_max3A_166 = arith.constant dense<0xFF800000> : vector<128xf32>
        %reduce_max3A_167 = vector.multi_reduction <maximumf>, %mul3A_165, %reduce_max3A_166 [0] : vector<128x128xf32> to vector<128xf32>
        %broadcast_in_dim3A_168 = vector.shape_cast %reduce_max3A_167 : vector<128xf32> to vector<1x128xf32>
        %gt3A_169 = arith.constant 5.000000e-01 : f32
        %gt3A_170 = vector.broadcast %gt3A_169 : f32 to vector<1x128xf32>
        %gt3A_171 = arith.cmpf ogt, %broadcast_in_dim3A_168, %gt3A_170 : vector<1x128xf32>
        %jit3A_172 = arith.constant 0.000000e+00 : f32
        %jit3A_173 = arith.constant 1.000000e+00 : f32
        %broadcast_in_dim3A_174 = vector.broadcast %jit3A_172 : f32 to vector<1x128xf32>
        %broadcast_in_dim3A_175 = vector.broadcast %jit3A_173 : f32 to vector<1x128xf32>
        %select_n3A_176 = arith.select %gt3A_171, %broadcast_in_dim3A_174, %broadcast_in_dim3A_175 : vector<1x128xi1>, vector<1x128xf32>
        %mul3A_177 = arith.mulf %select_n3A_127, %select_n3A_176 : vector<1x128xf32>
        %sub3A_178 = arith.subf %mul3A_163, %while3A_150 : vector<128x1xf32>
        %abs3A = math.absf %sub3A_178 : vector<128x1xf32>
        %reduce_max3A_179 = vector.shape_cast %abs3A : vector<128x1xf32> to vector<1x128x1xf32>
        %reduce_max3A_180 = arith.constant dense<0xFF800000> : vector<1xf32>
        %reduce_max3A_181 = vector.multi_reduction <maximumf>, %reduce_max3A_179, %reduce_max3A_180 [1, 2] : vector<1x128x1xf32> to vector<1xf32>
        %reduce_max3A_182 = vector.shape_cast %reduce_max3A_181 : vector<1xf32> to vector<1x1x1xf32>
        %reduce_max3A_183 = vector.extract %reduce_max3A_182[0, 0, 0] : f32 from vector<1x1x1xf32>
        %gt3A_184 = arith.constant 0.000000e+00 : f32
        %gt3A_185 = arith.cmpf ogt, %reduce_max3A_183, %gt3A_184 : f32
        %add3A_186 = arith.constant 1 : i32
        %add3A_187 = arith.addi %while3A_147, %add3A_186 : i32
        scf.yield %add3A_187, %gt3A_185, %mul3A_177, %mul3A_163 : i32, i1, vector<1x128xf32>, vector<128x1xf32>
      }
      %swap3A_136 = arith.index_cast %while3A_12 : i32 to index
      %swap3A_137 = arith.constant 0 : index
      %swap3A_138 = vector.load %arg6[%swap3A_136, %swap3A_137] : memref<94x128xf32, #tpu.memory_space<vmem>>, vector<1x128xf32>
      tpu.vector_store %arg6[%swap3A_136, %swap3A_137], %while3A_135#2 {strides = array<i32>} : memref<94x128xf32, #tpu.memory_space<vmem>>, vector<1x128xf32>,
      %add3A_139 = arith.constant 1 : i32
      %add3A_140 = arith.addi %while3A_12, %add3A_139 : i32
      %reduce_sum3A_141 = vector.shape_cast %while3A_135#2 : vector<1x128xf32> to vector<1x1x128xf32>
      %reduce_sum3A_142 = arith.constant dense<0.000000e+00> : vector<1xf32>
      %reduce_sum3A_143 = vector.multi_reduction <add>, %reduce_sum3A_141, %reduce_sum3A_142 [1, 2] : vector<1x1x128xf32> to vector<1xf32>
      %reduce_sum3A_144 = vector.shape_cast %reduce_sum3A_143 : vector<1xf32> to vector<1x1x1xf32>
      %reduce_sum3A_145 = vector.extract %reduce_sum3A_144[0, 0, 0] : f32 from vector<1x1x1xf32>
      %add3A_146 = arith.addf %while3A_13, %reduce_sum3A_145 : f32
      scf.yield %add3A_140, %add3A_146 : i32, f32
    }
    return
  }
}

</mosaic_0001>

<sc_bundles>
// kernel: gather_offload_async_start.1
scs
__scs_entry_jumppad:
0x0: {  	(pc) =	sbr.rel $0x88, $3  }
0x1: {  	(tag) =	ssettag $0x0;
	lr =	simm.s32 $0x1  }
0x2: {  	[smem:$0x3F9A] =	sst lr;
	_ =	strace $0xD0000000  }
0x3: {  	_ = 	snop  }
0x4: {  	_ = 	snop  }
0x5: {  	_ = 	snop  }
0x6: {  	_ = 	snop  }
0x7: {  	_ = 	snop  }
__scs_overlays_trampoline_lowered:
0x8: {  	[smem:$0x3FA9] =	sst s0  }
0x9: {  	[smem:$0x3FAA] =	sst s1  }
0xa: {  	[smem:$0x3FAB] =	sst s2  }
0xb: {  	[smem:$0x3FAC] =	sst s3  }
0xc: {  	[smem:$0x3FAD] =	sst s4  }
0xd: {  	[smem:$0x3FAE] =	sst s5  }
0xe: {  	[smem:$0x3FAF] =	sst s6  }
0xf: {  	[smem:$0x3FB0] =	sst s7  }
0x10: {  	[smem:$0x3FB1] =	sst s8  }
0x11: {  	[smem:$0x3FB2] =	sst s9;
	s0 =	simm.s32 @!p0 $0x0  }
0x12: {  	s1 =	sld [smem:$0x3F98];
	s0 =	simm.s32 @p0 $0x1  }
0x13: {  	[smem:$0x3FB3] =	sst s0;
	s0 =	simm.s32 @!p1 $0x0  }
0x14: {  	s2 =	sld [smem:$0x3F97];
	s0 =	simm.s32 @p1 $0x1  }
0x15: {  	[smem:$0x3FB4] =	sst s0;
	s0 =	simm.s32 @!p2 $0x0  }
0x16: {  	s3 =	sld [smem:$0x3FDB];
	s0 =	simm.s32 @p2 $0x1  }
0x17: {  	s4 =	simm.s32 $0x1BF5;
	[smem:$0x3FB6] =	sst s0  }
0x18: {  	s0 =	sld [smem:$0x3F99];
	_ =	swait.ge [sflag:s4], $0x0  }
0x19: {  	s7 =	sld [smem:$0x3F9A]  }
0x1a: {  	s8 =	sadd.s32 $0xFFFFE003, lr  }
0x1b: {  	s9 =	sadd.s32 $0xFFFFFEF7, lr;
	s5 =	simm.s32 $0xFFFFFFFF;
	p2 =	slt.u32 s8, $0xFFFFF086  }
0x1c: {  	p1 =	slt.u32 s9, $0xF7A;
	s5 =	simm.s32 @!p2 $0x0  }
0x1d: {  	s5 =	simm.s32 @p1 $0x1;
	p0 =	seq.s32 s7, s2  }
0x1e: {  	s7 =	smul.u32 @!p0 $0xF7A, s2;
	p2 =	seq.s32 @!p0 s5, $0x0  }
0x1f: {  	s9 =	smul.u32 $0xF7A, s1;
	s8 =	simm.s32 @!p0 $0x1BF5;
	p2 =	por !p2, p0  }
0x20: {  	[sflag:s8] =	ssyncset.s32 @!p0 $0xFFFFF086;
	s6 =	sadd.s32 @!p0 s3, s7;
	s7 =	simm.s32 @!p0 $0x108  }
0x21: {  	s3 =	sadd.s32 s3, s9;
	s6 =	sadd.s32 @!p0 $0x88, s6;
	s7 =	simm.s32 @p2 $0x1082  }
0x22: {  	[simem:s7], [sflag:s8] =	dma.local @!p0 [hbm:s6], $0xF7A  }
0x23: {  	s9 =	sor.u32 $0xD0000000, s2;
	s6 =	simm.s32 $0x108;
	_ =	swait.ge @!p0 [sflag:s8], $0x0  }
0x24: {  	s3 =	sadd.s32 $0x88, s3;
	s6 =	simm.s32 @!p1 $0x1082;
	[sflag:s4] =	ssyncset.s32 $0xFFFFF086  }
0x25: {  	[simem:s6], [sflag:s4] =	dma.local [hbm:s3], $0xF7A  }
0x26: {  	[smem:$0x3F9A] =	sst s1;
	(tag) =	ssettag s2;
	_ =	strace s9  }
0x27: {  	s1 =	sld [smem:$0x3FAA]  }
0x28: {  	s2 =	sld [smem:$0x3FAB]  }
0x29: {  	s4 =	sld [smem:$0x3FAD]  }
0x2a: {  	p0 =	seq.s32 s5, $0x0;
	s5 =	sld [smem:$0x3FAE]  }
0x2b: {  	s6 =	sld [smem:$0x3FAF]  }
0x2c: {  	s7 =	sld [smem:$0x3FB0]  }
0x2d: {  	s3 =	simm.s32 $0x108;
	s8 =	sld [smem:$0x3FB1]  }
0x2e: {  	s3 =	simm.s32 @!p0 $0x1082;
	s9 =	sld [smem:$0x3FB2]  }
0x2f: {  	lr =	sadd.s32 s0, s3;
	s0 =	sld [smem:$0x3FA9]  }
0x30: {  	s3 =	sld [smem:$0x3FAC]  }
0x31: {  	[smem:$0x3FB5] =	sst s10  }
0x32: {  	s10 =	sld [smem:$0x3FB3];
	_ =	sdelay $0x3  }
0x33: {  	p0 =	seq.s32 s10, $0x1;
	s10 =	sld [smem:$0x3FB5];
	_ =	sdelay $0x3  }
0x34: {  	[smem:$0x3FB5] =	sst s10  }
0x35: {  	s10 =	sld [smem:$0x3FB4];
	_ =	sdelay $0x3  }
0x36: {  	p1 =	seq.s32 s10, $0x1;
	s10 =	sld [smem:$0x3FB5];
	_ =	sdelay $0x3  }
0x37: {  	[smem:$0x3FB5] =	sst s10  }
0x38: {  	s10 =	sld [smem:$0x3FB6]  }
0x39: {  	_ = 	snop;
	(pc) =	sbr.ind lr, $3  }
0x3a: {  	_ = 	snop  }
0x3b: {  	_ = 	snop  }
0x3c: {  	p2 =	seq.s32 s10, $0x1;
	s10 =	sld [smem:$0x3FB5]  }
0x3d: {  	_ =	shalt  }
0x3e: {  	_ =	shalt  }
0x3f: {  	_ =	shalt  }
0x40: {  	_ =	shalt  }
0x41: {  	_ =	shalt  }
0x42: {  	_ =	shalt  }
0x43: {  	_ =	shalt  }
0x44: {  	_ =	shalt  }
0x45: {  	_ =	shalt  }
0x46: {  	_ =	shalt  }
0x47: {  	_ =	shalt  }
0x48: {  	_ =	shalt  }
0x49: {  	_ =	shalt  }
0x4a: {  	_ =	shalt  }
0x4b: {  	_ =	shalt  }
0x4c: {  	_ =	shalt  }
0x4d: {  	_ =	shalt  }
0x4e: {  	_ =	shalt  }
0x4f: {  	_ =	shalt  }
0x50: {  	_ =	shalt  }
0x51: {  	_ =	shalt  }
0x52: {  	_ =	shalt  }
0x53: {  	_ =	shalt  }
0x54: {  	_ =	shalt  }
0x55: {  	_ =	shalt  }
0x56: {  	_ =	shalt  }
0x57: {  	_ =	shalt  }
0x58: {  	_ =	shalt  }
0x59: {  	_ =	shalt  }
0x5a: {  	_ =	shalt  }
0x5b: {  	_ =	shalt  }
0x5c: {  	_ =	shalt  }
0x5d: {  	_ =	shalt  }
0x5e: {  	_ =	shalt  }
0x5f: {  	_ =	shalt  }
0x60: {  	_ =	shalt  }
0x61: {  	_ =	shalt  }
0x62: {  	_ =	shalt  }
0x63: {  	_ =	shalt  }
0x64: {  	_ =	shalt  }
0x65: {  	_ =	shalt  }
0x66: {  	_ =	shalt  }
0x67: {  	_ =	shalt  }
0x68: {  	_ =	shalt  }
0x69: {  	_ =	shalt  }
0x6a: {  	_ =	shalt  }
0x6b: {  	_ =	shalt  }
0x6c: {  	_ =	shalt  }
0x6d: {  	_ =	shalt  }
0x6e: {  	_ =	shalt  }
0x6f: {  	_ =	shalt  }
0x70: {  	_ =	shalt  }
0x71: {  	_ =	shalt  }
0x72: {  	_ =	shalt  }
0x73: {  	_ =	shalt  }
0x74: {  	_ =	shalt  }
0x75: {  	_ =	shalt  }
0x76: {  	_ =	shalt  }
0x77: {  	_ =	shalt  }
0x78: {  	_ =	shalt  }
0x79: {  	_ =	shalt  }
0x7a: {  	_ =	shalt  }
0x7b: {  	_ =	shalt  }
0x7c: {  	_ =	shalt  }
0x7d: {  	_ =	shalt  }
0x7e: {  	_ =	shalt  }
0x7f: {  	_ =	shalt  }
0x80: {  	_ =	shalt  }
0x81: {  	_ =	shalt  }
0x82: {  	_ =	shalt  }
0x83: {  	_ =	shalt  }
0x84: {  	_ =	shalt  }
0x85: {  	_ =	shalt  }
0x86: {  	_ =	shalt  }
0x87: {  	_ =	shalt  }
.Lfunc_end0:
.L_simem_size_0:
called_computation.3_lowered:
.L_overlay_start_0:
0x88: {  	s2 =	sld [smem:$0x3FD9]  }
0x89: {  	s3 =	sld [smem:$0x3FFE];
	_ =	sdelay $0x1  }
0x8a: {  	s1 =	srdreg.scid  }
0x8b: {  	s0 =	sand.u32 $0x1, s1  }
0x8c: {  	s16 =	sshll.u32 s0, $0xA;
	s2 =	sadd.s32 s3, s2  }
0x8d: {  	s2 =	sadd.s32 s2, s16  }
0x8e: {  	[smem:$0x3FC1] =	sst s2  }
0x8f: {  	_ = 	snop  }
0x90: {  	(tm) =	ssettm $0x1  }
0x91: {  	s17 =	sld [smem:$0x3FFB];
	_ =	sdelay $0x3  }
0x92: {  	_ =	strace s17  }
0x93: {  	s2 =	sld [smem:$0x3FFC];
	_ =	sdelay $0x3  }
0x94: {  	_ =	strace s2  }
0x95: {  	s2 =	sld [smem:$0x3FFD];
	_ =	sdelay $0x3  }
0x96: {  	_ =	strace s2  }
0x97: {  	_ =	strace $0x8FFFFFFF  }
0x98: {  	s18 =	sld [smem:$0x3FDB];
	_ =	sdelay $0x1  }
0x99: {  	s19 =	simm.s32 $_scs_section_size  }
0x9a: {  	s4 =	simm.s32 $_size__tile_overlayer_lowered;
	s5 =	simm.s32 $_tile_overlayer_lowered  }
0x9b: {  	s22 =	simm.s32 $0x1BFF;
	s21 =	sshll.u32 s5, $0x1;
	s2 =	sadd.s32 s19, s18  }
0x9c: {  	s6 =	simm.s32 $0x0;
	s20 =	sshll.u32 s4, $0x1;
	s4 =	sadd.s32 s21, s2  }
0x9d: {  	[timem:s6], [sflag:s22] =	dma.local [hbm:s4], s20  }
0x9e: {  	_ =	swait.ge [sflag:s22], s20  }
0x9f: {  	s3 =	ssub.s32 $0x0, s20;
	[sflag:s22] =	ssyncset.done $0x0  }
0xa0: {  	[sflag:s22] =	ssyncadd.s32 s3;
	_ =	sdelay $0x1  }
0xa1: {  	s23 =	simm.s32 $0x1B8B  }
0xa2: {  	_ =	swait.ge [sflag:s23], $0x1  }
0xa3: {  	[sflag:s23] =	ssyncset.done $0x0  }
0xa4: {  	s25 =	simm.s32 $0x1B8E;
	s24 =	sld [smem:$0x3FFE];
	[sflag:s23] =	ssyncadd.s32 $0xFFFFFFFF  }
0xa5: {  	s26 =	simm.s32 $execute0_lowered;
	[smem:$0x3FD2] =	sst s25  }
0xa6: {  	s4 =	sshll.u32 s26, $0x1;
	_ =	strace $0x80000046;
	[dreg:$0x1] =	wrdreg $0xFFFFFFFF  }
0xa7: {  	s28 =	simm.s32 $_size_execute0_lowered;
	s2 =	sadd.s32 s2, s4;
	[dreg:$0x0] =	wrdreg $0x0  }
0xa8: {  	s4 =	sshll.u32 s28, $0x1;
	[dreg:$0x2] =	wrdreg s2  }
0xa9: {  	[dreg:$0x3] =	wrdreg s4  }
0xaa: {  	[dreg:$0x4] =	wrdreg $0xC0  }
0xab: {  	_ =	task [dreg:s6], $0x5FFFF  }
0xac: {  	[dreg:$0x1] =	wrdreg $0xFFFFFFFF  }
0xad: {  	[dreg:$0x0] =	wrdreg $0x60  }
0xae: {  	[dreg:$0x2] =	wrdreg s24  }
0xaf: {  	[dreg:$0x3] =	wrdreg $0x9  }
0xb0: {  	_ =	task.clear_ibuf [dreg:s6], $0x4FFFF;
	_ =	strace $0x90000046  }
0xb1: {  	s29 =	simm.s32 $0x9;
	_ =	strace $0x80000048  }
0xb2: {  	_ =	swait.ge [sflag:s29], $0x1  }
0xb3: {  	[sflag:s29] =	ssyncadd.s32 $0xFFFFFFFF  }
0xb4: {  	_ =	strace $0x90000048  }
0xb5: {  	_ =	sfence  }
0xb6: {  	s30 =	sld [smem:$0x0];
	_ =	sdelay $0x2  }
0xb7: {  	s31 =	sshll.u32 s1, $0xD;
	s1 =	sshrl.u32 s1, $0x2  }
0xb8: {  	s3 =	sand.u32 $0x4000, s31;
	s1 =	sadd.s32 s1, s30  }
0xb9: {  	s0 =	sor.u32 s3, s0;
	s1 =	sshll.u32 s1, $0x11  }
0xba: {  	s0 =	sor.u32 s1, s0  }
0xbb: {  	s0 =	sadd.s32 $0x8F2B, s0  }
0xbc: {  	[sflag:s0] =	ssyncadd.remote.s32 $0x1  }
0xbd: {  	_ =	sfence.sel $0xFFFF  }
0xbe: {  	[dreg:$0x0] =	wrdreg $0xFFFFFFFF;
	(pc) =	sbr.abs _section_cstart, $3  }
0xbf: {  	[dreg:$0x1] =	wrdreg $0xFFFFFFFF  }
0xc0: {  	_ =	task.clear_ibuf [dreg:s6], $0x2FFFF;
	_ =	strace $0x9FFFFFFF  }
0xc1: {  	(tm) =	ssettm $0x7FFFFFFF  }
tec
execute0_lowered:
.L_overlay_start_1:
0x0: {  	(tag) =	ssettag $0x1  }
0x1: {  	s8 =	rddreg [dreg:$0x0]  }
0x2: {  	s0 =	rddreg [dreg:$0x1];
	_ =	strace $0x80000047;
	s1 =	stileid.u32  }
0x3: {  	s3 =	srdreg.scid;
	s4 =	simm.s32 $0x1;
	s7 =	simm.s32 $0x1  }
0x4: {  	s9 =	simm.s32 $0x1;
	s10 =	simm.s32 $0x3;
	s13 =	simm.s32 $0x0  }
0x5: {  	s12 =	simm.s32 $0x0;
	s5 =	sand.u32 $0x1, s3;
	s6 =	sshll.u32 s1, $0x1  }
0x6: {  	s2 =	sadd.s32 $0xE00, s8;
	s3 =	sadd.s32 $0x800, s8;
	s5 =	sor.u32 s6, s5  }
.Ltmp0:
0x7: {  	[sflag:s4] =	ssyncpa.u1 $0x0;
	p0 =	slt.u32 s5, $0x13;
	(pc) =	sbr.rel .LBB2_1-.Ltmp0, $4  }
0x8: {  	s6 =	simm.s32 $0x2;
	s7 =	simm.s32 @!p0 $0x0;
	p0 =	sne.s32 s5, $0x12  }
0x9: {  	[sflag:s6] =	ssyncpa.u1 $0x0;
	s5 =	smul.u32 $0xF0, s5;
	s9 =	simm.s32 @!p0 $0x0  }
0xa: {  	s8 =	sadd.s32 $0x4000, s8;
	[sflag:s10] =	ssyncpa.u1 $0x0;
	s7 =	sadd.s32 s9, s7  }
0xb: {  	vm0 =	vmmov $0xffff;
	s10 =	simm.s32 $0x0;
	s11 =	smov.u32 s5;
	s9 =	sadd.s32 $0x1, s7  }
.LBB2_4:
0xc: {  	v2 =	vnsel vm1, $0x0, v2  }
0xd: {  	vm1 =	vgt.s32 v0, $0x0;
	v2 =	vmin.u32 v2, $0x4E7F  }
0xe: {  	v0 =	vnsel vm1, $0x0, v0  }
0xf: {  	v0 =	vmin.u32 v0, $0x4E7F  }
0x10: {  	[tilespmem:s18], [sflag:$0x1] =	stream.indirect_vreg.gather [hbm4b:s2+s10], $0x1, v1, vm0, $0x4038;
	[tilespmem:$0x3C0] =	vst v63  }
0x11: {  	(ifvalue) =	ssetifvalue $0x7FFFFFFF  }
0x12: {  	[tilespmem:s15], [sflag:$0x1] =	stream.indirect_vreg.gather [hbm4b:s2+s10], $0x1, v2, vm0, $0x4038;
	[tilespmem:$0x3C0] =	vst v63  }
0x13: {  	s29 =	sadd.s32 $0x10, s15;
	(ifvalue) =	ssetifvalue $0x7FFFFFFF  }
0x14: {  	[tilespmem:s29], [sflag:$0x1] =	stream.indirect_vreg.gather [hbm4b:s2+s10], $0x1, v0, vm0, $0x4038;
	[tilespmem:$0x3C0] =	vst v63  }
0x15: {  	_ =	swait.ge [sflag:s4], $0xF0  }
0x16: {  	s30 =	sshrl.u32 s13, $0x3;
	[sflag:s4] =	ssyncset.done $0x0  }
0x17: {  	s31 =	sand.u32 $0x7, s13;
	s15 =	sadd.s32 s8, s30;
	[sflag:s4] =	ssyncadd.s32 $0xFFFFFF10  }
0x18: {  	[hbm4b:s15+s31] =	stream.linear.scatter [tilespmem:s14], [sflag:$0x3], $0xF0, $0x38;
	[tilespmem:$0x3C0] =	vst v63  }
.LBB2_5:
0x19: {  	s15 =	sadd.s32 $0x1E00, s11  }
0x1a: {  	p1 =	sgt.s32 s15, $0x2EDF  }
0x1b: {  	s15 =	smov.u32 @p1 s5;
	p1 =	sne.s32 s12, s9  }
.Ltmp1:
0x1c: {  	p0 =	slt.u32 s12, $0x2;
	(pc) =	sbr.rel @!p1 .LBB2_6-.Ltmp1, $4  }
0x1d: {  	s14 =	simm.s32 @!p0 $0x3  }
0x1e: {  	_ =	swait.ge @!p0 [sflag:s14], $0xF0  }
0x1f: {  	s16 =	sadd.s32 $0x1, s12;
	s13 =	smov.u32 s11;
	[sflag:s14] =	ssyncset.done @!p0 $0x0  }
0x20: {  	s12 =	smov.u32 s16;
	s11 =	smov.u32 s15;
	[sflag:s14] =	ssyncadd.s32 @!p0 $0xFFFFFF10  }
.LBB2_1:
0x21: {  	p0 =	sge.u32 s12, s7  }
0x22: {  	s14 =	sxor.u32 @!p0 $0x1, s12  }
0x23: {  	s14 =	smul.u32 @!p0 $0x3C0, s14  }
0x24: {  	s31 =	sadd.s32 $0xFFFFFFFF, s12;
	s15 =	sshrl.u32 @!p0 s11, $0x3  }
0x25: {  	s16 =	sand.u32 @!p0 $0x7, s11;
	s15 =	sadd.s32 @!p0 s3, s15;
	s14 =	sshra.s32 @!p0 s14, $0x2  }
0x26: {  	[tilespmem:s14], [sflag:$0x2] =	stream.linear.gather @!p0 [hbm4b:s15+s16], $0xF0, $0x38;
	[tilespmem:$0x3C0] =	vst v63  }
0x27: {  	p0 =	sge.u32 s31, s7  }
.Ltmp2:
0x28: {  	_ = 	snop;
	(pc) =	sbr.rel @p0 .LBB2_5-.Ltmp2, $1  }
0x29: {  	_ =	sdelay $0x3  }
0x2a: {  	s14 =	sand.u32 $0x1, s12  }
0x2b: {  	_ =	swait.ge [sflag:s6], $0xF0;
	p0 =	seq.s32 s14, $0x1;
	s14 =	simm.s32 $0xF0  }
0x2c: {  	[sflag:s6] =	ssyncset.done $0x0;
	s14 =	simm.s32 @!p0 $0x0  }
0x2d: {  	[sflag:s6] =	ssyncadd.s32 $0xFFFFFF10;
	(ifvalue) =	ssetifvalue $0x7FFFFFFF;
	v0 =	vld.msk [tilespmem:s14+$0x0 ss:$0x1], $0xffff;
	_ =	sdelay $0x4  }
0x2e: {  	s15 =	sadd.s32 $0x10, s14;
	vm1 =	vgt.s32 v0, $0x0  }
0x2f: {  	v2 =	vld.msk [tilespmem:s15+$0x0 ss:$0x1], $0xffff;
	v1 =	vnsel vm1, $0x0, v0  }
0x30: {  	v1 =	vmin.u32 v1, $0x4E7F;
	_ =	sdelay $0x2  }
0x31: {  	s17 =	simm.s32 $0x20;
	s14 =	sadd.s32 $0x1E0, s14;
	s16 =	sadd.s32 $0x10, s15  }
0x32: {  	s15 =	sadd.s32 $0x10, s14;
	s18 =	smov.u32 s14;
	v0 =	vld.msk [tilespmem:s16+$0x0 ss:$0x1], $0xffff;
	vm1 =	vgt.s32 v2, $0x0;
	(ifvalue) =	ssetifvalue $0x7FFFFFFF  }
.LBB2_3:
0x33: {  	[tilespmem:s18], [sflag:$0x1] =	stream.indirect_vreg.gather [hbm4b:s2+s10], $0x1, v1, vm0, $0x4038;
	[tilespmem:$0x3C0] =	vst v63  }
0x34: {  	s17 =	sadd.s32 $0x10, s17  }
0x35: {  	v2 =	vnsel vm1, $0x0, v2;
	p0 =	slt.u32 s17, $0xE0  }
.Ltmp3:
0x36: {  	s18 =	smov.u32 s15;
	v1 =	vmin.u32 v2, $0x4E7F;
	(pc) =	sbr.rel @p0 .LBB2_3-.Ltmp3, $3  }
0x37: {  	_ =	sdelay $0x1  }
0x38: {  	s16 =	sadd.s32 $0x10, s16  }
0x39: {  	vm1 =	vgt.s32 v0, $0x0;
	s15 =	sadd.s32 $0x10, s15;
	v2 =	vmov v0;
	(ifvalue) =	ssetifvalue $0x7FFFFFFF;
	v0 =	vld.msk [tilespmem:s16+$0x0 ss:$0x1], $0xffff  }
.Ltmp4:
0x3a: {  	_ = 	snop;
	(pc) =	sbr.rel .LBB2_4-.Ltmp4, $1  }
0x3b: {  	_ =	sdelay $0x3  }
.LBB2_6:
0x3c: {  	_ =	sfence.sel $0x180000  }
0x3d: {  	s2 =	simm.s32 $0x2;
	[bflag:$0x0] =	sbarrier.arrive $0xFFFF  }
0x3e: {  	s30 =	simm.s32 $0x3;
	[sflag:s2] =	ssyncpa.u1 $0x1  }
0x3f: {  	s31 =	simm.s32 $0x1;
	[sflag:s30] =	ssyncpa.u1 $0x1  }
0x40: {  	[sflag:s31] =	ssyncpa.u1 $0x1  }
0x41: {  	p0 =	sne.s32 s1, $0x0;
	_ =	strace $0x90000047  }
0x42: {  	s0 =	sadd.s32 @!p0 $0x100000, s0;
	[bflag:$0x2] =	sbarrier.arrive $0xFFFF  }
0x43: {  	[sflag:s0] =	ssyncadd.tile.s32 @!p0 $0x1;
	_ =	shalt  }
.Lfunc_end2:
_tile_overlayer_lowered:
.L_overlay_start_2:
0x44: {  	(tag) =	ssettag $0x2  }
0x45: {  	s0 =	rddreg [dreg:$0x0];
	s2 =	stileid.u32  }
0x46: {  	s1 =	rddreg [dreg:$0x1];
	p0 =	sne.s32 s2, $0x0  }
0x47: {  	s3 =	rddreg [dreg:$0x2];
	[bflag:$0x3] =	sbarrier.arrive $0xFFFF;
	s2 =	simm.s32 @!p0 $0x1C01  }
0x48: {  	[timem:s3], [sflag:s2] =	dma.local @!p0 [hbm:s0], s1  }
0x49: {  	s0 =	simm.s32 @!p0 $0x1  }
0x4a: {  	_ =	swait.ge @!p0 [sflag:s0], s1  }
0x4b: {  	s1 =	ssub.s32 @!p0 $0x0, s1;
	[sflag:s0] =	ssyncset.done @!p0 $0x0  }
0x4c: {  	[sflag:s0] =	ssyncadd.s32 @!p0 s1  }
0x4d: {  	[bflag:$0x3] =	sbarrier.arrive $0xFFFF  }
0x4e: {  	_ =	shalt  }

// kernel: gather_offload_async_start.2
scs
__scs_entry_jumppad:
0x0: {  	(pc) =	sbr.rel $0x88, $3  }
0x1: {  	(tag) =	ssettag $0x0;
	lr =	simm.s32 $0x1  }
0x2: {  	[smem:$0x3F9A] =	sst lr;
	_ =	strace $0xD0000000  }
0x3: {  	_ = 	snop  }
0x4: {  	_ = 	snop  }
0x5: {  	_ = 	snop  }
0x6: {  	_ = 	snop  }
0x7: {  	_ = 	snop  }
__scs_overlays_trampoline_lowered:
0x8: {  	[smem:$0x3FA9] =	sst s0  }
0x9: {  	[smem:$0x3FAA] =	sst s1  }
0xa: {  	[smem:$0x3FAB] =	sst s2  }
0xb: {  	[smem:$0x3FAC] =	sst s3  }
0xc: {  	[smem:$0x3FAD] =	sst s4  }
0xd: {  	[smem:$0x3FAE] =	sst s5  }
0xe: {  	[smem:$0x3FAF] =	sst s6  }
0xf: {  	[smem:$0x3FB0] =	sst s7  }
0x10: {  	[smem:$0x3FB1] =	sst s8  }
0x11: {  	[smem:$0x3FB2] =	sst s9;
	s0 =	simm.s32 @!p0 $0x0  }
0x12: {  	s1 =	sld [smem:$0x3F98];
	s0 =	simm.s32 @p0 $0x1  }
0x13: {  	[smem:$0x3FB3] =	sst s0;
	s0 =	simm.s32 @!p1 $0x0  }
0x14: {  	s2 =	sld [smem:$0x3F97];
	s0 =	simm.s32 @p1 $0x1  }
0x15: {  	[smem:$0x3FB4] =	sst s0;
	s0 =	simm.s32 @!p2 $0x0  }
0x16: {  	s3 =	sld [smem:$0x3FDB];
	s0 =	simm.s32 @p2 $0x1  }
0x17: {  	s4 =	simm.s32 $0x1BF5;
	[smem:$0x3FB6] =	sst s0  }
0x18: {  	s0 =	sld [smem:$0x3F99];
	_ =	swait.ge [sflag:s4], $0x0  }
0x19: {  	s7 =	sld [smem:$0x3F9A]  }
0x1a: {  	s8 =	sadd.s32 $0xFFFFE003, lr  }
0x1b: {  	s9 =	sadd.s32 $0xFFFFFEF7, lr;
	s5 =	simm.s32 $0xFFFFFFFF;
	p2 =	slt.u32 s8, $0xFFFFF086  }
0x1c: {  	p1 =	slt.u32 s9, $0xF7A;
	s5 =	simm.s32 @!p2 $0x0  }
0x1d: {  	s5 =	simm.s32 @p1 $0x1;
	p0 =	seq.s32 s7, s2  }
0x1e: {  	s7 =	smul.u32 @!p0 $0xF7A, s2;
	p2 =	seq.s32 @!p0 s5, $0x0  }
0x1f: {  	s9 =	smul.u32 $0xF7A, s1;
	s8 =	simm.s32 @!p0 $0x1BF5;
	p2 =	por !p2, p0  }
0x20: {  	[sflag:s8] =	ssyncset.s32 @!p0 $0xFFFFF086;
	s6 =	sadd.s32 @!p0 s3, s7;
	s7 =	simm.s32 @!p0 $0x108  }
0x21: {  	s3 =	sadd.s32 s3, s9;
	s6 =	sadd.s32 @!p0 $0x88, s6;
	s7 =	simm.s32 @p2 $0x1082  }
0x22: {  	[simem:s7], [sflag:s8] =	dma.local @!p0 [hbm:s6], $0xF7A  }
0x23: {  	s9 =	sor.u32 $0xD0000000, s2;
	s6 =	simm.s32 $0x108;
	_ =	swait.ge @!p0 [sflag:s8], $0x0  }
0x24: {  	s3 =	sadd.s32 $0x88, s3;
	s6 =	simm.s32 @!p1 $0x1082;
	[sflag:s4] =	ssyncset.s32 $0xFFFFF086  }
0x25: {  	[simem:s6], [sflag:s4] =	dma.local [hbm:s3], $0xF7A  }
0x26: {  	[smem:$0x3F9A] =	sst s1;
	(tag) =	ssettag s2;
	_ =	strace s9  }
0x27: {  	s1 =	sld [smem:$0x3FAA]  }
0x28: {  	s2 =	sld [smem:$0x3FAB]  }
0x29: {  	s4 =	sld [smem:$0x3FAD]  }
0x2a: {  	p0 =	seq.s32 s5, $0x0;
	s5 =	sld [smem:$0x3FAE]  }
0x2b: {  	s6 =	sld [smem:$0x3FAF]  }
0x2c: {  	s7 =	sld [smem:$0x3FB0]  }
0x2d: {  	s3 =	simm.s32 $0x108;
	s8 =	sld [smem:$0x3FB1]  }
0x2e: {  	s3 =	simm.s32 @!p0 $0x1082;
	s9 =	sld [smem:$0x3FB2]  }
0x2f: {  	lr =	sadd.s32 s0, s3;
	s0 =	sld [smem:$0x3FA9]  }
0x30: {  	s3 =	sld [smem:$0x3FAC]  }
0x31: {  	[smem:$0x3FB5] =	sst s10  }
0x32: {  	s10 =	sld [smem:$0x3FB3];
	_ =	sdelay $0x3  }
0x33: {  	p0 =	seq.s32 s10, $0x1;
	s10 =	sld [smem:$0x3FB5];
	_ =	sdelay $0x3  }
0x34: {  	[smem:$0x3FB5] =	sst s10  }
0x35: {  	s10 =	sld [smem:$0x3FB4];
	_ =	sdelay $0x3  }
0x36: {  	p1 =	seq.s32 s10, $0x1;
	s10 =	sld [smem:$0x3FB5];
	_ =	sdelay $0x3  }
0x37: {  	[smem:$0x3FB5] =	sst s10  }
0x38: {  	s10 =	sld [smem:$0x3FB6]  }
0x39: {  	_ = 	snop;
	(pc) =	sbr.ind lr, $3  }
0x3a: {  	_ = 	snop  }
0x3b: {  	_ = 	snop  }
0x3c: {  	p2 =	seq.s32 s10, $0x1;
	s10 =	sld [smem:$0x3FB5]  }
0x3d: {  	_ =	shalt  }
0x3e: {  	_ =	shalt  }
0x3f: {  	_ =	shalt  }
0x40: {  	_ =	shalt  }
0x41: {  	_ =	shalt  }
0x42: {  	_ =	shalt  }
0x43: {  	_ =	shalt  }
0x44: {  	_ =	shalt  }
0x45: {  	_ =	shalt  }
0x46: {  	_ =	shalt  }
0x47: {  	_ =	shalt  }
0x48: {  	_ =	shalt  }
0x49: {  	_ =	shalt  }
0x4a: {  	_ =	shalt  }
0x4b: {  	_ =	shalt  }
0x4c: {  	_ =	shalt  }
0x4d: {  	_ =	shalt  }
0x4e: {  	_ =	shalt  }
0x4f: {  	_ =	shalt  }
0x50: {  	_ =	shalt  }
0x51: {  	_ =	shalt  }
0x52: {  	_ =	shalt  }
0x53: {  	_ =	shalt  }
0x54: {  	_ =	shalt  }
0x55: {  	_ =	shalt  }
0x56: {  	_ =	shalt  }
0x57: {  	_ =	shalt  }
0x58: {  	_ =	shalt  }
0x59: {  	_ =	shalt  }
0x5a: {  	_ =	shalt  }
0x5b: {  	_ =	shalt  }
0x5c: {  	_ =	shalt  }
0x5d: {  	_ =	shalt  }
0x5e: {  	_ =	shalt  }
0x5f: {  	_ =	shalt  }
0x60: {  	_ =	shalt  }
0x61: {  	_ =	shalt  }
0x62: {  	_ =	shalt  }
0x63: {  	_ =	shalt  }
0x64: {  	_ =	shalt  }
0x65: {  	_ =	shalt  }
0x66: {  	_ =	shalt  }
0x67: {  	_ =	shalt  }
0x68: {  	_ =	shalt  }
0x69: {  	_ =	shalt  }
0x6a: {  	_ =	shalt  }
0x6b: {  	_ =	shalt  }
0x6c: {  	_ =	shalt  }
0x6d: {  	_ =	shalt  }
0x6e: {  	_ =	shalt  }
0x6f: {  	_ =	shalt  }
0x70: {  	_ =	shalt  }
0x71: {  	_ =	shalt  }
0x72: {  	_ =	shalt  }
0x73: {  	_ =	shalt  }
0x74: {  	_ =	shalt  }
0x75: {  	_ =	shalt  }
0x76: {  	_ =	shalt  }
0x77: {  	_ =	shalt  }
0x78: {  	_ =	shalt  }
0x79: {  	_ =	shalt  }
0x7a: {  	_ =	shalt  }
0x7b: {  	_ =	shalt  }
0x7c: {  	_ =	shalt  }
0x7d: {  	_ =	shalt  }
0x7e: {  	_ =	shalt  }
0x7f: {  	_ =	shalt  }
0x80: {  	_ =	shalt  }
0x81: {  	_ =	shalt  }
0x82: {  	_ =	shalt  }
0x83: {  	_ =	shalt  }
0x84: {  	_ =	shalt  }
0x85: {  	_ =	shalt  }
0x86: {  	_ =	shalt  }
0x87: {  	_ =	shalt  }
.Lfunc_end0:
.L_simem_size_0:
called_computation.4_lowered:
.L_overlay_start_0:
0x88: {  	s2 =	sld [smem:$0x3FD9]  }
0x89: {  	s3 =	sld [smem:$0x3FFE];
	_ =	sdelay $0x1  }
0x8a: {  	s1 =	srdreg.scid  }
0x8b: {  	s0 =	sand.u32 $0x1, s1  }
0x8c: {  	s17 =	sshll.u32 s0, $0xA;
	s2 =	sadd.s32 s3, s2  }
0x8d: {  	s2 =	sadd.s32 s2, s17  }
0x8e: {  	[smem:$0x3FC1] =	sst s2  }
0x8f: {  	_ = 	snop  }
0x90: {  	(tm) =	ssettm $0x1  }
0x91: {  	s18 =	sld [smem:$0x3FFB];
	_ =	sdelay $0x3  }
0x92: {  	_ =	strace s18  }
0x93: {  	s2 =	sld [smem:$0x3FFC];
	_ =	sdelay $0x3  }
0x94: {  	_ =	strace s2  }
0x95: {  	s2 =	sld [smem:$0x3FFD];
	_ =	sdelay $0x3  }
0x96: {  	_ =	strace s2  }
0x97: {  	_ =	strace $0x8FFFFFFF  }
0x98: {  	s19 =	sld [smem:$0x3FDB];
	_ =	sdelay $0x1  }
0x99: {  	s20 =	simm.s32 $_scs_section_size  }
0x9a: {  	s4 =	simm.s32 $_size__tile_overlayer_lowered;
	s5 =	simm.s32 $_tile_overlayer_lowered  }
0x9b: {  	s6 =	simm.s32 $0x1BFF;
	s21 =	sshll.u32 s5, $0x1;
	s3 =	sadd.s32 s20, s19  }
0x9c: {  	s22 =	simm.s32 $0x0;
	s4 =	sshll.u32 s4, $0x1;
	s5 =	sadd.s32 s21, s3  }
0x9d: {  	[timem:s22], [sflag:s6] =	dma.local [hbm:s5], s4  }
0x9e: {  	_ =	swait.ge [sflag:s6], s4  }
0x9f: {  	s4 =	ssub.s32 $0x0, s4;
	[sflag:s6] =	ssyncset.done $0x0  }
0xa0: {  	[sflag:s6] =	ssyncadd.s32 s4;
	_ =	sdelay $0x1  }
0xa1: {  	s23 =	simm.s32 $0x1B8B  }
0xa2: {  	_ =	swait.ge [sflag:s23], $0x1  }
0xa3: {  	[sflag:s23] =	ssyncset.done $0x0  }
0xa4: {  	[sflag:s23] =	ssyncadd.s32 $0xFFFFFFFF  }
0xa5: {  	s4 =	sld [smem:$0x0]  }
0xa6: {  	s5 =	sand.u32 $0xFFFFFFFE, s1  }
0xa7: {  	p0 =	sne.s32 s1, s5  }
0xa8: {  	s5 =	sshll.u32 @p0 s5, $0xE  }
0xa9: {  	s5 =	sadd.s32 @p0 $0x11B8D, s5;
	s6 =	sshll.u32 @p0 s4, $0x11  }
0xaa: {  	s5 =	sor.u32 @p0 s6, s5  }
0xab: {  	[sflag:s5] =	ssyncadd.remote.s32 @p0 $0x1;
	_ =	sdelay $0x1  }
0xac: {  	s5 =	simm.s32 @p0 $0x1B8D  }
0xad: {  	_ =	swait.eq @p0 [sflag:s5], $0x1  }
0xae: {  	[sflag:s5] =	ssyncadd.s32 @p0 $0xFFFFFFFF  }
0xaf: {  	s6 =	sshll.u32 @!p0 s1, $0xE  }
0xb0: {  	s6 =	sor.u32 @!p0 $0x4000, s6;
	s5 =	simm.s32 @!p0 $0x1B8D  }
0xb1: {  	s4 =	sshll.u32 @!p0 s4, $0x11;
	s6 =	sadd.s32 @!p0 $0x11B8D, s6;
	_ =	swait.eq @!p0 [sflag:s5], $0x1  }
0xb2: {  	s4 =	sor.u32 @!p0 s4, s6;
	[sflag:s5] =	ssyncadd.s32 @!p0 $0xFFFFFFFF  }
0xb3: {  	s25 =	simm.s32 $0x1B8E;
	s24 =	sld [smem:$0x3FFE];
	[sflag:s4] =	ssyncadd.remote.s32 @!p0 $0x1  }
0xb4: {  	s26 =	simm.s32 $execute0_lowered;
	[smem:$0x3FD2] =	sst s25  }
0xb5: {  	s5 =	sshll.u32 s26, $0x1;
	_ =	strace $0x80000049;
	[dreg:$0x1] =	wrdreg $0xFFFFFFFF  }
0xb6: {  	s28 =	simm.s32 $_size_execute0_lowered;
	s3 =	sadd.s32 s3, s5;
	[dreg:$0x0] =	wrdreg $0x0  }
0xb7: {  	s5 =	sshll.u32 s28, $0x1;
	[dreg:$0x2] =	wrdreg s3  }
0xb8: {  	[dreg:$0x3] =	wrdreg s5  }
0xb9: {  	[dreg:$0x4] =	wrdreg $0xC0  }
0xba: {  	_ =	task [dreg:s22], $0x5FFFF  }
0xbb: {  	[dreg:$0x1] =	wrdreg $0xFFFFFFFF  }
0xbc: {  	[dreg:$0x0] =	wrdreg $0x60  }
0xbd: {  	[dreg:$0x2] =	wrdreg s24  }
0xbe: {  	[dreg:$0x3] =	wrdreg $0xA  }
0xbf: {  	_ =	task.clear_ibuf [dreg:s22], $0x4FFFF;
	_ =	strace $0x90000049  }
0xc0: {  	s29 =	simm.s32 $0xA;
	_ =	strace $0x8000004B  }
0xc1: {  	_ =	swait.ge [sflag:s29], $0x1  }
0xc2: {  	[sflag:s29] =	ssyncadd.s32 $0xFFFFFFFF  }
0xc3: {  	_ =	strace $0x9000004B  }
0xc4: {  	_ =	sfence  }
0xc5: {  	s30 =	sld [smem:$0x0];
	_ =	sdelay $0x2  }
0xc6: {  	s31 =	sshll.u32 s1, $0xD;
	s1 =	sshrl.u32 s1, $0x2  }
0xc7: {  	s4 =	sand.u32 $0x4000, s31;
	s1 =	sadd.s32 s1, s30  }
0xc8: {  	s0 =	sor.u32 s4, s0;
	s1 =	sshll.u32 s1, $0x11  }
0xc9: {  	s0 =	sor.u32 s1, s0  }
0xca: {  	s0 =	sadd.s32 $0x8F2B, s0  }
0xcb: {  	[sflag:s0] =	ssyncadd.remote.s32 $0x1  }
0xcc: {  	_ =	sfence.sel $0xFFFF  }
0xcd: {  	[dreg:$0x0] =	wrdreg $0xFFFFFFFF;
	(pc) =	sbr.abs _section_cstart, $3  }
0xce: {  	[dreg:$0x1] =	wrdreg $0xFFFFFFFF  }
0xcf: {  	_ =	task.clear_ibuf [dreg:s22], $0x2FFFF;
	_ =	strace $0x9FFFFFFF  }
0xd0: {  	(tm) =	ssettm $0x7FFFFFFF  }
0xd1: {  	_ =	shalt  }
tec
execute0_lowered:
.L_overlay_start_1:
0x0: {  	(tag) =	ssettag $0x1  }
0x1: {  	s8 =	rddreg [dreg:$0x0]  }
0x2: {  	s0 =	rddreg [dreg:$0x1];
	_ =	strace $0x8000004A;
	s1 =	stileid.u32  }
0x3: {  	s3 =	srdreg.scid;
	s4 =	simm.s32 $0x1;
	s7 =	simm.s32 $0x1  }
0x4: {  	s9 =	simm.s32 $0x1;
	s10 =	simm.s32 $0x3;
	s13 =	simm.s32 $0x0  }
0x5: {  	s12 =	simm.s32 $0x0;
	s5 =	sand.u32 $0x1, s3;
	s6 =	sshll.u32 s1, $0x1  }
0x6: {  	s2 =	sadd.s32 $0x1800, s8;
	s3 =	sadd.s32 $0x800, s8;
	s5 =	sor.u32 s6, s5  }
.Ltmp0:
0x7: {  	[sflag:s4] =	ssyncpa.u1 $0x0;
	p0 =	slt.u32 s5, $0x13;
	(pc) =	sbr.rel .LBB2_1-.Ltmp0, $4  }
0x8: {  	s6 =	simm.s32 $0x2;
	s7 =	simm.s32 @!p0 $0x0;
	p0 =	sne.s32 s5, $0x12  }
0x9: {  	[sflag:s6] =	ssyncpa.u1 $0x0;
	s5 =	smul.u32 $0xF0, s5;
	s9 =	simm.s32 @!p0 $0x0  }
0xa: {  	s8 =	sadd.s32 $0x4600, s8;
	[sflag:s10] =	ssyncpa.u1 $0x0;
	s7 =	sadd.s32 s9, s7  }
0xb: {  	vm0 =	vmmov $0xffff;
	s10 =	simm.s32 $0x0;
	s11 =	smov.u32 s5;
	s9 =	sadd.s32 $0x1, s7  }
.LBB2_4:
0xc: {  	v2 =	vnsel vm1, $0x0, v2  }
0xd: {  	vm1 =	vgt.s32 v0, $0x0;
	v2 =	vmin.u32 v2, $0x4E7F  }
0xe: {  	v0 =	vnsel vm1, $0x0, v0  }
0xf: {  	v0 =	vmin.u32 v0, $0x4E7F  }
0x10: {  	[tilespmem:s18], [sflag:$0x1] =	stream.indirect_vreg.gather [hbm4b:s2+s10], $0x1, v1, vm0, $0x4038;
	[tilespmem:$0x3C0] =	vst v63  }
0x11: {  	(ifvalue) =	ssetifvalue $0x7FFFFFFF  }
0x12: {  	[tilespmem:s15], [sflag:$0x1] =	stream.indirect_vreg.gather [hbm4b:s2+s10], $0x1, v2, vm0, $0x4038;
	[tilespmem:$0x3C0] =	vst v63  }
0x13: {  	s29 =	sadd.s32 $0x10, s15;
	(ifvalue) =	ssetifvalue $0x7FFFFFFF  }
0x14: {  	[tilespmem:s29], [sflag:$0x1] =	stream.indirect_vreg.gather [hbm4b:s2+s10], $0x1, v0, vm0, $0x4038;
	[tilespmem:$0x3C0] =	vst v63  }
0x15: {  	_ =	swait.ge [sflag:s4], $0xF0  }
0x16: {  	s30 =	sshrl.u32 s13, $0x3;
	[sflag:s4] =	ssyncset.done $0x0  }
0x17: {  	s31 =	sand.u32 $0x7, s13;
	s15 =	sadd.s32 s8, s30;
	[sflag:s4] =	ssyncadd.s32 $0xFFFFFF10  }
0x18: {  	[hbm4b:s15+s31] =	stream.linear.scatter [tilespmem:s14], [sflag:$0x3], $0xF0, $0x38;
	[tilespmem:$0x3C0] =	vst v63  }
.LBB2_5:
0x19: {  	s15 =	sadd.s32 $0x1E00, s11  }
0x1a: {  	p1 =	sgt.s32 s15, $0x2EDF  }
0x1b: {  	s15 =	smov.u32 @p1 s5;
	p1 =	sne.s32 s12, s9  }
.Ltmp1:
0x1c: {  	p0 =	slt.u32 s12, $0x2;
	(pc) =	sbr.rel @!p1 .LBB2_6-.Ltmp1, $4  }
0x1d: {  	s14 =	simm.s32 @!p0 $0x3  }
0x1e: {  	_ =	swait.ge @!p0 [sflag:s14], $0xF0  }
0x1f: {  	s16 =	sadd.s32 $0x1, s12;
	s13 =	smov.u32 s11;
	[sflag:s14] =	ssyncset.done @!p0 $0x0  }
0x20: {  	s12 =	smov.u32 s16;
	s11 =	smov.u32 s15;
	[sflag:s14] =	ssyncadd.s32 @!p0 $0xFFFFFF10  }
.LBB2_1:
0x21: {  	p0 =	sge.u32 s12, s7  }
0x22: {  	s14 =	sxor.u32 @!p0 $0x1, s12  }
0x23: {  	s14 =	smul.u32 @!p0 $0x3C0, s14  }
0x24: {  	s31 =	sadd.s32 $0xFFFFFFFF, s12;
	s15 =	sshrl.u32 @!p0 s11, $0x3  }
0x25: {  	s16 =	sand.u32 @!p0 $0x7, s11;
	s15 =	sadd.s32 @!p0 s3, s15;
	s14 =	sshra.s32 @!p0 s14, $0x2  }
0x26: {  	[tilespmem:s14], [sflag:$0x2] =	stream.linear.gather @!p0 [hbm4b:s15+s16], $0xF0, $0x38;
	[tilespmem:$0x3C0] =	vst v63  }
0x27: {  	p0 =	sge.u32 s31, s7  }
.Ltmp2:
0x28: {  	_ = 	snop;
	(pc) =	sbr.rel @p0 .LBB2_5-.Ltmp2, $1  }
0x29: {  	_ =	sdelay $0x3  }
0x2a: {  	s14 =	sand.u32 $0x1, s12  }
0x2b: {  	_ =	swait.ge [sflag:s6], $0xF0;
	p0 =	seq.s32 s14, $0x1;
	s14 =	simm.s32 $0xF0  }
0x2c: {  	[sflag:s6] =	ssyncset.done $0x0;
	s14 =	simm.s32 @!p0 $0x0  }
0x2d: {  	[sflag:s6] =	ssyncadd.s32 $0xFFFFFF10;
	(ifvalue) =	ssetifvalue $0x7FFFFFFF;
	v0 =	vld.msk [tilespmem:s14+$0x0 ss:$0x1], $0xffff;
	_ =	sdelay $0x4  }
0x2e: {  	s15 =	sadd.s32 $0x10, s14;
	vm1 =	vgt.s32 v0, $0x0  }
0x2f: {  	v2 =	vld.msk [tilespmem:s15+$0x0 ss:$0x1], $0xffff;
	v1 =	vnsel vm1, $0x0, v0  }
0x30: {  	v1 =	vmin.u32 v1, $0x4E7F;
	_ =	sdelay $0x2  }
0x31: {  	s17 =	simm.s32 $0x20;
	s14 =	sadd.s32 $0x1E0, s14;
	s16 =	sadd.s32 $0x10, s15  }
0x32: {  	s15 =	sadd.s32 $0x10, s14;
	s18 =	smov.u32 s14;
	v0 =	vld.msk [tilespmem:s16+$0x0 ss:$0x1], $0xffff;
	vm1 =	vgt.s32 v2, $0x0;
	(ifvalue) =	ssetifvalue $0x7FFFFFFF  }
.LBB2_3:
0x33: {  	[tilespmem:s18], [sflag:$0x1] =	stream.indirect_vreg.gather [hbm4b:s2+s10], $0x1, v1, vm0, $0x4038;
	[tilespmem:$0x3C0] =	vst v63  }
0x34: {  	s17 =	sadd.s32 $0x10, s17  }
0x35: {  	v2 =	vnsel vm1, $0x0, v2;
	p0 =	slt.u32 s17, $0xE0  }
.Ltmp3:
0x36: {  	s18 =	smov.u32 s15;
	v1 =	vmin.u32 v2, $0x4E7F;
	(pc) =	sbr.rel @p0 .LBB2_3-.Ltmp3, $3  }
0x37: {  	_ =	sdelay $0x1  }
0x38: {  	s16 =	sadd.s32 $0x10, s16  }
0x39: {  	vm1 =	vgt.s32 v0, $0x0;
	s15 =	sadd.s32 $0x10, s15;
	v2 =	vmov v0;
	(ifvalue) =	ssetifvalue $0x7FFFFFFF;
	v0 =	vld.msk [tilespmem:s16+$0x0 ss:$0x1], $0xffff  }
.Ltmp4:
0x3a: {  	_ = 	snop;
	(pc) =	sbr.rel .LBB2_4-.Ltmp4, $1  }
0x3b: {  	_ =	sdelay $0x3  }
.LBB2_6:
0x3c: {  	_ =	sfence.sel $0x180000  }
0x3d: {  	s2 =	simm.s32 $0x2;
	[bflag:$0x0] =	sbarrier.arrive $0xFFFF  }
0x3e: {  	s30 =	simm.s32 $0x3;
	[sflag:s2] =	ssyncpa.u1 $0x1  }
0x3f: {  	s31 =	simm.s32 $0x1;
	[sflag:s30] =	ssyncpa.u1 $0x1  }
0x40: {  	[sflag:s31] =	ssyncpa.u1 $0x1  }
0x41: {  	p0 =	sne.s32 s1, $0x0;
	_ =	strace $0x9000004A  }
0x42: {  	s0 =	sadd.s32 @!p0 $0x100000, s0;
	[bflag:$0x2] =	sbarrier.arrive $0xFFFF  }
0x43: {  	[sflag:s0] =	ssyncadd.tile.s32 @!p0 $0x1;
	_ =	shalt  }
.Lfunc_end2:
_tile_overlayer_lowered:
.L_overlay_start_2:
0x44: {  	(tag) =	ssettag $0x2  }
0x45: {  	s0 =	rddreg [dreg:$0x0];
	s2 =	stileid.u32  }
0x46: {  	s1 =	rddreg [dreg:$0x1];
	p0 =	sne.s32 s2, $0x0  }
0x47: {  	s3 =	rddreg [dreg:$0x2];
	[bflag:$0x3] =	sbarrier.arrive $0xFFFF;
	s2 =	simm.s32 @!p0 $0x1C01  }
0x48: {  	[timem:s3], [sflag:s2] =	dma.local @!p0 [hbm:s0], s1  }
0x49: {  	s0 =	simm.s32 @!p0 $0x1  }
0x4a: {  	_ =	swait.ge @!p0 [sflag:s0], s1  }
0x4b: {  	s1 =	ssub.s32 @!p0 $0x0, s1;
	[sflag:s0] =	ssyncset.done @!p0 $0x0  }
0x4c: {  	[sflag:s0] =	ssyncadd.s32 @!p0 s1  }
0x4d: {  	[bflag:$0x3] =	sbarrier.arrive $0xFFFF  }
0x4e: {  	_ =	shalt  }

// kernel: gather_offload_async_start.3
scs
__scs_entry_jumppad:
0x0: {  	(pc) =	sbr.rel $0x88, $3  }
0x1: {  	(tag) =	ssettag $0x0;
	lr =	simm.s32 $0x1  }
0x2: {  	[smem:$0x3F9A] =	sst lr;
	_ =	strace $0xD0000000  }
0x3: {  	_ = 	snop  }
0x4: {  	_ = 	snop  }
0x5: {  	_ = 	snop  }
0x6: {  	_ = 	snop  }
0x7: {  	_ = 	snop  }
__scs_overlays_trampoline_lowered:
0x8: {  	[smem:$0x3FA9] =	sst s0  }
0x9: {  	[smem:$0x3FAA] =	sst s1  }
0xa: {  	[smem:$0x3FAB] =	sst s2  }
0xb: {  	[smem:$0x3FAC] =	sst s3  }
0xc: {  	[smem:$0x3FAD] =	sst s4  }
0xd: {  	[smem:$0x3FAE] =	sst s5  }
0xe: {  	[smem:$0x3FAF] =	sst s6  }
0xf: {  	[smem:$0x3FB0] =	sst s7  }
0x10: {  	[smem:$0x3FB1] =	sst s8  }
0x11: {  	[smem:$0x3FB2] =	sst s9;
	s0 =	simm.s32 @!p0 $0x0  }
0x12: {  	s1 =	sld [smem:$0x3F98];
	s0 =	simm.s32 @p0 $0x1  }
0x13: {  	[smem:$0x3FB3] =	sst s0;
	s0 =	simm.s32 @!p1 $0x0  }
0x14: {  	s2 =	sld [smem:$0x3F97];
	s0 =	simm.s32 @p1 $0x1  }
0x15: {  	[smem:$0x3FB4] =	sst s0;
	s0 =	simm.s32 @!p2 $0x0  }
0x16: {  	s3 =	sld [smem:$0x3FDB];
	s0 =	simm.s32 @p2 $0x1  }
0x17: {  	s4 =	simm.s32 $0x1BF5;
	[smem:$0x3FB6] =	sst s0  }
0x18: {  	s0 =	sld [smem:$0x3F99];
	_ =	swait.ge [sflag:s4], $0x0  }
0x19: {  	s7 =	sld [smem:$0x3F9A]  }
0x1a: {  	s8 =	sadd.s32 $0xFFFFE003, lr  }
0x1b: {  	s9 =	sadd.s32 $0xFFFFFEF7, lr;
	s5 =	simm.s32 $0xFFFFFFFF;
	p2 =	slt.u32 s8, $0xFFFFF086  }
0x1c: {  	p1 =	slt.u32 s9, $0xF7A;
	s5 =	simm.s32 @!p2 $0x0  }
0x1d: {  	s5 =	simm.s32 @p1 $0x1;
	p0 =	seq.s32 s7, s2  }
0x1e: {  	s7 =	smul.u32 @!p0 $0xF7A, s2;
	p2 =	seq.s32 @!p0 s5, $0x0  }
0x1f: {  	s9 =	smul.u32 $0xF7A, s1;
	s8 =	simm.s32 @!p0 $0x1BF5;
	p2 =	por !p2, p0  }
0x20: {  	[sflag:s8] =	ssyncset.s32 @!p0 $0xFFFFF086;
	s6 =	sadd.s32 @!p0 s3, s7;
	s7 =	simm.s32 @!p0 $0x108  }
0x21: {  	s3 =	sadd.s32 s3, s9;
	s6 =	sadd.s32 @!p0 $0x88, s6;
	s7 =	simm.s32 @p2 $0x1082  }
0x22: {  	[simem:s7], [sflag:s8] =	dma.local @!p0 [hbm:s6], $0xF7A  }
0x23: {  	s9 =	sor.u32 $0xD0000000, s2;
	s6 =	simm.s32 $0x108;
	_ =	swait.ge @!p0 [sflag:s8], $0x0  }
0x24: {  	s3 =	sadd.s32 $0x88, s3;
	s6 =	simm.s32 @!p1 $0x1082;
	[sflag:s4] =	ssyncset.s32 $0xFFFFF086  }
0x25: {  	[simem:s6], [sflag:s4] =	dma.local [hbm:s3], $0xF7A  }
0x26: {  	[smem:$0x3F9A] =	sst s1;
	(tag) =	ssettag s2;
	_ =	strace s9  }
0x27: {  	s1 =	sld [smem:$0x3FAA]  }
0x28: {  	s2 =	sld [smem:$0x3FAB]  }
0x29: {  	s4 =	sld [smem:$0x3FAD]  }
0x2a: {  	p0 =	seq.s32 s5, $0x0;
	s5 =	sld [smem:$0x3FAE]  }
0x2b: {  	s6 =	sld [smem:$0x3FAF]  }
0x2c: {  	s7 =	sld [smem:$0x3FB0]  }
0x2d: {  	s3 =	simm.s32 $0x108;
	s8 =	sld [smem:$0x3FB1]  }
0x2e: {  	s3 =	simm.s32 @!p0 $0x1082;
	s9 =	sld [smem:$0x3FB2]  }
0x2f: {  	lr =	sadd.s32 s0, s3;
	s0 =	sld [smem:$0x3FA9]  }
0x30: {  	s3 =	sld [smem:$0x3FAC]  }
0x31: {  	[smem:$0x3FB5] =	sst s10  }
0x32: {  	s10 =	sld [smem:$0x3FB3];
	_ =	sdelay $0x3  }
0x33: {  	p0 =	seq.s32 s10, $0x1;
	s10 =	sld [smem:$0x3FB5];
	_ =	sdelay $0x3  }
0x34: {  	[smem:$0x3FB5] =	sst s10  }
0x35: {  	s10 =	sld [smem:$0x3FB4];
	_ =	sdelay $0x3  }
0x36: {  	p1 =	seq.s32 s10, $0x1;
	s10 =	sld [smem:$0x3FB5];
	_ =	sdelay $0x3  }
0x37: {  	[smem:$0x3FB5] =	sst s10  }
0x38: {  	s10 =	sld [smem:$0x3FB6]  }
0x39: {  	_ = 	snop;
	(pc) =	sbr.ind lr, $3  }
0x3a: {  	_ = 	snop  }
0x3b: {  	_ = 	snop  }
0x3c: {  	p2 =	seq.s32 s10, $0x1;
	s10 =	sld [smem:$0x3FB5]  }
0x3d: {  	_ =	shalt  }
0x3e: {  	_ =	shalt  }
0x3f: {  	_ =	shalt  }
0x40: {  	_ =	shalt  }
0x41: {  	_ =	shalt  }
0x42: {  	_ =	shalt  }
0x43: {  	_ =	shalt  }
0x44: {  	_ =	shalt  }
0x45: {  	_ =	shalt  }
0x46: {  	_ =	shalt  }
0x47: {  	_ =	shalt  }
0x48: {  	_ =	shalt  }
0x49: {  	_ =	shalt  }
0x4a: {  	_ =	shalt  }
0x4b: {  	_ =	shalt  }
0x4c: {  	_ =	shalt  }
0x4d: {  	_ =	shalt  }
0x4e: {  	_ =	shalt  }
0x4f: {  	_ =	shalt  }
0x50: {  	_ =	shalt  }
0x51: {  	_ =	shalt  }
0x52: {  	_ =	shalt  }
0x53: {  	_ =	shalt  }
0x54: {  	_ =	shalt  }
0x55: {  	_ =	shalt  }
0x56: {  	_ =	shalt  }
0x57: {  	_ =	shalt  }
0x58: {  	_ =	shalt  }
0x59: {  	_ =	shalt  }
0x5a: {  	_ =	shalt  }
0x5b: {  	_ =	shalt  }
0x5c: {  	_ =	shalt  }
0x5d: {  	_ =	shalt  }
0x5e: {  	_ =	shalt  }
0x5f: {  	_ =	shalt  }
0x60: {  	_ =	shalt  }
0x61: {  	_ =	shalt  }
0x62: {  	_ =	shalt  }
0x63: {  	_ =	shalt  }
0x64: {  	_ =	shalt  }
0x65: {  	_ =	shalt  }
0x66: {  	_ =	shalt  }
0x67: {  	_ =	shalt  }
0x68: {  	_ =	shalt  }
0x69: {  	_ =	shalt  }
0x6a: {  	_ =	shalt  }
0x6b: {  	_ =	shalt  }
0x6c: {  	_ =	shalt  }
0x6d: {  	_ =	shalt  }
0x6e: {  	_ =	shalt  }
0x6f: {  	_ =	shalt  }
0x70: {  	_ =	shalt  }
0x71: {  	_ =	shalt  }
0x72: {  	_ =	shalt  }
0x73: {  	_ =	shalt  }
0x74: {  	_ =	shalt  }
0x75: {  	_ =	shalt  }
0x76: {  	_ =	shalt  }
0x77: {  	_ =	shalt  }
0x78: {  	_ =	shalt  }
0x79: {  	_ =	shalt  }
0x7a: {  	_ =	shalt  }
0x7b: {  	_ =	shalt  }
0x7c: {  	_ =	shalt  }
0x7d: {  	_ =	shalt  }
0x7e: {  	_ =	shalt  }
0x7f: {  	_ =	shalt  }
0x80: {  	_ =	shalt  }
0x81: {  	_ =	shalt  }
0x82: {  	_ =	shalt  }
0x83: {  	_ =	shalt  }
0x84: {  	_ =	shalt  }
0x85: {  	_ =	shalt  }
0x86: {  	_ =	shalt  }
0x87: {  	_ =	shalt  }
.Lfunc_end0:
.L_simem_size_0:
called_computation.5_lowered:
.L_overlay_start_0:
0x88: {  	s2 =	sld [smem:$0x3FD9]  }
0x89: {  	s3 =	sld [smem:$0x3FFE];
	_ =	sdelay $0x1  }
0x8a: {  	s1 =	srdreg.scid  }
0x8b: {  	s0 =	sand.u32 $0x1, s1  }
0x8c: {  	s17 =	sshll.u32 s0, $0xA;
	s2 =	sadd.s32 s3, s2  }
0x8d: {  	s2 =	sadd.s32 s2, s17  }
0x8e: {  	[smem:$0x3FC1] =	sst s2  }
0x8f: {  	_ = 	snop  }
0x90: {  	(tm) =	ssettm $0x1  }
0x91: {  	s18 =	sld [smem:$0x3FFB];
	_ =	sdelay $0x3  }
0x92: {  	_ =	strace s18  }
0x93: {  	s2 =	sld [smem:$0x3FFC];
	_ =	sdelay $0x3  }
0x94: {  	_ =	strace s2  }
0x95: {  	s2 =	sld [smem:$0x3FFD];
	_ =	sdelay $0x3  }
0x96: {  	_ =	strace s2  }
0x97: {  	_ =	strace $0x8FFFFFFF  }
0x98: {  	s19 =	sld [smem:$0x3FDB];
	_ =	sdelay $0x1  }
0x99: {  	s20 =	simm.s32 $_scs_section_size  }
0x9a: {  	s4 =	simm.s32 $_size__tile_overlayer_lowered;
	s5 =	simm.s32 $_tile_overlayer_lowered  }
0x9b: {  	s6 =	simm.s32 $0x1BFF;
	s21 =	sshll.u32 s5, $0x1;
	s3 =	sadd.s32 s20, s19  }
0x9c: {  	s22 =	simm.s32 $0x0;
	s4 =	sshll.u32 s4, $0x1;
	s5 =	sadd.s32 s21, s3  }
0x9d: {  	[timem:s22], [sflag:s6] =	dma.local [hbm:s5], s4  }
0x9e: {  	_ =	swait.ge [sflag:s6], s4  }
0x9f: {  	s4 =	ssub.s32 $0x0, s4;
	[sflag:s6] =	ssyncset.done $0x0  }
0xa0: {  	[sflag:s6] =	ssyncadd.s32 s4;
	_ =	sdelay $0x1  }
0xa1: {  	s23 =	simm.s32 $0x1B8B  }
0xa2: {  	_ =	swait.ge [sflag:s23], $0x1  }
0xa3: {  	[sflag:s23] =	ssyncset.done $0x0  }
0xa4: {  	[sflag:s23] =	ssyncadd.s32 $0xFFFFFFFF  }
0xa5: {  	s4 =	sld [smem:$0x0]  }
0xa6: {  	s5 =	sand.u32 $0xFFFFFFFE, s1  }
0xa7: {  	p0 =	sne.s32 s1, s5  }
0xa8: {  	s5 =	sshll.u32 @p0 s5, $0xE  }
0xa9: {  	s5 =	sadd.s32 @p0 $0x11B8D, s5;
	s6 =	sshll.u32 @p0 s4, $0x11  }
0xaa: {  	s5 =	sor.u32 @p0 s6, s5  }
0xab: {  	[sflag:s5] =	ssyncadd.remote.s32 @p0 $0x1;
	_ =	sdelay $0x1  }
0xac: {  	s5 =	simm.s32 @p0 $0x1B8D  }
0xad: {  	_ =	swait.eq @p0 [sflag:s5], $0x1  }
0xae: {  	[sflag:s5] =	ssyncadd.s32 @p0 $0xFFFFFFFF  }
0xaf: {  	s6 =	sshll.u32 @!p0 s1, $0xE  }
0xb0: {  	s6 =	sor.u32 @!p0 $0x4000, s6;
	s5 =	simm.s32 @!p0 $0x1B8D  }
0xb1: {  	s4 =	sshll.u32 @!p0 s4, $0x11;
	s6 =	sadd.s32 @!p0 $0x11B8D, s6;
	_ =	swait.eq @!p0 [sflag:s5], $0x1  }
0xb2: {  	s4 =	sor.u32 @!p0 s4, s6;
	[sflag:s5] =	ssyncadd.s32 @!p0 $0xFFFFFFFF  }
0xb3: {  	s25 =	simm.s32 $0x1B8E;
	s24 =	sld [smem:$0x3FFE];
	[sflag:s4] =	ssyncadd.remote.s32 @!p0 $0x1  }
0xb4: {  	s26 =	simm.s32 $execute0_lowered;
	[smem:$0x3FD2] =	sst s25  }
0xb5: {  	s5 =	sshll.u32 s26, $0x1;
	_ =	strace $0x8000004F;
	[dreg:$0x1] =	wrdreg $0xFFFFFFFF  }
0xb6: {  	s28 =	simm.s32 $_size_execute0_lowered;
	s3 =	sadd.s32 s3, s5;
	[dreg:$0x0] =	wrdreg $0x0  }
0xb7: {  	s5 =	sshll.u32 s28, $0x1;
	[dreg:$0x2] =	wrdreg s3  }
0xb8: {  	[dreg:$0x3] =	wrdreg s5  }
0xb9: {  	[dreg:$0x4] =	wrdreg $0xC0  }
0xba: {  	_ =	task [dreg:s22], $0x5FFFF  }
0xbb: {  	[dreg:$0x1] =	wrdreg $0xFFFFFFFF  }
0xbc: {  	[dreg:$0x0] =	wrdreg $0x60  }
0xbd: {  	[dreg:$0x2] =	wrdreg s24  }
0xbe: {  	[dreg:$0x3] =	wrdreg $0x9  }
0xbf: {  	_ =	task.clear_ibuf [dreg:s22], $0x4FFFF;
	_ =	strace $0x9000004F  }
0xc0: {  	s29 =	simm.s32 $0x9;
	_ =	strace $0x80000051  }
0xc1: {  	_ =	swait.ge [sflag:s29], $0x1  }
0xc2: {  	[sflag:s29] =	ssyncadd.s32 $0xFFFFFFFF  }
0xc3: {  	_ =	strace $0x90000051  }
0xc4: {  	_ =	sfence  }
0xc5: {  	s30 =	sld [smem:$0x0];
	_ =	sdelay $0x2  }
0xc6: {  	s31 =	sshll.u32 s1, $0xD;
	s1 =	sshrl.u32 s1, $0x2  }
0xc7: {  	s4 =	sand.u32 $0x4000, s31;
	s1 =	sadd.s32 s1, s30  }
0xc8: {  	s0 =	sor.u32 s4, s0;
	s1 =	sshll.u32 s1, $0x11  }
0xc9: {  	s0 =	sor.u32 s1, s0  }
0xca: {  	s0 =	sadd.s32 $0x8F2B, s0  }
0xcb: {  	[sflag:s0] =	ssyncadd.remote.s32 $0x1  }
0xcc: {  	_ =	sfence.sel $0xFFFF  }
0xcd: {  	[dreg:$0x0] =	wrdreg $0xFFFFFFFF;
	(pc) =	sbr.abs _section_cstart, $3  }
0xce: {  	[dreg:$0x1] =	wrdreg $0xFFFFFFFF  }
0xcf: {  	_ =	task.clear_ibuf [dreg:s22], $0x2FFFF;
	_ =	strace $0x9FFFFFFF  }
0xd0: {  	(tm) =	ssettm $0x7FFFFFFF  }
0xd1: {  	_ =	shalt  }
tec
execute0_lowered:
.L_overlay_start_1:
0x0: {  	(tag) =	ssettag $0x1  }
0x1: {  	s8 =	rddreg [dreg:$0x0]  }
0x2: {  	s0 =	rddreg [dreg:$0x1];
	_ =	strace $0x80000050;
	s1 =	stileid.u32  }
0x3: {  	s3 =	srdreg.scid;
	s4 =	simm.s32 $0x1;
	s7 =	simm.s32 $0x1  }
0x4: {  	s9 =	simm.s32 $0x1;
	s10 =	simm.s32 $0x3;
	s13 =	simm.s32 $0x0  }
0x5: {  	s12 =	simm.s32 $0x0;
	s5 =	sand.u32 $0x1, s3;
	s6 =	sshll.u32 s1, $0x1  }
0x6: {  	s2 =	sadd.s32 $0x3600, s8;
	s3 =	sadd.s32 $0x800, s8;
	s5 =	sor.u32 s6, s5  }
.Ltmp0:
0x7: {  	[sflag:s4] =	ssyncpa.u1 $0x0;
	p0 =	slt.u32 s5, $0x13;
	(pc) =	sbr.rel .LBB2_1-.Ltmp0, $4  }
0x8: {  	s6 =	simm.s32 $0x2;
	s7 =	simm.s32 @!p0 $0x0;
	p0 =	sne.s32 s5, $0x12  }
0x9: {  	[sflag:s6] =	ssyncpa.u1 $0x0;
	s5 =	smul.u32 $0xF0, s5;
	s9 =	simm.s32 @!p0 $0x0  }
0xa: {  	s8 =	sadd.s32 $0x1400, s8;
	[sflag:s10] =	ssyncpa.u1 $0x0;
	s7 =	sadd.s32 s9, s7  }
0xb: {  	vm0 =	vmmov $0xffff;
	s10 =	simm.s32 $0x0;
	s11 =	smov.u32 s5;
	s9 =	sadd.s32 $0x1, s7  }
.LBB2_4:
0xc: {  	v2 =	vnsel vm1, $0x0, v2  }
0xd: {  	vm1 =	vgt.s32 v0, $0x0;
	v2 =	vmin.u32 v2, $0x4E7F  }
0xe: {  	v0 =	vnsel vm1, $0x0, v0  }
0xf: {  	v0 =	vmin.u32 v0, $0x4E7F  }
0x10: {  	[tilespmem:s18], [sflag:$0x1] =	stream.indirect_vreg.gather [hbm4b:s2+s10], $0x1, v1, vm0, $0x4038;
	[tilespmem:$0x3C0] =	vst v63  }
0x11: {  	(ifvalue) =	ssetifvalue $0x7FFFFFFF  }
0x12: {  	[tilespmem:s15], [sflag:$0x1] =	stream.indirect_vreg.gather [hbm4b:s2+s10], $0x1, v2, vm0, $0x4038;
	[tilespmem:$0x3C0] =	vst v63  }
0x13: {  	s29 =	sadd.s32 $0x10, s15;
	(ifvalue) =	ssetifvalue $0x7FFFFFFF  }
0x14: {  	[tilespmem:s29], [sflag:$0x1] =	stream.indirect_vreg.gather [hbm4b:s2+s10], $0x1, v0, vm0, $0x4038;
	[tilespmem:$0x3C0] =	vst v63  }
0x15: {  	_ =	swait.ge [sflag:s4], $0xF0  }
0x16: {  	s30 =	sshrl.u32 s13, $0x3;
	[sflag:s4] =	ssyncset.done $0x0  }
0x17: {  	s31 =	sand.u32 $0x7, s13;
	s15 =	sadd.s32 s8, s30;
	[sflag:s4] =	ssyncadd.s32 $0xFFFFFF10  }
0x18: {  	[hbm4b:s15+s31] =	stream.linear.scatter [tilespmem:s14], [sflag:$0x3], $0xF0, $0x38;
	[tilespmem:$0x3C0] =	vst v63  }
.LBB2_5:
0x19: {  	s15 =	sadd.s32 $0x1E00, s11  }
0x1a: {  	p1 =	sgt.s32 s15, $0x2EDF  }
0x1b: {  	s15 =	smov.u32 @p1 s5;
	p1 =	sne.s32 s12, s9  }
.Ltmp1:
0x1c: {  	p0 =	slt.u32 s12, $0x2;
	(pc) =	sbr.rel @!p1 .LBB2_6-.Ltmp1, $4  }
0x1d: {  	s14 =	simm.s32 @!p0 $0x3  }
0x1e: {  	_ =	swait.ge @!p0 [sflag:s14], $0xF0  }
0x1f: {  	s16 =	sadd.s32 $0x1, s12;
	s13 =	smov.u32 s11;
	[sflag:s14] =	ssyncset.done @!p0 $0x0  }
0x20: {  	s12 =	smov.u32 s16;
	s11 =	smov.u32 s15;
	[sflag:s14] =	ssyncadd.s32 @!p0 $0xFFFFFF10  }
.LBB2_1:
0x21: {  	p0 =	sge.u32 s12, s7  }
0x22: {  	s14 =	sxor.u32 @!p0 $0x1, s12  }
0x23: {  	s14 =	smul.u32 @!p0 $0x3C0, s14  }
0x24: {  	s31 =	sadd.s32 $0xFFFFFFFF, s12;
	s15 =	sshrl.u32 @!p0 s11, $0x3  }
0x25: {  	s16 =	sand.u32 @!p0 $0x7, s11;
	s15 =	sadd.s32 @!p0 s3, s15;
	s14 =	sshra.s32 @!p0 s14, $0x2  }
0x26: {  	[tilespmem:s14], [sflag:$0x2] =	stream.linear.gather @!p0 [hbm4b:s15+s16], $0xF0, $0x38;
	[tilespmem:$0x3C0] =	vst v63  }
0x27: {  	p0 =	sge.u32 s31, s7  }
.Ltmp2:
0x28: {  	_ = 	snop;
	(pc) =	sbr.rel @p0 .LBB2_5-.Ltmp2, $1  }
0x29: {  	_ =	sdelay $0x3  }
0x2a: {  	s14 =	sand.u32 $0x1, s12  }
0x2b: {  	_ =	swait.ge [sflag:s6], $0xF0;
	p0 =	seq.s32 s14, $0x1;
	s14 =	simm.s32 $0xF0  }
0x2c: {  	[sflag:s6] =	ssyncset.done $0x0;
	s14 =	simm.s32 @!p0 $0x0  }
0x2d: {  	[sflag:s6] =	ssyncadd.s32 $0xFFFFFF10;
	(ifvalue) =	ssetifvalue $0x7FFFFFFF;
	v0 =	vld.msk [tilespmem:s14+$0x0 ss:$0x1], $0xffff;
	_ =	sdelay $0x4  }
0x2e: {  	s15 =	sadd.s32 $0x10, s14;
	vm1 =	vgt.s32 v0, $0x0  }
0x2f: {  	v2 =	vld.msk [tilespmem:s15+$0x0 ss:$0x1], $0xffff;
	v1 =	vnsel vm1, $0x0, v0  }
0x30: {  	v1 =	vmin.u32 v1, $0x4E7F;
	_ =	sdelay $0x2  }
0x31: {  	s17 =	simm.s32 $0x20;
	s14 =	sadd.s32 $0x1E0, s14;
	s16 =	sadd.s32 $0x10, s15  }
0x32: {  	s15 =	sadd.s32 $0x10, s14;
	s18 =	smov.u32 s14;
	v0 =	vld.msk [tilespmem:s16+$0x0 ss:$0x1], $0xffff;
	vm1 =	vgt.s32 v2, $0x0;
	(ifvalue) =	ssetifvalue $0x7FFFFFFF  }
.LBB2_3:
0x33: {  	[tilespmem:s18], [sflag:$0x1] =	stream.indirect_vreg.gather [hbm4b:s2+s10], $0x1, v1, vm0, $0x4038;
	[tilespmem:$0x3C0] =	vst v63  }
0x34: {  	s17 =	sadd.s32 $0x10, s17  }
0x35: {  	v2 =	vnsel vm1, $0x0, v2;
	p0 =	slt.u32 s17, $0xE0  }
.Ltmp3:
0x36: {  	s18 =	smov.u32 s15;
	v1 =	vmin.u32 v2, $0x4E7F;
	(pc) =	sbr.rel @p0 .LBB2_3-.Ltmp3, $3  }
0x37: {  	_ =	sdelay $0x1  }
0x38: {  	s16 =	sadd.s32 $0x10, s16  }
0x39: {  	vm1 =	vgt.s32 v0, $0x0;
	s15 =	sadd.s32 $0x10, s15;
	v2 =	vmov v0;
	(ifvalue) =	ssetifvalue $0x7FFFFFFF;
	v0 =	vld.msk [tilespmem:s16+$0x0 ss:$0x1], $0xffff  }
.Ltmp4:
0x3a: {  	_ = 	snop;
	(pc) =	sbr.rel .LBB2_4-.Ltmp4, $1  }
0x3b: {  	_ =	sdelay $0x3  }
.LBB2_6:
0x3c: {  	_ =	sfence.sel $0x180000  }
0x3d: {  	s2 =	simm.s32 $0x2;
	[bflag:$0x0] =	sbarrier.arrive $0xFFFF  }
0x3e: {  	s30 =	simm.s32 $0x3;
	[sflag:s2] =	ssyncpa.u1 $0x1  }
0x3f: {  	s31 =	simm.s32 $0x1;
	[sflag:s30] =	ssyncpa.u1 $0x1  }
0x40: {  	[sflag:s31] =	ssyncpa.u1 $0x1  }
0x41: {  	p0 =	sne.s32 s1, $0x0;
	_ =	strace $0x90000050  }
0x42: {  	s0 =	sadd.s32 @!p0 $0x100000, s0;
	[bflag:$0x2] =	sbarrier.arrive $0xFFFF  }
0x43: {  	[sflag:s0] =	ssyncadd.tile.s32 @!p0 $0x1;
	_ =	shalt  }
.Lfunc_end2:
_tile_overlayer_lowered:
.L_overlay_start_2:
0x44: {  	(tag) =	ssettag $0x2  }
0x45: {  	s0 =	rddreg [dreg:$0x0];
	s2 =	stileid.u32  }
0x46: {  	s1 =	rddreg [dreg:$0x1];
	p0 =	sne.s32 s2, $0x0  }
0x47: {  	s3 =	rddreg [dreg:$0x2];
	[bflag:$0x3] =	sbarrier.arrive $0xFFFF;
	s2 =	simm.s32 @!p0 $0x1C01  }
0x48: {  	[timem:s3], [sflag:s2] =	dma.local @!p0 [hbm:s0], s1  }
0x49: {  	s0 =	simm.s32 @!p0 $0x1  }
0x4a: {  	_ =	swait.ge @!p0 [sflag:s0], s1  }
0x4b: {  	s1 =	ssub.s32 @!p0 $0x0, s1;
	[sflag:s0] =	ssyncset.done @!p0 $0x0  }
0x4c: {  	[sflag:s0] =	ssyncadd.s32 @!p0 s1  }
0x4d: {  	[bflag:$0x3] =	sbarrier.arrive $0xFFFF  }
0x4e: {  	_ =	shalt  }

// kernel: gather_offload_async_start.4
scs
__scs_entry_jumppad:
0x0: {  	(pc) =	sbr.rel $0x88, $3  }
0x1: {  	(tag) =	ssettag $0x0;
	lr =	simm.s32 $0x1  }
0x2: {  	[smem:$0x3F9A] =	sst lr;
	_ =	strace $0xD0000000  }
0x3: {  	_ = 	snop  }
0x4: {  	_ = 	snop  }
0x5: {  	_ = 	snop  }
0x6: {  	_ = 	snop  }
0x7: {  	_ = 	snop  }
__scs_overlays_trampoline_lowered:
0x8: {  	[smem:$0x3FA9] =	sst s0  }
0x9: {  	[smem:$0x3FAA] =	sst s1  }
0xa: {  	[smem:$0x3FAB] =	sst s2  }
0xb: {  	[smem:$0x3FAC] =	sst s3  }
0xc: {  	[smem:$0x3FAD] =	sst s4  }
0xd: {  	[smem:$0x3FAE] =	sst s5  }
0xe: {  	[smem:$0x3FAF] =	sst s6  }
0xf: {  	[smem:$0x3FB0] =	sst s7  }
0x10: {  	[smem:$0x3FB1] =	sst s8  }
0x11: {  	[smem:$0x3FB2] =	sst s9;
	s0 =	simm.s32 @!p0 $0x0  }
0x12: {  	s1 =	sld [smem:$0x3F98];
	s0 =	simm.s32 @p0 $0x1  }
0x13: {  	[smem:$0x3FB3] =	sst s0;
	s0 =	simm.s32 @!p1 $0x0  }
0x14: {  	s2 =	sld [smem:$0x3F97];
	s0 =	simm.s32 @p1 $0x1  }
0x15: {  	[smem:$0x3FB4] =	sst s0;
	s0 =	simm.s32 @!p2 $0x0  }
0x16: {  	s3 =	sld [smem:$0x3FDB];
	s0 =	simm.s32 @p2 $0x1  }
0x17: {  	s4 =	simm.s32 $0x1BF5;
	[smem:$0x3FB6] =	sst s0  }
0x18: {  	s0 =	sld [smem:$0x3F99];
	_ =	swait.ge [sflag:s4], $0x0  }
0x19: {  	s7 =	sld [smem:$0x3F9A]  }
0x1a: {  	s8 =	sadd.s32 $0xFFFFE003, lr  }
0x1b: {  	s9 =	sadd.s32 $0xFFFFFEF7, lr;
	s5 =	simm.s32 $0xFFFFFFFF;
	p2 =	slt.u32 s8, $0xFFFFF086  }
0x1c: {  	p1 =	slt.u32 s9, $0xF7A;
	s5 =	simm.s32 @!p2 $0x0  }
0x1d: {  	s5 =	simm.s32 @p1 $0x1;
	p0 =	seq.s32 s7, s2  }
0x1e: {  	s7 =	smul.u32 @!p0 $0xF7A, s2;
	p2 =	seq.s32 @!p0 s5, $0x0  }
0x1f: {  	s9 =	smul.u32 $0xF7A, s1;
	s8 =	simm.s32 @!p0 $0x1BF5;
	p2 =	por !p2, p0  }
0x20: {  	[sflag:s8] =	ssyncset.s32 @!p0 $0xFFFFF086;
	s6 =	sadd.s32 @!p0 s3, s7;
	s7 =	simm.s32 @!p0 $0x108  }
0x21: {  	s3 =	sadd.s32 s3, s9;
	s6 =	sadd.s32 @!p0 $0x88, s6;
	s7 =	simm.s32 @p2 $0x1082  }
0x22: {  	[simem:s7], [sflag:s8] =	dma.local @!p0 [hbm:s6], $0xF7A  }
0x23: {  	s9 =	sor.u32 $0xD0000000, s2;
	s6 =	simm.s32 $0x108;
	_ =	swait.ge @!p0 [sflag:s8], $0x0  }
0x24: {  	s3 =	sadd.s32 $0x88, s3;
	s6 =	simm.s32 @!p1 $0x1082;
	[sflag:s4] =	ssyncset.s32 $0xFFFFF086  }
0x25: {  	[simem:s6], [sflag:s4] =	dma.local [hbm:s3], $0xF7A  }
0x26: {  	[smem:$0x3F9A] =	sst s1;
	(tag) =	ssettag s2;
	_ =	strace s9  }
0x27: {  	s1 =	sld [smem:$0x3FAA]  }
0x28: {  	s2 =	sld [smem:$0x3FAB]  }
0x29: {  	s4 =	sld [smem:$0x3FAD]  }
0x2a: {  	p0 =	seq.s32 s5, $0x0;
	s5 =	sld [smem:$0x3FAE]  }
0x2b: {  	s6 =	sld [smem:$0x3FAF]  }
0x2c: {  	s7 =	sld [smem:$0x3FB0]  }
0x2d: {  	s3 =	simm.s32 $0x108;
	s8 =	sld [smem:$0x3FB1]  }
0x2e: {  	s3 =	simm.s32 @!p0 $0x1082;
	s9 =	sld [smem:$0x3FB2]  }
0x2f: {  	lr =	sadd.s32 s0, s3;
	s0 =	sld [smem:$0x3FA9]  }
0x30: {  	s3 =	sld [smem:$0x3FAC]  }
0x31: {  	[smem:$0x3FB5] =	sst s10  }
0x32: {  	s10 =	sld [smem:$0x3FB3];
	_ =	sdelay $0x3  }
0x33: {  	p0 =	seq.s32 s10, $0x1;
	s10 =	sld [smem:$0x3FB5];
	_ =	sdelay $0x3  }
0x34: {  	[smem:$0x3FB5] =	sst s10  }
0x35: {  	s10 =	sld [smem:$0x3FB4];
	_ =	sdelay $0x3  }
0x36: {  	p1 =	seq.s32 s10, $0x1;
	s10 =	sld [smem:$0x3FB5];
	_ =	sdelay $0x3  }
0x37: {  	[smem:$0x3FB5] =	sst s10  }
0x38: {  	s10 =	sld [smem:$0x3FB6]  }
0x39: {  	_ = 	snop;
	(pc) =	sbr.ind lr, $3  }
0x3a: {  	_ = 	snop  }
0x3b: {  	_ = 	snop  }
0x3c: {  	p2 =	seq.s32 s10, $0x1;
	s10 =	sld [smem:$0x3FB5]  }
0x3d: {  	_ =	shalt  }
0x3e: {  	_ =	shalt  }
0x3f: {  	_ =	shalt  }
0x40: {  	_ =	shalt  }
0x41: {  	_ =	shalt  }
0x42: {  	_ =	shalt  }
0x43: {  	_ =	shalt  }
0x44: {  	_ =	shalt  }
0x45: {  	_ =	shalt  }
0x46: {  	_ =	shalt  }
0x47: {  	_ =	shalt  }
0x48: {  	_ =	shalt  }
0x49: {  	_ =	shalt  }
0x4a: {  	_ =	shalt  }
0x4b: {  	_ =	shalt  }
0x4c: {  	_ =	shalt  }
0x4d: {  	_ =	shalt  }
0x4e: {  	_ =	shalt  }
0x4f: {  	_ =	shalt  }
0x50: {  	_ =	shalt  }
0x51: {  	_ =	shalt  }
0x52: {  	_ =	shalt  }
0x53: {  	_ =	shalt  }
0x54: {  	_ =	shalt  }
0x55: {  	_ =	shalt  }
0x56: {  	_ =	shalt  }
0x57: {  	_ =	shalt  }
0x58: {  	_ =	shalt  }
0x59: {  	_ =	shalt  }
0x5a: {  	_ =	shalt  }
0x5b: {  	_ =	shalt  }
0x5c: {  	_ =	shalt  }
0x5d: {  	_ =	shalt  }
0x5e: {  	_ =	shalt  }
0x5f: {  	_ =	shalt  }
0x60: {  	_ =	shalt  }
0x61: {  	_ =	shalt  }
0x62: {  	_ =	shalt  }
0x63: {  	_ =	shalt  }
0x64: {  	_ =	shalt  }
0x65: {  	_ =	shalt  }
0x66: {  	_ =	shalt  }
0x67: {  	_ =	shalt  }
0x68: {  	_ =	shalt  }
0x69: {  	_ =	shalt  }
0x6a: {  	_ =	shalt  }
0x6b: {  	_ =	shalt  }
0x6c: {  	_ =	shalt  }
0x6d: {  	_ =	shalt  }
0x6e: {  	_ =	shalt  }
0x6f: {  	_ =	shalt  }
0x70: {  	_ =	shalt  }
0x71: {  	_ =	shalt  }
0x72: {  	_ =	shalt  }
0x73: {  	_ =	shalt  }
0x74: {  	_ =	shalt  }
0x75: {  	_ =	shalt  }
0x76: {  	_ =	shalt  }
0x77: {  	_ =	shalt  }
0x78: {  	_ =	shalt  }
0x79: {  	_ =	shalt  }
0x7a: {  	_ =	shalt  }
0x7b: {  	_ =	shalt  }
0x7c: {  	_ =	shalt  }
0x7d: {  	_ =	shalt  }
0x7e: {  	_ =	shalt  }
0x7f: {  	_ =	shalt  }
0x80: {  	_ =	shalt  }
0x81: {  	_ =	shalt  }
0x82: {  	_ =	shalt  }
0x83: {  	_ =	shalt  }
0x84: {  	_ =	shalt  }
0x85: {  	_ =	shalt  }
0x86: {  	_ =	shalt  }
0x87: {  	_ =	shalt  }
.Lfunc_end0:
.L_simem_size_0:
called_computation.6_lowered:
.L_overlay_start_0:
0x88: {  	s2 =	sld [smem:$0x3FD9]  }
0x89: {  	s3 =	sld [smem:$0x3FFE];
	_ =	sdelay $0x1  }
0x8a: {  	s1 =	srdreg.scid  }
0x8b: {  	s0 =	sand.u32 $0x1, s1  }
0x8c: {  	s16 =	sshll.u32 s0, $0xA;
	s2 =	sadd.s32 s3, s2  }
0x8d: {  	s2 =	sadd.s32 s2, s16  }
0x8e: {  	[smem:$0x3FC1] =	sst s2  }
0x8f: {  	_ = 	snop  }
0x90: {  	(tm) =	ssettm $0x1  }
0x91: {  	s17 =	sld [smem:$0x3FFB];
	_ =	sdelay $0x3  }
0x92: {  	_ =	strace s17  }
0x93: {  	s2 =	sld [smem:$0x3FFC];
	_ =	sdelay $0x3  }
0x94: {  	_ =	strace s2  }
0x95: {  	s2 =	sld [smem:$0x3FFD];
	_ =	sdelay $0x3  }
0x96: {  	_ =	strace s2  }
0x97: {  	_ =	strace $0x8FFFFFFF  }
0x98: {  	s18 =	sld [smem:$0x3FDB];
	_ =	sdelay $0x1  }
0x99: {  	s19 =	simm.s32 $_scs_section_size  }
0x9a: {  	s4 =	simm.s32 $_size__tile_overlayer_lowered;
	s5 =	simm.s32 $_tile_overlayer_lowered  }
0x9b: {  	s22 =	simm.s32 $0x1BFF;
	s21 =	sshll.u32 s5, $0x1;
	s2 =	sadd.s32 s19, s18  }
0x9c: {  	s6 =	simm.s32 $0x0;
	s20 =	sshll.u32 s4, $0x1;
	s4 =	sadd.s32 s21, s2  }
0x9d: {  	[timem:s6], [sflag:s22] =	dma.local [hbm:s4], s20  }
0x9e: {  	_ =	swait.ge [sflag:s22], s20  }
0x9f: {  	s3 =	ssub.s32 $0x0, s20;
	[sflag:s22] =	ssyncset.done $0x0  }
0xa0: {  	[sflag:s22] =	ssyncadd.s32 s3;
	_ =	sdelay $0x1  }
0xa1: {  	s23 =	simm.s32 $0x1B8B  }
0xa2: {  	_ =	swait.ge [sflag:s23], $0x1  }
0xa3: {  	[sflag:s23] =	ssyncset.done $0x0  }
0xa4: {  	s25 =	simm.s32 $0x1B8E;
	s24 =	sld [smem:$0x3FFE];
	[sflag:s23] =	ssyncadd.s32 $0xFFFFFFFF  }
0xa5: {  	s26 =	simm.s32 $execute0_lowered;
	[smem:$0x3FD2] =	sst s25  }
0xa6: {  	s4 =	sshll.u32 s26, $0x1;
	_ =	strace $0x8000004C;
	[dreg:$0x1] =	wrdreg $0xFFFFFFFF  }
0xa7: {  	s28 =	simm.s32 $_size_execute0_lowered;
	s2 =	sadd.s32 s2, s4;
	[dreg:$0x0] =	wrdreg $0x0  }
0xa8: {  	s4 =	sshll.u32 s28, $0x1;
	[dreg:$0x2] =	wrdreg s2  }
0xa9: {  	[dreg:$0x3] =	wrdreg s4  }
0xaa: {  	[dreg:$0x4] =	wrdreg $0xC0  }
0xab: {  	_ =	task [dreg:s6], $0x5FFFF  }
0xac: {  	[dreg:$0x1] =	wrdreg $0xFFFFFFFF  }
0xad: {  	[dreg:$0x0] =	wrdreg $0x60  }
0xae: {  	[dreg:$0x2] =	wrdreg s24  }
0xaf: {  	[dreg:$0x3] =	wrdreg $0xA  }
0xb0: {  	_ =	task.clear_ibuf [dreg:s6], $0x4FFFF;
	_ =	strace $0x9000004C  }
0xb1: {  	s29 =	simm.s32 $0xA;
	_ =	strace $0x8000004E  }
0xb2: {  	_ =	swait.ge [sflag:s29], $0x1  }
0xb3: {  	[sflag:s29] =	ssyncadd.s32 $0xFFFFFFFF  }
0xb4: {  	_ =	strace $0x9000004E  }
0xb5: {  	_ =	sfence  }
0xb6: {  	s30 =	sld [smem:$0x0];
	_ =	sdelay $0x2  }
0xb7: {  	s31 =	sshll.u32 s1, $0xD;
	s1 =	sshrl.u32 s1, $0x2  }
0xb8: {  	s3 =	sand.u32 $0x4000, s31;
	s1 =	sadd.s32 s1, s30  }
0xb9: {  	s0 =	sor.u32 s3, s0;
	s1 =	sshll.u32 s1, $0x11  }
0xba: {  	s0 =	sor.u32 s1, s0  }
0xbb: {  	s0 =	sadd.s32 $0x8F2B, s0  }
0xbc: {  	[sflag:s0] =	ssyncadd.remote.s32 $0x1  }
0xbd: {  	_ =	sfence.sel $0xFFFF  }
0xbe: {  	[dreg:$0x0] =	wrdreg $0xFFFFFFFF;
	(pc) =	sbr.abs _section_cstart, $3  }
0xbf: {  	[dreg:$0x1] =	wrdreg $0xFFFFFFFF  }
0xc0: {  	_ =	task.clear_ibuf [dreg:s6], $0x2FFFF;
	_ =	strace $0x9FFFFFFF  }
0xc1: {  	(tm) =	ssettm $0x7FFFFFFF  }
tec
execute0_lowered:
.L_overlay_start_1:
0x0: {  	(tag) =	ssettag $0x1  }
0x1: {  	s8 =	rddreg [dreg:$0x0]  }
0x2: {  	s0 =	rddreg [dreg:$0x1];
	_ =	strace $0x8000004D;
	s1 =	stileid.u32  }
0x3: {  	s3 =	srdreg.scid;
	s4 =	simm.s32 $0x1;
	s7 =	simm.s32 $0x1  }
0x4: {  	s9 =	simm.s32 $0x1;
	s10 =	simm.s32 $0x3;
	s13 =	simm.s32 $0x0  }
0x5: {  	s12 =	simm.s32 $0x0;
	s5 =	sand.u32 $0x1, s3;
	s6 =	sshll.u32 s1, $0x1  }
0x6: {  	s2 =	sadd.s32 $0x2C00, s8;
	s3 =	sadd.s32 $0x800, s8;
	s5 =	sor.u32 s6, s5  }
.Ltmp0:
0x7: {  	[sflag:s4] =	ssyncpa.u1 $0x0;
	p0 =	slt.u32 s5, $0x13;
	(pc) =	sbr.rel .LBB2_1-.Ltmp0, $4  }
0x8: {  	s6 =	simm.s32 $0x2;
	s7 =	simm.s32 @!p0 $0x0;
	p0 =	sne.s32 s5, $0x12  }
0x9: {  	[sflag:s6] =	ssyncpa.u1 $0x0;
	s5 =	smul.u32 $0xF0, s5;
	s9 =	simm.s32 @!p0 $0x0  }
0xa: {  	s8 =	sadd.s32 $0xE00, s8;
	[sflag:s10] =	ssyncpa.u1 $0x0;
	s7 =	sadd.s32 s9, s7  }
0xb: {  	vm0 =	vmmov $0xffff;
	s10 =	simm.s32 $0x0;
	s11 =	smov.u32 s5;
	s9 =	sadd.s32 $0x1, s7  }
.LBB2_4:
0xc: {  	v2 =	vnsel vm1, $0x0, v2  }
0xd: {  	vm1 =	vgt.s32 v0, $0x0;
	v2 =	vmin.u32 v2, $0x4E7F  }
0xe: {  	v0 =	vnsel vm1, $0x0, v0  }
0xf: {  	v0 =	vmin.u32 v0, $0x4E7F  }
0x10: {  	[tilespmem:s18], [sflag:$0x1] =	stream.indirect_vreg.gather [hbm4b:s2+s10], $0x1, v1, vm0, $0x4038;
	[tilespmem:$0x3C0] =	vst v63  }
0x11: {  	(ifvalue) =	ssetifvalue $0x7FFFFFFF  }
0x12: {  	[tilespmem:s15], [sflag:$0x1] =	stream.indirect_vreg.gather [hbm4b:s2+s10], $0x1, v2, vm0, $0x4038;
	[tilespmem:$0x3C0] =	vst v63  }
0x13: {  	s29 =	sadd.s32 $0x10, s15;
	(ifvalue) =	ssetifvalue $0x7FFFFFFF  }
0x14: {  	[tilespmem:s29], [sflag:$0x1] =	stream.indirect_vreg.gather [hbm4b:s2+s10], $0x1, v0, vm0, $0x4038;
	[tilespmem:$0x3C0] =	vst v63  }
0x15: {  	_ =	swait.ge [sflag:s4], $0xF0  }
0x16: {  	s30 =	sshrl.u32 s13, $0x3;
	[sflag:s4] =	ssyncset.done $0x0  }
0x17: {  	s31 =	sand.u32 $0x7, s13;
	s15 =	sadd.s32 s8, s30;
	[sflag:s4] =	ssyncadd.s32 $0xFFFFFF10  }
0x18: {  	[hbm4b:s15+s31] =	stream.linear.scatter [tilespmem:s14], [sflag:$0x3], $0xF0, $0x38;
	[tilespmem:$0x3C0] =	vst v63  }
.LBB2_5:
0x19: {  	s15 =	sadd.s32 $0x1E00, s11  }
0x1a: {  	p1 =	sgt.s32 s15, $0x2EDF  }
0x1b: {  	s15 =	smov.u32 @p1 s5;
	p1 =	sne.s32 s12, s9  }
.Ltmp1:
0x1c: {  	p0 =	slt.u32 s12, $0x2;
	(pc) =	sbr.rel @!p1 .LBB2_6-.Ltmp1, $4  }
0x1d: {  	s14 =	simm.s32 @!p0 $0x3  }
0x1e: {  	_ =	swait.ge @!p0 [sflag:s14], $0xF0  }
0x1f: {  	s16 =	sadd.s32 $0x1, s12;
	s13 =	smov.u32 s11;
	[sflag:s14] =	ssyncset.done @!p0 $0x0  }
0x20: {  	s12 =	smov.u32 s16;
	s11 =	smov.u32 s15;
	[sflag:s14] =	ssyncadd.s32 @!p0 $0xFFFFFF10  }
.LBB2_1:
0x21: {  	p0 =	sge.u32 s12, s7  }
0x22: {  	s14 =	sxor.u32 @!p0 $0x1, s12  }
0x23: {  	s14 =	smul.u32 @!p0 $0x3C0, s14  }
0x24: {  	s31 =	sadd.s32 $0xFFFFFFFF, s12;
	s15 =	sshrl.u32 @!p0 s11, $0x3  }
0x25: {  	s16 =	sand.u32 @!p0 $0x7, s11;
	s15 =	sadd.s32 @!p0 s3, s15;
	s14 =	sshra.s32 @!p0 s14, $0x2  }
0x26: {  	[tilespmem:s14], [sflag:$0x2] =	stream.linear.gather @!p0 [hbm4b:s15+s16], $0xF0, $0x38;
	[tilespmem:$0x3C0] =	vst v63  }
0x27: {  	p0 =	sge.u32 s31, s7  }
.Ltmp2:
0x28: {  	_ = 	snop;
	(pc) =	sbr.rel @p0 .LBB2_5-.Ltmp2, $1  }
0x29: {  	_ =	sdelay $0x3  }
0x2a: {  	s14 =	sand.u32 $0x1, s12  }
0x2b: {  	_ =	swait.ge [sflag:s6], $0xF0;
	p0 =	seq.s32 s14, $0x1;
	s14 =	simm.s32 $0xF0  }
0x2c: {  	[sflag:s6] =	ssyncset.done $0x0;
	s14 =	simm.s32 @!p0 $0x0  }
0x2d: {  	[sflag:s6] =	ssyncadd.s32 $0xFFFFFF10;
	(ifvalue) =	ssetifvalue $0x7FFFFFFF;
	v0 =	vld.msk [tilespmem:s14+$0x0 ss:$0x1], $0xffff;
	_ =	sdelay $0x4  }
0x2e: {  	s15 =	sadd.s32 $0x10, s14;
	vm1 =	vgt.s32 v0, $0x0  }
0x2f: {  	v2 =	vld.msk [tilespmem:s15+$0x0 ss:$0x1], $0xffff;
	v1 =	vnsel vm1, $0x0, v0  }
0x30: {  	v1 =	vmin.u32 v1, $0x4E7F;
	_ =	sdelay $0x2  }
0x31: {  	s17 =	simm.s32 $0x20;
	s14 =	sadd.s32 $0x1E0, s14;
	s16 =	sadd.s32 $0x10, s15  }
0x32: {  	s15 =	sadd.s32 $0x10, s14;
	s18 =	smov.u32 s14;
	v0 =	vld.msk [tilespmem:s16+$0x0 ss:$0x1], $0xffff;
	vm1 =	vgt.s32 v2, $0x0;
	(ifvalue) =	ssetifvalue $0x7FFFFFFF  }
.LBB2_3:
0x33: {  	[tilespmem:s18], [sflag:$0x1] =	stream.indirect_vreg.gather [hbm4b:s2+s10], $0x1, v1, vm0, $0x4038;
	[tilespmem:$0x3C0] =	vst v63  }
0x34: {  	s17 =	sadd.s32 $0x10, s17  }
0x35: {  	v2 =	vnsel vm1, $0x0, v2;
	p0 =	slt.u32 s17, $0xE0  }
.Ltmp3:
0x36: {  	s18 =	smov.u32 s15;
	v1 =	vmin.u32 v2, $0x4E7F;
	(pc) =	sbr.rel @p0 .LBB2_3-.Ltmp3, $3  }
0x37: {  	_ =	sdelay $0x1  }
0x38: {  	s16 =	sadd.s32 $0x10, s16  }
0x39: {  	vm1 =	vgt.s32 v0, $0x0;
	s15 =	sadd.s32 $0x10, s15;
	v2 =	vmov v0;
	(ifvalue) =	ssetifvalue $0x7FFFFFFF;
	v0 =	vld.msk [tilespmem:s16+$0x0 ss:$0x1], $0xffff  }
.Ltmp4:
0x3a: {  	_ = 	snop;
	(pc) =	sbr.rel .LBB2_4-.Ltmp4, $1  }
0x3b: {  	_ =	sdelay $0x3  }
.LBB2_6:
0x3c: {  	_ =	sfence.sel $0x180000  }
0x3d: {  	s2 =	simm.s32 $0x2;
	[bflag:$0x0] =	sbarrier.arrive $0xFFFF  }
0x3e: {  	s30 =	simm.s32 $0x3;
	[sflag:s2] =	ssyncpa.u1 $0x1  }
0x3f: {  	s31 =	simm.s32 $0x1;
	[sflag:s30] =	ssyncpa.u1 $0x1  }
0x40: {  	[sflag:s31] =	ssyncpa.u1 $0x1  }
0x41: {  	p0 =	sne.s32 s1, $0x0;
	_ =	strace $0x9000004D  }
0x42: {  	s0 =	sadd.s32 @!p0 $0x100000, s0;
	[bflag:$0x2] =	sbarrier.arrive $0xFFFF  }
0x43: {  	[sflag:s0] =	ssyncadd.tile.s32 @!p0 $0x1;
	_ =	shalt  }
.Lfunc_end2:
_tile_overlayer_lowered:
.L_overlay_start_2:
0x44: {  	(tag) =	ssettag $0x2  }
0x45: {  	s0 =	rddreg [dreg:$0x0];
	s2 =	stileid.u32  }
0x46: {  	s1 =	rddreg [dreg:$0x1];
	p0 =	sne.s32 s2, $0x0  }
0x47: {  	s3 =	rddreg [dreg:$0x2];
	[bflag:$0x3] =	sbarrier.arrive $0xFFFF;
	s2 =	simm.s32 @!p0 $0x1C01  }
0x48: {  	[timem:s3], [sflag:s2] =	dma.local @!p0 [hbm:s0], s1  }
0x49: {  	s0 =	simm.s32 @!p0 $0x1  }
0x4a: {  	_ =	swait.ge @!p0 [sflag:s0], s1  }
0x4b: {  	s1 =	ssub.s32 @!p0 $0x0, s1;
	[sflag:s0] =	ssyncset.done @!p0 $0x0  }
0x4c: {  	[sflag:s0] =	ssyncadd.s32 @!p0 s1  }
0x4d: {  	[bflag:$0x3] =	sbarrier.arrive $0xFFFF  }
0x4e: {  	_ =	shalt  }

// kernel: gather_offload_async_start.5
scs
__scs_entry_jumppad:
0x0: {  	(pc) =	sbr.rel $0x88, $3  }
0x1: {  	(tag) =	ssettag $0x0;
	lr =	simm.s32 $0x1  }
0x2: {  	[smem:$0x3F9A] =	sst lr;
	_ =	strace $0xD0000000  }
0x3: {  	_ = 	snop  }
0x4: {  	_ = 	snop  }
0x5: {  	_ = 	snop  }
0x6: {  	_ = 	snop  }
0x7: {  	_ = 	snop  }
__scs_overlays_trampoline_lowered:
0x8: {  	[smem:$0x3FA9] =	sst s0  }
0x9: {  	[smem:$0x3FAA] =	sst s1  }
0xa: {  	[smem:$0x3FAB] =	sst s2  }
0xb: {  	[smem:$0x3FAC] =	sst s3  }
0xc: {  	[smem:$0x3FAD] =	sst s4  }
0xd: {  	[smem:$0x3FAE] =	sst s5  }
0xe: {  	[smem:$0x3FAF] =	sst s6  }
0xf: {  	[smem:$0x3FB0] =	sst s7  }
0x10: {  	[smem:$0x3FB1] =	sst s8  }
0x11: {  	[smem:$0x3FB2] =	sst s9;
	s0 =	simm.s32 @!p0 $0x0  }
0x12: {  	s1 =	sld [smem:$0x3F98];
	s0 =	simm.s32 @p0 $0x1  }
0x13: {  	[smem:$0x3FB3] =	sst s0;
	s0 =	simm.s32 @!p1 $0x0  }
0x14: {  	s2 =	sld [smem:$0x3F97];
	s0 =	simm.s32 @p1 $0x1  }
0x15: {  	[smem:$0x3FB4] =	sst s0;
	s0 =	simm.s32 @!p2 $0x0  }
0x16: {  	s3 =	sld [smem:$0x3FDB];
	s0 =	simm.s32 @p2 $0x1  }
0x17: {  	s4 =	simm.s32 $0x1BF5;
	[smem:$0x3FB6] =	sst s0  }
0x18: {  	s0 =	sld [smem:$0x3F99];
	_ =	swait.ge [sflag:s4], $0x0  }
0x19: {  	s7 =	sld [smem:$0x3F9A]  }
0x1a: {  	s8 =	sadd.s32 $0xFFFFE003, lr  }
0x1b: {  	s9 =	sadd.s32 $0xFFFFFEF7, lr;
	s5 =	simm.s32 $0xFFFFFFFF;
	p2 =	slt.u32 s8, $0xFFFFF086  }
0x1c: {  	p1 =	slt.u32 s9, $0xF7A;
	s5 =	simm.s32 @!p2 $0x0  }
0x1d: {  	s5 =	simm.s32 @p1 $0x1;
	p0 =	seq.s32 s7, s2  }
0x1e: {  	s7 =	smul.u32 @!p0 $0xF7A, s2;
	p2 =	seq.s32 @!p0 s5, $0x0  }
0x1f: {  	s9 =	smul.u32 $0xF7A, s1;
	s8 =	simm.s32 @!p0 $0x1BF5;
	p2 =	por !p2, p0  }
0x20: {  	[sflag:s8] =	ssyncset.s32 @!p0 $0xFFFFF086;
	s6 =	sadd.s32 @!p0 s3, s7;
	s7 =	simm.s32 @!p0 $0x108  }
0x21: {  	s3 =	sadd.s32 s3, s9;
	s6 =	sadd.s32 @!p0 $0x88, s6;
	s7 =	simm.s32 @p2 $0x1082  }
0x22: {  	[simem:s7], [sflag:s8] =	dma.local @!p0 [hbm:s6], $0xF7A  }
0x23: {  	s9 =	sor.u32 $0xD0000000, s2;
	s6 =	simm.s32 $0x108;
	_ =	swait.ge @!p0 [sflag:s8], $0x0  }
0x24: {  	s3 =	sadd.s32 $0x88, s3;
	s6 =	simm.s32 @!p1 $0x1082;
	[sflag:s4] =	ssyncset.s32 $0xFFFFF086  }
0x25: {  	[simem:s6], [sflag:s4] =	dma.local [hbm:s3], $0xF7A  }
0x26: {  	[smem:$0x3F9A] =	sst s1;
	(tag) =	ssettag s2;
	_ =	strace s9  }
0x27: {  	s1 =	sld [smem:$0x3FAA]  }
0x28: {  	s2 =	sld [smem:$0x3FAB]  }
0x29: {  	s4 =	sld [smem:$0x3FAD]  }
0x2a: {  	p0 =	seq.s32 s5, $0x0;
	s5 =	sld [smem:$0x3FAE]  }
0x2b: {  	s6 =	sld [smem:$0x3FAF]  }
0x2c: {  	s7 =	sld [smem:$0x3FB0]  }
0x2d: {  	s3 =	simm.s32 $0x108;
	s8 =	sld [smem:$0x3FB1]  }
0x2e: {  	s3 =	simm.s32 @!p0 $0x1082;
	s9 =	sld [smem:$0x3FB2]  }
0x2f: {  	lr =	sadd.s32 s0, s3;
	s0 =	sld [smem:$0x3FA9]  }
0x30: {  	s3 =	sld [smem:$0x3FAC]  }
0x31: {  	[smem:$0x3FB5] =	sst s10  }
0x32: {  	s10 =	sld [smem:$0x3FB3];
	_ =	sdelay $0x3  }
0x33: {  	p0 =	seq.s32 s10, $0x1;
	s10 =	sld [smem:$0x3FB5];
	_ =	sdelay $0x3  }
0x34: {  	[smem:$0x3FB5] =	sst s10  }
0x35: {  	s10 =	sld [smem:$0x3FB4];
	_ =	sdelay $0x3  }
0x36: {  	p1 =	seq.s32 s10, $0x1;
	s10 =	sld [smem:$0x3FB5];
	_ =	sdelay $0x3  }
0x37: {  	[smem:$0x3FB5] =	sst s10  }
0x38: {  	s10 =	sld [smem:$0x3FB6]  }
0x39: {  	_ = 	snop;
	(pc) =	sbr.ind lr, $3  }
0x3a: {  	_ = 	snop  }
0x3b: {  	_ = 	snop  }
0x3c: {  	p2 =	seq.s32 s10, $0x1;
	s10 =	sld [smem:$0x3FB5]  }
0x3d: {  	_ =	shalt  }
0x3e: {  	_ =	shalt  }
0x3f: {  	_ =	shalt  }
0x40: {  	_ =	shalt  }
0x41: {  	_ =	shalt  }
0x42: {  	_ =	shalt  }
0x43: {  	_ =	shalt  }
0x44: {  	_ =	shalt  }
0x45: {  	_ =	shalt  }
0x46: {  	_ =	shalt  }
0x47: {  	_ =	shalt  }
0x48: {  	_ =	shalt  }
0x49: {  	_ =	shalt  }
0x4a: {  	_ =	shalt  }
0x4b: {  	_ =	shalt  }
0x4c: {  	_ =	shalt  }
0x4d: {  	_ =	shalt  }
0x4e: {  	_ =	shalt  }
0x4f: {  	_ =	shalt  }
0x50: {  	_ =	shalt  }
0x51: {  	_ =	shalt  }
0x52: {  	_ =	shalt  }
0x53: {  	_ =	shalt  }
0x54: {  	_ =	shalt  }
0x55: {  	_ =	shalt  }
0x56: {  	_ =	shalt  }
0x57: {  	_ =	shalt  }
0x58: {  	_ =	shalt  }
0x59: {  	_ =	shalt  }
0x5a: {  	_ =	shalt  }
0x5b: {  	_ =	shalt  }
0x5c: {  	_ =	shalt  }
0x5d: {  	_ =	shalt  }
0x5e: {  	_ =	shalt  }
0x5f: {  	_ =	shalt  }
0x60: {  	_ =	shalt  }
0x61: {  	_ =	shalt  }
0x62: {  	_ =	shalt  }
0x63: {  	_ =	shalt  }
0x64: {  	_ =	shalt  }
0x65: {  	_ =	shalt  }
0x66: {  	_ =	shalt  }
0x67: {  	_ =	shalt  }
0x68: {  	_ =	shalt  }
0x69: {  	_ =	shalt  }
0x6a: {  	_ =	shalt  }
0x6b: {  	_ =	shalt  }
0x6c: {  	_ =	shalt  }
0x6d: {  	_ =	shalt  }
0x6e: {  	_ =	shalt  }
0x6f: {  	_ =	shalt  }
0x70: {  	_ =	shalt  }
0x71: {  	_ =	shalt  }
0x72: {  	_ =	shalt  }
0x73: {  	_ =	shalt  }
0x74: {  	_ =	shalt  }
0x75: {  	_ =	shalt  }
0x76: {  	_ =	shalt  }
0x77: {  	_ =	shalt  }
0x78: {  	_ =	shalt  }
0x79: {  	_ =	shalt  }
0x7a: {  	_ =	shalt  }
0x7b: {  	_ =	shalt  }
0x7c: {  	_ =	shalt  }
0x7d: {  	_ =	shalt  }
0x7e: {  	_ =	shalt  }
0x7f: {  	_ =	shalt  }
0x80: {  	_ =	shalt  }
0x81: {  	_ =	shalt  }
0x82: {  	_ =	shalt  }
0x83: {  	_ =	shalt  }
0x84: {  	_ =	shalt  }
0x85: {  	_ =	shalt  }
0x86: {  	_ =	shalt  }
0x87: {  	_ =	shalt  }
.Lfunc_end0:
.L_simem_size_0:
called_computation.7_lowered:
.L_overlay_start_0:
0x88: {  	s0 =	sld [smem:$0x3FD9]  }
0x89: {  	s1 =	sld [smem:$0x3FFE];
	_ =	sdelay $0x3  }
0x8a: {  	s0 =	sadd.s32 s1, s0  }
0x8b: {  	[smem:$0x3FC1] =	sst s0  }
0x8c: {  	_ = 	snop  }
0x8d: {  	s0 =	sld [smem:$0x3FD0];
	(tm) =	ssettm $0x1  }
0x8e: {  	s16 =	sld [smem:$0x3FFB];
	_ =	sdelay $0x3  }
0x8f: {  	_ =	strace s16  }
0x90: {  	s1 =	sld [smem:$0x3FFC];
	_ =	sdelay $0x3  }
0x91: {  	_ =	strace s1  }
0x92: {  	s1 =	sld [smem:$0x3FFD];
	_ =	sdelay $0x3  }
0x93: {  	_ =	strace s1  }
0x94: {  	_ =	strace $0x8FFFFFFF  }
0x95: {  	s17 =	sld [smem:$0x3FDB];
	_ =	sdelay $0x1  }
0x96: {  	s2 =	simm.s32 $_scs_section_size  }
0x97: {  	s3 =	simm.s32 $_size__tile_overlayer_lowered;
	s4 =	simm.s32 $_tile_overlayer_lowered  }
0x98: {  	s20 =	simm.s32 $0x1BFF;
	s19 =	sshll.u32 s4, $0x1;
	s1 =	sadd.s32 s2, s17  }
0x99: {  	s5 =	simm.s32 $0x0;
	s18 =	sshll.u32 s3, $0x1;
	s3 =	sadd.s32 s19, s1  }
0x9a: {  	[timem:s5], [sflag:s20] =	dma.local [hbm:s3], s18  }
0x9b: {  	_ =	swait.ge [sflag:s20], s18  }
0x9c: {  	s2 =	ssub.s32 $0x0, s18;
	[sflag:s20] =	ssyncset.done $0x0  }
0x9d: {  	[sflag:s20] =	ssyncadd.s32 s2;
	_ =	sdelay $0x1  }
0x9e: {  	s21 =	simm.s32 $0x1B8B  }
0x9f: {  	_ =	swait.ge [sflag:s21], $0x1  }
0xa0: {  	[sflag:s21] =	ssyncset.done $0x0  }
0xa1: {  	s23 =	simm.s32 $0x1B8E;
	s22 =	sld [smem:$0x3FFE];
	[sflag:s21] =	ssyncadd.s32 $0xFFFFFFFF  }
0xa2: {  	s24 =	simm.s32 $execute0_lowered;
	[smem:$0x3FD2] =	sst s23  }
0xa3: {  	s3 =	sshll.u32 s24, $0x1;
	_ =	strace $0x80000055;
	[dreg:$0x1] =	wrdreg $0xFFFFFFFF  }
0xa4: {  	s25 =	simm.s32 $_size_execute0_lowered;
	s1 =	sadd.s32 s1, s3;
	[dreg:$0x0] =	wrdreg $0x0  }
0xa5: {  	s3 =	sshll.u32 s25, $0x1;
	[dreg:$0x2] =	wrdreg s1  }
0xa6: {  	[dreg:$0x3] =	wrdreg s3  }
0xa7: {  	[dreg:$0x4] =	wrdreg $0xC0  }
0xa8: {  	_ =	task [dreg:s5], $0x5FFFF  }
0xa9: {  	[dreg:$0x1] =	wrdreg $0xFFFFFFFF  }
0xaa: {  	[dreg:$0x0] =	wrdreg $0x60  }
0xab: {  	[dreg:$0x2] =	wrdreg s22  }
0xac: {  	[dreg:$0x3] =	wrdreg s0  }
0xad: {  	[dreg:$0x4] =	wrdreg $0x9  }
0xae: {  	_ =	task.clear_ibuf [dreg:s5], $0x5FFFF;
	_ =	strace $0x90000055  }
0xaf: {  	s26 =	simm.s32 $0x9;
	_ =	strace $0x80000057  }
0xb0: {  	_ =	swait.ge [sflag:s26], $0x1  }
0xb1: {  	[sflag:s26] =	ssyncadd.s32 $0xFFFFFFFF  }
0xb2: {  	_ =	strace $0x90000057  }
0xb3: {  	_ =	sfence  }
0xb4: {  	s28 =	sld [smem:$0x0];
	_ =	sdelay $0x1  }
0xb5: {  	s29 =	srdreg.scid  }
0xb6: {  	s30 =	sshll.u32 s29, $0xD;
	s31 =	sshrl.u32 s29, $0x2  }
0xb7: {  	s2 =	sand.u32 $0x4000, s30;
	s1 =	sand.u32 $0x1, s29;
	s0 =	sadd.s32 s31, s28  }
0xb8: {  	s1 =	sor.u32 s2, s1;
	s0 =	sshll.u32 s0, $0x11  }
0xb9: {  	s0 =	sor.u32 s0, s1  }
0xba: {  	s0 =	sadd.s32 $0x8F2B, s0  }
0xbb: {  	[sflag:s0] =	ssyncadd.remote.s32 $0x1  }
0xbc: {  	_ =	sfence.sel $0xFFFF  }
0xbd: {  	[dreg:$0x0] =	wrdreg $0xFFFFFFFF;
	(pc) =	sbr.abs _section_cstart, $3  }
0xbe: {  	[dreg:$0x1] =	wrdreg $0xFFFFFFFF  }
0xbf: {  	_ =	task.clear_ibuf [dreg:s5], $0x2FFFF;
	_ =	strace $0x9FFFFFFF  }
0xc0: {  	(tm) =	ssettm $0x7FFFFFFF  }
0xc1: {  	_ =	shalt  }
tec
execute0_lowered:
.L_overlay_start_1:
0x0: {  	(tag) =	ssettag $0x1  }
0x1: {  	s0 =	stileid.u32  }
0x2: {  	s1 =	smin.u32 s0, $0x9  }
0x3: {  	s1 =	sadd.s32 s0, s1  }
0x4: {  	s2 =	simm.s32 $0xA0;
	p0 =	slt.u32 s0, $0x9;
	s1 =	smul.u32 $0x50, s1  }
0x5: {  	s2 =	simm.s32 @!p0 $0x50  }
0x6: {  	s2 =	sadd.s32 s2, s1  }
0x7: {  	s3 =	smin.u32 s2, $0x7D0  }
0x8: {  	s7 =	ssub.s32 s3, s1  }
0x9: {  	p0 =	sgt.s32 s7, $0x0  }
0xa: {  	s7 =	simm.s32 @!p0 $0x0  }
0xb: {  	s9 =	rddreg [dreg:$0x0];
	s31 =	smul.u32 $0xCCCD, s7  }
0xc: {  	s4 =	rddreg [dreg:$0x1];
	s6 =	simm.s32 $0x1  }
0xd: {  	s11 =	simm.s32 $0x3;
	s13 =	simm.s32 $0x0;
	s8 =	sshrl.u32 s31, $0x16  }
0xe: {  	s12 =	simm.s32 $0x0;
	s5 =	sadd.s32 $0x2C00, s9;
	s10 =	smul.u32 $0x50, s8  }
.Ltmp0:
0xf: {  	s9 =	sadd.s32 $0x31C00, s9;
	s2 =	rddreg [dreg:$0x2];
	(pc) =	sbr.rel .LBB2_1-.Ltmp0, $4  }
0x10: {  	_ =	strace $0x80000056;
	p0 =	sne.s32 s7, s10;
	s10 =	simm.s32 $0x1  }
0x11: {  	[sflag:s6] =	ssyncpa.u1 $0x0;
	s7 =	simm.s32 $0x2;
	s10 =	simm.s32 @!p0 $0x0  }
0x12: {  	[sflag:s7] =	ssyncpa.u1 $0x0;
	p0 =	por $0x0, $0x0;
	s8 =	sadd.s32 s8, s10  }
0x13: {  	vm0 =	vmmov $0xff;
	vm1 =	vcmask $0x3F20;
	[sflag:s11] =	ssyncpa.u1 $0x0;
	s11 =	smov.u32 s1;
	s10 =	sadd.s32 $0x1, s8  }
.LBB2_6:
0x14: {  	[hbm:s17] =	stream.linear.scatter [tilespmem:s14], [sflag:$0x3], $0x400, $0x38;
	[tilespmem:$0x50A0] =	vst v63  }
.LBB2_7:
0x15: {  	s13 =	sadd.s32 $0x50, s11  }
0x16: {  	s15 =	smov.u32 s1;
	p2 =	slt.s32 s13, s3  }
0x17: {  	s15 =	smov.u32 @p2 s13;
	p2 =	sne.s32 s12, s10  }
.Ltmp1:
0x18: {  	p1 =	slt.u32 s12, $0x2;
	(pc) =	sbr.rel @!p2 .LBB2_8-.Ltmp1, $4  }
0x19: {  	s14 =	simm.s32 @!p1 $0x3  }
0x1a: {  	s16 =	sadd.s32 $0x1, s12;
	_ =	swait.ge @!p1 [sflag:s14], $0x2800  }
0x1b: {  	p0 =	por !p0, !p0;
	s13 =	smov.u32 s11;
	[sflag:s14] =	ssyncset.done @!p1 $0x0  }
0x1c: {  	s12 =	smov.u32 s16;
	s11 =	smov.u32 s15;
	[sflag:s14] =	ssyncadd.s32 @!p1 $0xFFFFD800  }
.LBB2_1:
0x1d: {  	p1 =	sge.u32 s12, s8  }
0x1e: {  	s14 =	sxor.u32 @!p1 $0xFFFFFFFF, s12  }
0x1f: {  	s14 =	sand.u32 @!p1 $0x1, s14  }
0x20: {  	s14 =	smul.u32 @!p1 $0x140, s14  }
0x21: {  	s31 =	sadd.s32 $0xFFFFFFFF, s12;
	s15 =	sshrl.u32 @!p1 s11, $0x3  }
0x22: {  	s16 =	sand.u32 @!p1 $0x7, s11;
	s15 =	sadd.s32 @!p1 s4, s15;
	s14 =	sshrl.u32 @!p1 s14, $0x2  }
0x23: {  	[tilespmem:s14], [sflag:$0x2] =	stream.linear.gather @!p1 [hbm4b:s15+s16], $0x50, $0x38;
	[tilespmem:$0x50A0] =	vst v63  }
0x24: {  	p1 =	sge.u32 s31, s8  }
.Ltmp2:
0x25: {  	_ = 	snop;
	(pc) =	sbr.rel @p1 .LBB2_7-.Ltmp2, $1  }
0x26: {  	_ =	sdelay $0x3  }
0x27: {  	s14 =	simm.s32 $0x1  }
0x28: {  	s14 =	simm.s32 @!p0 $0x0  }
0x29: {  	s15 =	smul.u32 $0x140, s14  }
0x2a: {  	_ =	swait.ge [sflag:s7], $0x50  }
0x2b: {  	[sflag:s7] =	ssyncset.done $0x0;
	s16 =	sshrl.u32 s15, $0x2  }
0x2c: {  	[sflag:s7] =	ssyncadd.s32 $0xFFFFFFB0;
	s15 =	sadd.s32 $0x0, s16  }
0x2d: {  	v0 =	vld.msk [tilespmem:s15+$0x0 ss:$0x1], $0xffff;
	_ =	sdelay $0x4  }
0x2e: {  	vm2 =	vgt.s32 v0, $0x0  }
0x2f: {  	v0 =	vnsel vm2, $0x0, v0  }
0x30: {  	v0 =	vmin.u32 v0, $0x2EFF  }
0x31: {  	v0 =	vshll.u32 v0, $0x4  }
0x32: {  	s14 =	smul.u32 $0xA000, s14;
	_ =	sdelay $0x1  }
0x33: {  	s14 =	sshrl.u32 s14, $0x2  }
0x34: {  	s14 =	sor.u32 $0xA0, s14  }
0x35: {  	[tilespmem:s14], [sflag:$0x1] =	stream.indirect_vreg.gather [hbm:s5], $0x80, v0, vm0, $0x38;
	[tilespmem:$0x50A0] =	vst v63  }
0x36: {  	s17 =	sadd.s32 $0x10, s16;
	s15 =	sadd.s32 $0x400, s14  }
0x37: {  	[tilespmem:s15], [sflag:$0x1] =	stream.indirect_vreg.gather [hbm:s5], $0x80, v0, vm1, $0x38;
	[tilespmem:$0x50A0] =	vst v63  }
0x38: {  	s18 =	simm.s32 $0x80;
	v0 =	vld.msk [tilespmem:s17+$0x0 ss:$0x1], $0xffff;
	s17 =	smov.u32 s14  }
.LBB2_3:
0x39: {  	p1 =	sne.s32 s18, $0x100;
	_ =	sdelay $0x4  }
0x3a: {  	vm2 =	vgt.s32 v0, $0x0  }
0x3b: {  	v0 =	vnsel vm2, $0x0, v0  }
0x3c: {  	v0 =	vmin.u32 v0, $0x2EFF  }
0x3d: {  	v0 =	vshll.u32 v0, $0x4;
	_ =	sdelay $0x3  }
.Ltmp3:
0x3e: {  	s19 =	sshra.s32 s18, $0x2;
	s17 =	sadd.s32 $0x800, s17;
	(pc) =	sbr.rel @p1 .LBB2_3-.Ltmp3, $4  }
0x3f: {  	[tilespmem:s17], [sflag:$0x1] =	stream.indirect_vreg.gather [hbm:s5], $0x80, v0, vm0, $0x38;
	[tilespmem:$0x50A0] =	vst v63  }
0x40: {  	s19 =	sadd.s32 s19, s16;
	s20 =	sadd.s32 $0x400, s17  }
0x41: {  	[tilespmem:s20], [sflag:$0x1] =	stream.indirect_vreg.gather [hbm:s5], $0x80, v0, vm1, $0x38;
	[tilespmem:$0x50A0] =	vst v63  }
0x42: {  	s18 =	sadd.s32 $0x40, s18;
	v0 =	vld.msk [tilespmem:s19+$0x0 ss:$0x1], $0xffff  }
0x43: {  	_ =	sdelay $0x3  }
0x44: {  	vm2 =	vgt.s32 v0, $0x0  }
0x45: {  	v0 =	vnsel vm2, $0x0, v0  }
0x46: {  	v0 =	vmin.u32 v0, $0x2EFF  }
0x47: {  	v0 =	vshll.u32 v0, $0x4;
	_ =	sdelay $0x3  }
0x48: {  	s16 =	sadd.s32 $0x800, s17  }
0x49: {  	[tilespmem:s16], [sflag:$0x1] =	stream.indirect_vreg.gather [hbm:s5], $0x80, v0, vm0, $0x38;
	[tilespmem:$0x50A0] =	vst v63  }
0x4a: {  	s16 =	sadd.s32 $0x400, s16  }
0x4b: {  	[tilespmem:s16], [sflag:$0x1] =	stream.indirect_vreg.gather [hbm:s5], $0x80, v0, vm1, $0x38;
	[tilespmem:$0x50A0] =	vst v63  }
0x4c: {  	s13 =	sshll.u32 s13, $0x4;
	_ =	swait.ge [sflag:s6], $0x2800  }
0x4d: {  	s13 =	sadd.s32 s13, s9;
	[sflag:s6] =	ssyncset.done $0x0  }
0x4e: {  	s17 =	sadd.s32 $0x0, s13;
	s16 =	simm.s32 $0x80;
	[sflag:s6] =	ssyncadd.s32 $0xFFFFD800  }
.LBB2_5:
0x4f: {  	[hbm:s17] =	stream.linear.scatter [tilespmem:s14], [sflag:$0x3], $0x400, $0x38;
	[tilespmem:$0x50A0] =	vst v63  }
0x50: {  	s17 =	smov.u32 s16;
	s14 =	smov.u32 s15;
	p1 =	sne.s32 s16, $0x480  }
.Ltmp4:
0x51: {  	s16 =	sadd.s32 $0x80, s16;
	(pc) =	sbr.rel @p1 .LBB2_5-.Ltmp4, $2  }
0x52: {  	_ =	sdelay $0x2  }
0x53: {  	s15 =	sadd.s32 $0x400, s15;
	s17 =	sadd.s32 s17, s13  }
.Ltmp5:
0x54: {  	_ = 	snop;
	(pc) =	sbr.rel .LBB2_6-.Ltmp5, $1  }
0x55: {  	_ =	sdelay $0x3  }
.LBB2_8:
0x56: {  	_ =	sfence.sel $0x180000  }
0x57: {  	s1 =	simm.s32 $0x2;
	[bflag:$0x0] =	sbarrier.arrive $0xFFFF  }
0x58: {  	s30 =	simm.s32 $0x3;
	[sflag:s1] =	ssyncpa.u1 $0x1  }
0x59: {  	s31 =	simm.s32 $0x1;
	[sflag:s30] =	ssyncpa.u1 $0x1  }
0x5a: {  	[sflag:s31] =	ssyncpa.u1 $0x1  }
0x5b: {  	p0 =	sne.s32 s0, $0x0;
	_ =	strace $0x90000056  }
0x5c: {  	s0 =	sadd.s32 @!p0 $0x100000, s2;
	[bflag:$0x2] =	sbarrier.arrive $0xFFFF  }
0x5d: {  	[sflag:s0] =	ssyncadd.tile.s32 @!p0 $0x1;
	_ =	shalt  }
.Lfunc_end2:
_tile_overlayer_lowered:
.L_overlay_start_2:
0x5e: {  	(tag) =	ssettag $0x2  }
0x5f: {  	s0 =	rddreg [dreg:$0x0];
	s2 =	stileid.u32  }
0x60: {  	s1 =	rddreg [dreg:$0x1];
	p0 =	sne.s32 s2, $0x0  }
0x61: {  	s3 =	rddreg [dreg:$0x2];
	[bflag:$0x3] =	sbarrier.arrive $0xFFFF;
	s2 =	simm.s32 @!p0 $0x1C01  }
0x62: {  	[timem:s3], [sflag:s2] =	dma.local @!p0 [hbm:s0], s1  }
0x63: {  	s0 =	simm.s32 @!p0 $0x1  }
0x64: {  	_ =	swait.ge @!p0 [sflag:s0], s1  }
0x65: {  	s1 =	ssub.s32 @!p0 $0x0, s1;
	[sflag:s0] =	ssyncset.done @!p0 $0x0  }
0x66: {  	[sflag:s0] =	ssyncadd.s32 @!p0 s1  }
0x67: {  	[bflag:$0x3] =	sbarrier.arrive $0xFFFF  }
0x68: {  	_ =	shalt  }

// kernel: gather_offload_async_start.6
scs
__scs_entry_jumppad:
0x0: {  	(pc) =	sbr.rel $0x88, $3  }
0x1: {  	(tag) =	ssettag $0x0;
	lr =	simm.s32 $0x1  }
0x2: {  	[smem:$0x3F9A] =	sst lr;
	_ =	strace $0xD0000000  }
0x3: {  	_ = 	snop  }
0x4: {  	_ = 	snop  }
0x5: {  	_ = 	snop  }
0x6: {  	_ = 	snop  }
0x7: {  	_ = 	snop  }
__scs_overlays_trampoline_lowered:
0x8: {  	[smem:$0x3FA9] =	sst s0  }
0x9: {  	[smem:$0x3FAA] =	sst s1  }
0xa: {  	[smem:$0x3FAB] =	sst s2  }
0xb: {  	[smem:$0x3FAC] =	sst s3  }
0xc: {  	[smem:$0x3FAD] =	sst s4  }
0xd: {  	[smem:$0x3FAE] =	sst s5  }
0xe: {  	[smem:$0x3FAF] =	sst s6  }
0xf: {  	[smem:$0x3FB0] =	sst s7  }
0x10: {  	[smem:$0x3FB1] =	sst s8  }
0x11: {  	[smem:$0x3FB2] =	sst s9;
	s0 =	simm.s32 @!p0 $0x0  }
0x12: {  	s1 =	sld [smem:$0x3F98];
	s0 =	simm.s32 @p0 $0x1  }
0x13: {  	[smem:$0x3FB3] =	sst s0;
	s0 =	simm.s32 @!p1 $0x0  }
0x14: {  	s2 =	sld [smem:$0x3F97];
	s0 =	simm.s32 @p1 $0x1  }
0x15: {  	[smem:$0x3FB4] =	sst s0;
	s0 =	simm.s32 @!p2 $0x0  }
0x16: {  	s3 =	sld [smem:$0x3FDB];
	s0 =	simm.s32 @p2 $0x1  }
0x17: {  	s4 =	simm.s32 $0x1BF5;
	[smem:$0x3FB6] =	sst s0  }
0x18: {  	s0 =	sld [smem:$0x3F99];
	_ =	swait.ge [sflag:s4], $0x0  }
0x19: {  	s7 =	sld [smem:$0x3F9A]  }
0x1a: {  	s8 =	sadd.s32 $0xFFFFE003, lr  }
0x1b: {  	s9 =	sadd.s32 $0xFFFFFEF7, lr;
	s5 =	simm.s32 $0xFFFFFFFF;
	p2 =	slt.u32 s8, $0xFFFFF086  }
0x1c: {  	p1 =	slt.u32 s9, $0xF7A;
	s5 =	simm.s32 @!p2 $0x0  }
0x1d: {  	s5 =	simm.s32 @p1 $0x1;
	p0 =	seq.s32 s7, s2  }
0x1e: {  	s7 =	smul.u32 @!p0 $0xF7A, s2;
	p2 =	seq.s32 @!p0 s5, $0x0  }
0x1f: {  	s9 =	smul.u32 $0xF7A, s1;
	s8 =	simm.s32 @!p0 $0x1BF5;
	p2 =	por !p2, p0  }
0x20: {  	[sflag:s8] =	ssyncset.s32 @!p0 $0xFFFFF086;
	s6 =	sadd.s32 @!p0 s3, s7;
	s7 =	simm.s32 @!p0 $0x108  }
0x21: {  	s3 =	sadd.s32 s3, s9;
	s6 =	sadd.s32 @!p0 $0x88, s6;
	s7 =	simm.s32 @p2 $0x1082  }
0x22: {  	[simem:s7], [sflag:s8] =	dma.local @!p0 [hbm:s6], $0xF7A  }
0x23: {  	s9 =	sor.u32 $0xD0000000, s2;
	s6 =	simm.s32 $0x108;
	_ =	swait.ge @!p0 [sflag:s8], $0x0  }
0x24: {  	s3 =	sadd.s32 $0x88, s3;
	s6 =	simm.s32 @!p1 $0x1082;
	[sflag:s4] =	ssyncset.s32 $0xFFFFF086  }
0x25: {  	[simem:s6], [sflag:s4] =	dma.local [hbm:s3], $0xF7A  }
0x26: {  	[smem:$0x3F9A] =	sst s1;
	(tag) =	ssettag s2;
	_ =	strace s9  }
0x27: {  	s1 =	sld [smem:$0x3FAA]  }
0x28: {  	s2 =	sld [smem:$0x3FAB]  }
0x29: {  	s4 =	sld [smem:$0x3FAD]  }
0x2a: {  	p0 =	seq.s32 s5, $0x0;
	s5 =	sld [smem:$0x3FAE]  }
0x2b: {  	s6 =	sld [smem:$0x3FAF]  }
0x2c: {  	s7 =	sld [smem:$0x3FB0]  }
0x2d: {  	s3 =	simm.s32 $0x108;
	s8 =	sld [smem:$0x3FB1]  }
0x2e: {  	s3 =	simm.s32 @!p0 $0x1082;
	s9 =	sld [smem:$0x3FB2]  }
0x2f: {  	lr =	sadd.s32 s0, s3;
	s0 =	sld [smem:$0x3FA9]  }
0x30: {  	s3 =	sld [smem:$0x3FAC]  }
0x31: {  	[smem:$0x3FB5] =	sst s10  }
0x32: {  	s10 =	sld [smem:$0x3FB3];
	_ =	sdelay $0x3  }
0x33: {  	p0 =	seq.s32 s10, $0x1;
	s10 =	sld [smem:$0x3FB5];
	_ =	sdelay $0x3  }
0x34: {  	[smem:$0x3FB5] =	sst s10  }
0x35: {  	s10 =	sld [smem:$0x3FB4];
	_ =	sdelay $0x3  }
0x36: {  	p1 =	seq.s32 s10, $0x1;
	s10 =	sld [smem:$0x3FB5];
	_ =	sdelay $0x3  }
0x37: {  	[smem:$0x3FB5] =	sst s10  }
0x38: {  	s10 =	sld [smem:$0x3FB6]  }
0x39: {  	_ = 	snop;
	(pc) =	sbr.ind lr, $3  }
0x3a: {  	_ = 	snop  }
0x3b: {  	_ = 	snop  }
0x3c: {  	p2 =	seq.s32 s10, $0x1;
	s10 =	sld [smem:$0x3FB5]  }
0x3d: {  	_ =	shalt  }
0x3e: {  	_ =	shalt  }
0x3f: {  	_ =	shalt  }
0x40: {  	_ =	shalt  }
0x41: {  	_ =	shalt  }
0x42: {  	_ =	shalt  }
0x43: {  	_ =	shalt  }
0x44: {  	_ =	shalt  }
0x45: {  	_ =	shalt  }
0x46: {  	_ =	shalt  }
0x47: {  	_ =	shalt  }
0x48: {  	_ =	shalt  }
0x49: {  	_ =	shalt  }
0x4a: {  	_ =	shalt  }
0x4b: {  	_ =	shalt  }
0x4c: {  	_ =	shalt  }
0x4d: {  	_ =	shalt  }
0x4e: {  	_ =	shalt  }
0x4f: {  	_ =	shalt  }
0x50: {  	_ =	shalt  }
0x51: {  	_ =	shalt  }
0x52: {  	_ =	shalt  }
0x53: {  	_ =	shalt  }
0x54: {  	_ =	shalt  }
0x55: {  	_ =	shalt  }
0x56: {  	_ =	shalt  }
0x57: {  	_ =	shalt  }
0x58: {  	_ =	shalt  }
0x59: {  	_ =	shalt  }
0x5a: {  	_ =	shalt  }
0x5b: {  	_ =	shalt  }
0x5c: {  	_ =	shalt  }
0x5d: {  	_ =	shalt  }
0x5e: {  	_ =	shalt  }
0x5f: {  	_ =	shalt  }
0x60: {  	_ =	shalt  }
0x61: {  	_ =	shalt  }
0x62: {  	_ =	shalt  }
0x63: {  	_ =	shalt  }
0x64: {  	_ =	shalt  }
0x65: {  	_ =	shalt  }
0x66: {  	_ =	shalt  }
0x67: {  	_ =	shalt  }
0x68: {  	_ =	shalt  }
0x69: {  	_ =	shalt  }
0x6a: {  	_ =	shalt  }
0x6b: {  	_ =	shalt  }
0x6c: {  	_ =	shalt  }
0x6d: {  	_ =	shalt  }
0x6e: {  	_ =	shalt  }
0x6f: {  	_ =	shalt  }
0x70: {  	_ =	shalt  }
0x71: {  	_ =	shalt  }
0x72: {  	_ =	shalt  }
0x73: {  	_ =	shalt  }
0x74: {  	_ =	shalt  }
0x75: {  	_ =	shalt  }
0x76: {  	_ =	shalt  }
0x77: {  	_ =	shalt  }
0x78: {  	_ =	shalt  }
0x79: {  	_ =	shalt  }
0x7a: {  	_ =	shalt  }
0x7b: {  	_ =	shalt  }
0x7c: {  	_ =	shalt  }
0x7d: {  	_ =	shalt  }
0x7e: {  	_ =	shalt  }
0x7f: {  	_ =	shalt  }
0x80: {  	_ =	shalt  }
0x81: {  	_ =	shalt  }
0x82: {  	_ =	shalt  }
0x83: {  	_ =	shalt  }
0x84: {  	_ =	shalt  }
0x85: {  	_ =	shalt  }
0x86: {  	_ =	shalt  }
0x87: {  	_ =	shalt  }
.Lfunc_end0:
.L_simem_size_0:
called_computation.8_lowered:
.L_overlay_start_0:
0x88: {  	s2 =	sld [smem:$0x3FD9]  }
0x89: {  	s3 =	sld [smem:$0x3FFE];
	_ =	sdelay $0x1  }
0x8a: {  	s1 =	srdreg.scid  }
0x8b: {  	s0 =	sand.u32 $0x1, s1  }
0x8c: {  	s17 =	sshll.u32 s0, $0xA;
	s2 =	sadd.s32 s3, s2  }
0x8d: {  	s2 =	sadd.s32 s2, s17  }
0x8e: {  	[smem:$0x3FC1] =	sst s2  }
0x8f: {  	_ = 	snop  }
0x90: {  	s2 =	sld [smem:$0x3FD0];
	(tm) =	ssettm $0x1  }
0x91: {  	s18 =	sld [smem:$0x3FFB];
	_ =	sdelay $0x3  }
0x92: {  	_ =	strace s18  }
0x93: {  	s3 =	sld [smem:$0x3FFC];
	_ =	sdelay $0x3  }
0x94: {  	_ =	strace s3  }
0x95: {  	s3 =	sld [smem:$0x3FFD];
	_ =	sdelay $0x3  }
0x96: {  	_ =	strace s3  }
0x97: {  	_ =	strace $0x8FFFFFFF  }
0x98: {  	s19 =	sld [smem:$0x3FDB];
	_ =	sdelay $0x1  }
0x99: {  	s4 =	simm.s32 $_scs_section_size  }
0x9a: {  	s5 =	simm.s32 $_size__tile_overlayer_lowered;
	s6 =	simm.s32 $_tile_overlayer_lowered  }
0x9b: {  	s22 =	simm.s32 $0x1BFF;
	s21 =	sshll.u32 s6, $0x1;
	s3 =	sadd.s32 s4, s19  }
0x9c: {  	s7 =	simm.s32 $0x0;
	s20 =	sshll.u32 s5, $0x1;
	s5 =	sadd.s32 s21, s3  }
0x9d: {  	[timem:s7], [sflag:s22] =	dma.local [hbm:s5], s20  }
0x9e: {  	_ =	swait.ge [sflag:s22], s20  }
0x9f: {  	s4 =	ssub.s32 $0x0, s20;
	[sflag:s22] =	ssyncset.done $0x0  }
0xa0: {  	[sflag:s22] =	ssyncadd.s32 s4;
	_ =	sdelay $0x1  }
0xa1: {  	s23 =	simm.s32 $0x1B8B  }
0xa2: {  	_ =	swait.ge [sflag:s23], $0x1  }
0xa3: {  	[sflag:s23] =	ssyncset.done $0x0  }
0xa4: {  	s25 =	simm.s32 $0x1B8E;
	s24 =	sld [smem:$0x3FFE];
	[sflag:s23] =	ssyncadd.s32 $0xFFFFFFFF  }
0xa5: {  	s26 =	simm.s32 $execute0_lowered;
	[smem:$0x3FD2] =	sst s25  }
0xa6: {  	s5 =	sshll.u32 s26, $0x1;
	_ =	strace $0x80000058;
	[dreg:$0x1] =	wrdreg $0xFFFFFFFF  }
0xa7: {  	s28 =	simm.s32 $_size_execute0_lowered;
	s3 =	sadd.s32 s3, s5;
	[dreg:$0x0] =	wrdreg $0x0  }
0xa8: {  	s5 =	sshll.u32 s28, $0x1;
	[dreg:$0x2] =	wrdreg s3  }
0xa9: {  	[dreg:$0x3] =	wrdreg s5  }
0xaa: {  	[dreg:$0x4] =	wrdreg $0xC0  }
0xab: {  	_ =	task [dreg:s7], $0x5FFFF  }
0xac: {  	[dreg:$0x1] =	wrdreg $0xFFFFFFFF  }
0xad: {  	[dreg:$0x0] =	wrdreg $0x60  }
0xae: {  	[dreg:$0x2] =	wrdreg s24  }
0xaf: {  	[dreg:$0x3] =	wrdreg s2  }
0xb0: {  	[dreg:$0x4] =	wrdreg $0x9  }
0xb1: {  	_ =	task.clear_ibuf [dreg:s7], $0x5FFFF;
	_ =	strace $0x90000058  }
0xb2: {  	s29 =	simm.s32 $0x9;
	_ =	strace $0x8000005A  }
0xb3: {  	_ =	swait.ge [sflag:s29], $0x1  }
0xb4: {  	[sflag:s29] =	ssyncadd.s32 $0xFFFFFFFF  }
0xb5: {  	_ =	strace $0x9000005A  }
0xb6: {  	_ =	sfence  }
0xb7: {  	s30 =	sld [smem:$0x0];
	_ =	sdelay $0x2  }
0xb8: {  	s31 =	sshll.u32 s1, $0xD;
	s1 =	sshrl.u32 s1, $0x2  }
0xb9: {  	s3 =	sand.u32 $0x4000, s31;
	s1 =	sadd.s32 s1, s30  }
0xba: {  	s0 =	sor.u32 s3, s0;
	s1 =	sshll.u32 s1, $0x11  }
0xbb: {  	s0 =	sor.u32 s1, s0  }
0xbc: {  	s0 =	sadd.s32 $0x8F2B, s0  }
0xbd: {  	[sflag:s0] =	ssyncadd.remote.s32 $0x1  }
0xbe: {  	_ =	sfence.sel $0xFFFF  }
0xbf: {  	[dreg:$0x0] =	wrdreg $0xFFFFFFFF;
	(pc) =	sbr.abs _section_cstart, $3  }
0xc0: {  	[dreg:$0x1] =	wrdreg $0xFFFFFFFF  }
0xc1: {  	_ =	task.clear_ibuf [dreg:s7], $0x2FFFF;
	_ =	strace $0x9FFFFFFF  }
0xc2: {  	(tm) =	ssettm $0x7FFFFFFF  }
0xc3: {  	_ =	shalt  }
tec
execute0_lowered:
.L_overlay_start_1:
0x0: {  	(tag) =	ssettag $0x1  }
0x1: {  	s1 =	srdreg.scid;
	s5 =	rddreg [dreg:$0x0]  }
0x2: {  	s0 =	stileid.u32;
	s2 =	rddreg [dreg:$0x1];
	s6 =	simm.s32 $0x1  }
0x3: {  	s9 =	simm.s32 $0x1;
	s10 =	simm.s32 $0x3;
	s1 =	sshll.u32 s1, $0x6  }
0x4: {  	s13 =	simm.s32 $0x0;
	s3 =	sshll.u32 s0, $0x7;
	s4 =	sand.u32 $0x40, s1  }
0x5: {  	s12 =	simm.s32 $0x0;
	s1 =	rddreg [dreg:$0x2];
	s3 =	sor.u32 s3, s4  }
0x6: {  	_ =	strace $0x80000059;
	s4 =	sadd.s32 $0x200, s5;
	s8 =	ssub.s32 $0xA00, s3  }
.Ltmp0:
0x7: {  	s5 =	sadd.s32 $0x2E00, s5;
	s7 =	sand.u32 $0x7C0, s8;
	(pc) =	sbr.rel .LBB2_1-.Ltmp0, $4  }
0x8: {  	[sflag:s6] =	ssyncpa.u1 $0x0;
	s11 =	smov.u32 s3;
	p0 =	sne.s32 s7, $0x0  }
0x9: {  	s8 =	sshrl.u32 s8, $0xB;
	s7 =	simm.s32 $0x2;
	s9 =	simm.s32 @!p0 $0x0  }
0xa: {  	[sflag:s7] =	ssyncpa.u1 $0x0;
	p0 =	por $0x0, $0x0;
	s8 =	sadd.s32 s9, s8  }
0xb: {  	vm0 =	vmmov $0xffff;
	[sflag:s10] =	ssyncpa.u1 $0x0;
	s10 =	simm.s32 $0x0;
	s9 =	sadd.s32 $0x1, s8  }
.LBB2_4:
0xc: {  	v2 =	vnsel vm1, $0x0, v2  }
0xd: {  	vm1 =	vgt.s32 v0, $0x0;
	v2 =	vmin.u32 v2, $0x4E7F  }
0xe: {  	v0 =	vnsel vm1, $0x0, v0  }
0xf: {  	v0 =	vmin.u32 v0, $0x4E7F  }
0x10: {  	[tilespmem:s15], [sflag:$0x1] =	stream.indirect_vreg.gather [hbm4b:s4+s10], $0x1, v1, vm0, $0x4038;
	[tilespmem:$0x100] =	vst v63  }
0x11: {  	(ifvalue) =	ssetifvalue $0x7FFFFFFF  }
0x12: {  	[tilespmem:s16], [sflag:$0x1] =	stream.indirect_vreg.gather [hbm4b:s4+s10], $0x1, v2, vm0, $0x4038;
	[tilespmem:$0x100] =	vst v63  }
0x13: {  	s29 =	sadd.s32 $0x10, s16;
	(ifvalue) =	ssetifvalue $0x7FFFFFFF  }
0x14: {  	[tilespmem:s29], [sflag:$0x1] =	stream.indirect_vreg.gather [hbm4b:s4+s10], $0x1, v0, vm0, $0x4038;
	[tilespmem:$0x100] =	vst v63  }
0x15: {  	_ =	swait.ge [sflag:s6], $0x40  }
0x16: {  	s30 =	sshrl.u32 s13, $0x3;
	[sflag:s6] =	ssyncset.done $0x0  }
0x17: {  	s31 =	sand.u32 $0x7, s13;
	s15 =	sadd.s32 s5, s30;
	[sflag:s6] =	ssyncadd.s32 $0xFFFFFFC0  }
0x18: {  	[hbm4b:s15+s31] =	stream.linear.scatter [tilespmem:s14], [sflag:$0x3], $0x40, $0x38;
	[tilespmem:$0x100] =	vst v63  }
.LBB2_5:
0x19: {  	s15 =	sadd.s32 $0x800, s11  }
0x1a: {  	p2 =	sgt.s32 s15, $0x9FF  }
0x1b: {  	s15 =	smov.u32 @p2 s3;
	p2 =	sne.s32 s12, s9  }
.Ltmp1:
0x1c: {  	p1 =	slt.u32 s12, $0x2;
	(pc) =	sbr.rel @!p2 .LBB2_6-.Ltmp1, $4  }
0x1d: {  	s14 =	simm.s32 @!p1 $0x3  }
0x1e: {  	s16 =	sadd.s32 $0x1, s12;
	_ =	swait.ge @!p1 [sflag:s14], $0x40  }
0x1f: {  	s13 =	smov.u32 s11;
	p0 =	por !p0, !p0;
	[sflag:s14] =	ssyncset.done @!p1 $0x0  }
0x20: {  	s12 =	smov.u32 s16;
	s11 =	smov.u32 s15;
	[sflag:s14] =	ssyncadd.s32 @!p1 $0xFFFFFFC0  }
.LBB2_1:
0x21: {  	p1 =	sge.u32 s12, s8  }
0x22: {  	s14 =	sxor.u32 @!p1 $0xFFFFFFFF, s12  }
0x23: {  	s31 =	sadd.s32 $0xFFFFFFFF, s12;
	s15 =	sshrl.u32 @!p1 s11, $0x3;
	s14 =	sshll.u32 @!p1 s14, $0x6  }
0x24: {  	s16 =	sand.u32 @!p1 $0x7, s11;
	s15 =	sadd.s32 @!p1 s2, s15;
	s14 =	sand.u32 @!p1 $0x40, s14  }
0x25: {  	[tilespmem:s14], [sflag:$0x2] =	stream.linear.gather @!p1 [hbm4b:s15+s16], $0x40, $0x38;
	[tilespmem:$0x100] =	vst v63  }
0x26: {  	p1 =	sge.u32 s31, s8  }
.Ltmp2:
0x27: {  	_ = 	snop;
	(pc) =	sbr.rel @p1 .LBB2_5-.Ltmp2, $1  }
0x28: {  	_ =	sdelay $0x3  }
0x29: {  	s14 =	simm.s32 $0x1  }
0x2a: {  	_ =	swait.ge [sflag:s7], $0x40;
	s14 =	simm.s32 @!p0 $0x0  }
0x2b: {  	[sflag:s7] =	ssyncset.done $0x0;
	s14 =	sshll.u32 s14, $0x6  }
0x2c: {  	[sflag:s7] =	ssyncadd.s32 $0xFFFFFFC0;
	(ifvalue) =	ssetifvalue $0x7FFFFFFF;
	v0 =	vld.msk [tilespmem:s14+$0x0 ss:$0x1], $0xffff;
	_ =	sdelay $0x4  }
0x2d: {  	s15 =	sadd.s32 $0x10, s14;
	vm1 =	vgt.s32 v0, $0x0  }
0x2e: {  	v2 =	vld.msk [tilespmem:s15+$0x0 ss:$0x1], $0xffff;
	v1 =	vnsel vm1, $0x0, v0  }
0x2f: {  	v1 =	vmin.u32 v1, $0x4E7F;
	_ =	sdelay $0x1  }
0x30: {  	s16 =	sshll.u32 s12, $0x6;
	s18 =	simm.s32 $0x20  }
0x31: {  	s16 =	sand.u32 $0x40, s16;
	s17 =	sadd.s32 $0x10, s15;
	s15 =	sor.u32 $0x80, s14  }
0x32: {  	s14 =	sor.u32 $0x80, s16;
	s16 =	sadd.s32 $0x10, s15;
	v0 =	vld.msk [tilespmem:s17+$0x0 ss:$0x1], $0xffff;
	vm1 =	vgt.s32 v2, $0x0;
	(ifvalue) =	ssetifvalue $0x7FFFFFFF  }
.LBB2_3:
0x33: {  	[tilespmem:s15], [sflag:$0x1] =	stream.indirect_vreg.gather [hbm4b:s4+s10], $0x1, v1, vm0, $0x4038;
	[tilespmem:$0x100] =	vst v63  }
0x34: {  	s18 =	sadd.s32 $0x10, s18  }
0x35: {  	v2 =	vnsel vm1, $0x0, v2;
	p1 =	slt.u32 s18, $0x30  }
.Ltmp3:
0x36: {  	s15 =	smov.u32 s16;
	v1 =	vmin.u32 v2, $0x4E7F;
	(pc) =	sbr.rel @p1 .LBB2_3-.Ltmp3, $3  }
0x37: {  	_ =	sdelay $0x1  }
0x38: {  	s17 =	sadd.s32 $0x10, s17  }
0x39: {  	vm1 =	vgt.s32 v0, $0x0;
	s16 =	sadd.s32 $0x10, s16;
	v2 =	vmov v0;
	(ifvalue) =	ssetifvalue $0x7FFFFFFF;
	v0 =	vld.msk [tilespmem:s17+$0x0 ss:$0x1], $0xffff  }
.Ltmp4:
0x3a: {  	_ = 	snop;
	(pc) =	sbr.rel .LBB2_4-.Ltmp4, $1  }
0x3b: {  	_ =	sdelay $0x3  }
.LBB2_6:
0x3c: {  	_ =	sfence.sel $0x180000  }
0x3d: {  	s2 =	simm.s32 $0x2;
	[bflag:$0x0] =	sbarrier.arrive $0xFFFF  }
0x3e: {  	s30 =	simm.s32 $0x3;
	[sflag:s2] =	ssyncpa.u1 $0x1  }
0x3f: {  	s31 =	simm.s32 $0x1;
	[sflag:s30] =	ssyncpa.u1 $0x1  }
0x40: {  	[sflag:s31] =	ssyncpa.u1 $0x1  }
0x41: {  	p0 =	sne.s32 s0, $0x0;
	_ =	strace $0x90000059  }
0x42: {  	s0 =	sadd.s32 @!p0 $0x100000, s1;
	[bflag:$0x2] =	sbarrier.arrive $0xFFFF  }
0x43: {  	[sflag:s0] =	ssyncadd.tile.s32 @!p0 $0x1;
	_ =	shalt  }
.Lfunc_end2:
_tile_overlayer_lowered:
.L_overlay_start_2:
0x44: {  	(tag) =	ssettag $0x2  }
0x45: {  	s0 =	rddreg [dreg:$0x0];
	s2 =	stileid.u32  }
0x46: {  	s1 =	rddreg [dreg:$0x1];
	p0 =	sne.s32 s2, $0x0  }
0x47: {  	s3 =	rddreg [dreg:$0x2];
	[bflag:$0x3] =	sbarrier.arrive $0xFFFF;
	s2 =	simm.s32 @!p0 $0x1C01  }
0x48: {  	[timem:s3], [sflag:s2] =	dma.local @!p0 [hbm:s0], s1  }
0x49: {  	s0 =	simm.s32 @!p0 $0x1  }
0x4a: {  	_ =	swait.ge @!p0 [sflag:s0], s1  }
0x4b: {  	s1 =	ssub.s32 @!p0 $0x0, s1;
	[sflag:s0] =	ssyncset.done @!p0 $0x0  }
0x4c: {  	[sflag:s0] =	ssyncadd.s32 @!p0 s1  }
0x4d: {  	[bflag:$0x3] =	sbarrier.arrive $0xFFFF  }
0x4e: {  	_ =	shalt  }

// kernel: gather_offload_async_start.7
scs
__scs_entry_jumppad:
0x0: {  	(pc) =	sbr.rel $0x88, $3  }
0x1: {  	(tag) =	ssettag $0x0;
	lr =	simm.s32 $0x1  }
0x2: {  	[smem:$0x3F9A] =	sst lr;
	_ =	strace $0xD0000000  }
0x3: {  	_ = 	snop  }
0x4: {  	_ = 	snop  }
0x5: {  	_ = 	snop  }
0x6: {  	_ = 	snop  }
0x7: {  	_ = 	snop  }
__scs_overlays_trampoline_lowered:
0x8: {  	[smem:$0x3FA9] =	sst s0  }
0x9: {  	[smem:$0x3FAA] =	sst s1  }
0xa: {  	[smem:$0x3FAB] =	sst s2  }
0xb: {  	[smem:$0x3FAC] =	sst s3  }
0xc: {  	[smem:$0x3FAD] =	sst s4  }
0xd: {  	[smem:$0x3FAE] =	sst s5  }
0xe: {  	[smem:$0x3FAF] =	sst s6  }
0xf: {  	[smem:$0x3FB0] =	sst s7  }
0x10: {  	[smem:$0x3FB1] =	sst s8  }
0x11: {  	[smem:$0x3FB2] =	sst s9;
	s0 =	simm.s32 @!p0 $0x0  }
0x12: {  	s1 =	sld [smem:$0x3F98];
	s0 =	simm.s32 @p0 $0x1  }
0x13: {  	[smem:$0x3FB3] =	sst s0;
	s0 =	simm.s32 @!p1 $0x0  }
0x14: {  	s2 =	sld [smem:$0x3F97];
	s0 =	simm.s32 @p1 $0x1  }
0x15: {  	[smem:$0x3FB4] =	sst s0;
	s0 =	simm.s32 @!p2 $0x0  }
0x16: {  	s3 =	sld [smem:$0x3FDB];
	s0 =	simm.s32 @p2 $0x1  }
0x17: {  	s4 =	simm.s32 $0x1BF5;
	[smem:$0x3FB6] =	sst s0  }
0x18: {  	s0 =	sld [smem:$0x3F99];
	_ =	swait.ge [sflag:s4], $0x0  }
0x19: {  	s7 =	sld [smem:$0x3F9A]  }
0x1a: {  	s8 =	sadd.s32 $0xFFFFE003, lr  }
0x1b: {  	s9 =	sadd.s32 $0xFFFFFEF7, lr;
	s5 =	simm.s32 $0xFFFFFFFF;
	p2 =	slt.u32 s8, $0xFFFFF086  }
0x1c: {  	p1 =	slt.u32 s9, $0xF7A;
	s5 =	simm.s32 @!p2 $0x0  }
0x1d: {  	s5 =	simm.s32 @p1 $0x1;
	p0 =	seq.s32 s7, s2  }
0x1e: {  	s7 =	smul.u32 @!p0 $0xF7A, s2;
	p2 =	seq.s32 @!p0 s5, $0x0  }
0x1f: {  	s9 =	smul.u32 $0xF7A, s1;
	s8 =	simm.s32 @!p0 $0x1BF5;
	p2 =	por !p2, p0  }
0x20: {  	[sflag:s8] =	ssyncset.s32 @!p0 $0xFFFFF086;
	s6 =	sadd.s32 @!p0 s3, s7;
	s7 =	simm.s32 @!p0 $0x108  }
0x21: {  	s3 =	sadd.s32 s3, s9;
	s6 =	sadd.s32 @!p0 $0x88, s6;
	s7 =	simm.s32 @p2 $0x1082  }
0x22: {  	[simem:s7], [sflag:s8] =	dma.local @!p0 [hbm:s6], $0xF7A  }
0x23: {  	s9 =	sor.u32 $0xD0000000, s2;
	s6 =	simm.s32 $0x108;
	_ =	swait.ge @!p0 [sflag:s8], $0x0  }
0x24: {  	s3 =	sadd.s32 $0x88, s3;
	s6 =	simm.s32 @!p1 $0x1082;
	[sflag:s4] =	ssyncset.s32 $0xFFFFF086  }
0x25: {  	[simem:s6], [sflag:s4] =	dma.local [hbm:s3], $0xF7A  }
0x26: {  	[smem:$0x3F9A] =	sst s1;
	(tag) =	ssettag s2;
	_ =	strace s9  }
0x27: {  	s1 =	sld [smem:$0x3FAA]  }
0x28: {  	s2 =	sld [smem:$0x3FAB]  }
0x29: {  	s4 =	sld [smem:$0x3FAD]  }
0x2a: {  	p0 =	seq.s32 s5, $0x0;
	s5 =	sld [smem:$0x3FAE]  }
0x2b: {  	s6 =	sld [smem:$0x3FAF]  }
0x2c: {  	s7 =	sld [smem:$0x3FB0]  }
0x2d: {  	s3 =	simm.s32 $0x108;
	s8 =	sld [smem:$0x3FB1]  }
0x2e: {  	s3 =	simm.s32 @!p0 $0x1082;
	s9 =	sld [smem:$0x3FB2]  }
0x2f: {  	lr =	sadd.s32 s0, s3;
	s0 =	sld [smem:$0x3FA9]  }
0x30: {  	s3 =	sld [smem:$0x3FAC]  }
0x31: {  	[smem:$0x3FB5] =	sst s10  }
0x32: {  	s10 =	sld [smem:$0x3FB3];
	_ =	sdelay $0x3  }
0x33: {  	p0 =	seq.s32 s10, $0x1;
	s10 =	sld [smem:$0x3FB5];
	_ =	sdelay $0x3  }
0x34: {  	[smem:$0x3FB5] =	sst s10  }
0x35: {  	s10 =	sld [smem:$0x3FB4];
	_ =	sdelay $0x3  }
0x36: {  	p1 =	seq.s32 s10, $0x1;
	s10 =	sld [smem:$0x3FB5];
	_ =	sdelay $0x3  }
0x37: {  	[smem:$0x3FB5] =	sst s10  }
0x38: {  	s10 =	sld [smem:$0x3FB6]  }
0x39: {  	_ = 	snop;
	(pc) =	sbr.ind lr, $3  }
0x3a: {  	_ = 	snop  }
0x3b: {  	_ = 	snop  }
0x3c: {  	p2 =	seq.s32 s10, $0x1;
	s10 =	sld [smem:$0x3FB5]  }
0x3d: {  	_ =	shalt  }
0x3e: {  	_ =	shalt  }
0x3f: {  	_ =	shalt  }
0x40: {  	_ =	shalt  }
0x41: {  	_ =	shalt  }
0x42: {  	_ =	shalt  }
0x43: {  	_ =	shalt  }
0x44: {  	_ =	shalt  }
0x45: {  	_ =	shalt  }
0x46: {  	_ =	shalt  }
0x47: {  	_ =	shalt  }
0x48: {  	_ =	shalt  }
0x49: {  	_ =	shalt  }
0x4a: {  	_ =	shalt  }
0x4b: {  	_ =	shalt  }
0x4c: {  	_ =	shalt  }
0x4d: {  	_ =	shalt  }
0x4e: {  	_ =	shalt  }
0x4f: {  	_ =	shalt  }
0x50: {  	_ =	shalt  }
0x51: {  	_ =	shalt  }
0x52: {  	_ =	shalt  }
0x53: {  	_ =	shalt  }
0x54: {  	_ =	shalt  }
0x55: {  	_ =	shalt  }
0x56: {  	_ =	shalt  }
0x57: {  	_ =	shalt  }
0x58: {  	_ =	shalt  }
0x59: {  	_ =	shalt  }
0x5a: {  	_ =	shalt  }
0x5b: {  	_ =	shalt  }
0x5c: {  	_ =	shalt  }
0x5d: {  	_ =	shalt  }
0x5e: {  	_ =	shalt  }
0x5f: {  	_ =	shalt  }
0x60: {  	_ =	shalt  }
0x61: {  	_ =	shalt  }
0x62: {  	_ =	shalt  }
0x63: {  	_ =	shalt  }
0x64: {  	_ =	shalt  }
0x65: {  	_ =	shalt  }
0x66: {  	_ =	shalt  }
0x67: {  	_ =	shalt  }
0x68: {  	_ =	shalt  }
0x69: {  	_ =	shalt  }
0x6a: {  	_ =	shalt  }
0x6b: {  	_ =	shalt  }
0x6c: {  	_ =	shalt  }
0x6d: {  	_ =	shalt  }
0x6e: {  	_ =	shalt  }
0x6f: {  	_ =	shalt  }
0x70: {  	_ =	shalt  }
0x71: {  	_ =	shalt  }
0x72: {  	_ =	shalt  }
0x73: {  	_ =	shalt  }
0x74: {  	_ =	shalt  }
0x75: {  	_ =	shalt  }
0x76: {  	_ =	shalt  }
0x77: {  	_ =	shalt  }
0x78: {  	_ =	shalt  }
0x79: {  	_ =	shalt  }
0x7a: {  	_ =	shalt  }
0x7b: {  	_ =	shalt  }
0x7c: {  	_ =	shalt  }
0x7d: {  	_ =	shalt  }
0x7e: {  	_ =	shalt  }
0x7f: {  	_ =	shalt  }
0x80: {  	_ =	shalt  }
0x81: {  	_ =	shalt  }
0x82: {  	_ =	shalt  }
0x83: {  	_ =	shalt  }
0x84: {  	_ =	shalt  }
0x85: {  	_ =	shalt  }
0x86: {  	_ =	shalt  }
0x87: {  	_ =	shalt  }
.Lfunc_end0:
.L_simem_size_0:
called_computation.9_lowered:
.L_overlay_start_0:
0x88: {  	s2 =	sld [smem:$0x3FD9]  }
0x89: {  	s3 =	sld [smem:$0x3FFE];
	_ =	sdelay $0x1  }
0x8a: {  	s1 =	srdreg.scid  }
0x8b: {  	s0 =	sand.u32 $0x1, s1  }
0x8c: {  	s17 =	sshll.u32 s0, $0xA;
	s2 =	sadd.s32 s3, s2  }
0x8d: {  	s2 =	sadd.s32 s2, s17  }
0x8e: {  	[smem:$0x3FC1] =	sst s2  }
0x8f: {  	_ = 	snop  }
0x90: {  	s18 =	sld [smem:$0x3FD0];
	(tm) =	ssettm $0x1  }
0x91: {  	s19 =	sld [smem:$0x3FFB];
	_ =	sdelay $0x3  }
0x92: {  	_ =	strace s19  }
0x93: {  	s2 =	sld [smem:$0x3FFC];
	_ =	sdelay $0x3  }
0x94: {  	_ =	strace s2  }
0x95: {  	s2 =	sld [smem:$0x3FFD];
	_ =	sdelay $0x3  }
0x96: {  	_ =	strace s2  }
0x97: {  	_ =	strace $0x8FFFFFFF  }
0x98: {  	s20 =	sld [smem:$0x3FDB];
	_ =	sdelay $0x1  }
0x99: {  	s4 =	simm.s32 $_scs_section_size  }
0x9a: {  	s5 =	simm.s32 $_size__tile_overlayer_lowered;
	s6 =	simm.s32 $_tile_overlayer_lowered  }
0x9b: {  	s7 =	simm.s32 $0x1BFF;
	s21 =	sshll.u32 s6, $0x1;
	s4 =	sadd.s32 s4, s20  }
0x9c: {  	s22 =	simm.s32 $0x0;
	s5 =	sshll.u32 s5, $0x1;
	s6 =	sadd.s32 s21, s4  }
0x9d: {  	[timem:s22], [sflag:s7] =	dma.local [hbm:s6], s5  }
0x9e: {  	_ =	swait.ge [sflag:s7], s5  }
0x9f: {  	s5 =	ssub.s32 $0x0, s5;
	[sflag:s7] =	ssyncset.done $0x0  }
0xa0: {  	[sflag:s7] =	ssyncadd.s32 s5;
	_ =	sdelay $0x1  }
0xa1: {  	s23 =	simm.s32 $0x1B8B  }
0xa2: {  	_ =	swait.ge [sflag:s23], $0x1  }
0xa3: {  	[sflag:s23] =	ssyncset.done $0x0  }
0xa4: {  	[sflag:s23] =	ssyncadd.s32 $0xFFFFFFFF  }
0xa5: {  	s5 =	sld [smem:$0x0]  }
0xa6: {  	s6 =	sand.u32 $0xFFFFFFFE, s1  }
0xa7: {  	p0 =	sne.s32 s1, s6  }
0xa8: {  	s6 =	sshll.u32 @p0 s6, $0xE  }
0xa9: {  	s6 =	sadd.s32 @p0 $0x11B8D, s6;
	s7 =	sshll.u32 @p0 s5, $0x11  }
0xaa: {  	s6 =	sor.u32 @p0 s7, s6  }
0xab: {  	[sflag:s6] =	ssyncadd.remote.s32 @p0 $0x1;
	_ =	sdelay $0x1  }
0xac: {  	s6 =	simm.s32 @p0 $0x1B8D  }
0xad: {  	_ =	swait.eq @p0 [sflag:s6], $0x1  }
0xae: {  	[sflag:s6] =	ssyncadd.s32 @p0 $0xFFFFFFFF  }
0xaf: {  	s7 =	sshll.u32 @!p0 s1, $0xE  }
0xb0: {  	s7 =	sor.u32 @!p0 $0x4000, s7;
	s6 =	simm.s32 @!p0 $0x1B8D  }
0xb1: {  	s5 =	sshll.u32 @!p0 s5, $0x11;
	s7 =	sadd.s32 @!p0 $0x11B8D, s7;
	_ =	swait.eq @!p0 [sflag:s6], $0x1  }
0xb2: {  	s5 =	sor.u32 @!p0 s5, s7;
	[sflag:s6] =	ssyncadd.s32 @!p0 $0xFFFFFFFF  }
0xb3: {  	s25 =	simm.s32 $0x1B8E;
	s24 =	sld [smem:$0x3FFE];
	[sflag:s5] =	ssyncadd.remote.s32 @!p0 $0x1  }
0xb4: {  	s26 =	simm.s32 $execute0_lowered;
	[smem:$0x3FD2] =	sst s25  }
0xb5: {  	s6 =	sshll.u32 s26, $0x1;
	_ =	strace $0x80000061;
	[dreg:$0x1] =	wrdreg $0xFFFFFFFF  }
0xb6: {  	s28 =	simm.s32 $_size_execute0_lowered;
	s4 =	sadd.s32 s4, s6;
	[dreg:$0x0] =	wrdreg $0x0  }
0xb7: {  	s6 =	sshll.u32 s28, $0x1;
	[dreg:$0x2] =	wrdreg s4  }
0xb8: {  	[dreg:$0x3] =	wrdreg s6  }
0xb9: {  	[dreg:$0x4] =	wrdreg $0xC0  }
0xba: {  	_ =	task [dreg:s22], $0x5FFFF  }
0xbb: {  	[dreg:$0x1] =	wrdreg $0xFFFFFFFF  }
0xbc: {  	[dreg:$0x0] =	wrdreg $0x60  }
0xbd: {  	[dreg:$0x2] =	wrdreg s24  }
0xbe: {  	[dreg:$0x3] =	wrdreg s18  }
0xbf: {  	[dreg:$0x4] =	wrdreg $0xA  }
0xc0: {  	_ =	task.clear_ibuf [dreg:s22], $0x5FFFF;
	_ =	strace $0x90000061  }
0xc1: {  	s29 =	simm.s32 $0xA;
	_ =	strace $0x80000063  }
0xc2: {  	_ =	swait.ge [sflag:s29], $0x1  }
0xc3: {  	[sflag:s29] =	ssyncadd.s32 $0xFFFFFFFF  }
0xc4: {  	_ =	strace $0x90000063  }
0xc5: {  	_ =	sfence  }
0xc6: {  	s30 =	sld [smem:$0x0];
	_ =	sdelay $0x2  }
0xc7: {  	s31 =	sshll.u32 s1, $0xD;
	s1 =	sshrl.u32 s1, $0x2  }
0xc8: {  	s4 =	sand.u32 $0x4000, s31;
	s1 =	sadd.s32 s1, s30  }
0xc9: {  	s0 =	sor.u32 s4, s0;
	s1 =	sshll.u32 s1, $0x11  }
0xca: {  	s0 =	sor.u32 s1, s0  }
0xcb: {  	s0 =	sadd.s32 $0x8F2B, s0  }
0xcc: {  	[sflag:s0] =	ssyncadd.remote.s32 $0x1  }
0xcd: {  	_ =	sfence.sel $0xFFFF  }
0xce: {  	[dreg:$0x0] =	wrdreg $0xFFFFFFFF;
	(pc) =	sbr.abs _section_cstart, $3  }
0xcf: {  	[dreg:$0x1] =	wrdreg $0xFFFFFFFF  }
0xd0: {  	_ =	task.clear_ibuf [dreg:s22], $0x2FFFF;
	_ =	strace $0x9FFFFFFF  }
0xd1: {  	(tm) =	ssettm $0x7FFFFFFF  }
tec
execute0_lowered:
.L_overlay_start_1:
0x0: {  	(tag) =	ssettag $0x1  }
0x1: {  	s1 =	srdreg.scid;
	s5 =	rddreg [dreg:$0x0]  }
0x2: {  	s0 =	stileid.u32;
	s2 =	rddreg [dreg:$0x1];
	s6 =	simm.s32 $0x1  }
0x3: {  	s9 =	simm.s32 $0x1;
	s10 =	simm.s32 $0x3;
	s1 =	sshll.u32 s1, $0x6  }
0x4: {  	s13 =	simm.s32 $0x0;
	s3 =	sshll.u32 s0, $0x7;
	s4 =	sand.u32 $0x40, s1  }
0x5: {  	s12 =	simm.s32 $0x0;
	s1 =	rddreg [dreg:$0x2];
	s3 =	sor.u32 s3, s4  }
0x6: {  	_ =	strace $0x80000062;
	s4 =	sadd.s32 $0x2000, s5;
	s8 =	ssub.s32 $0xA00, s3  }
.Ltmp0:
0x7: {  	s5 =	sadd.s32 $0x3400, s5;
	s7 =	sand.u32 $0x7C0, s8;
	(pc) =	sbr.rel .LBB2_1-.Ltmp0, $4  }
0x8: {  	[sflag:s6] =	ssyncpa.u1 $0x0;
	s11 =	smov.u32 s3;
	p0 =	sne.s32 s7, $0x0  }
0x9: {  	s8 =	sshrl.u32 s8, $0xB;
	s7 =	simm.s32 $0x2;
	s9 =	simm.s32 @!p0 $0x0  }
0xa: {  	[sflag:s7] =	ssyncpa.u1 $0x0;
	p0 =	por $0x0, $0x0;
	s8 =	sadd.s32 s9, s8  }
0xb: {  	vm0 =	vmmov $0xffff;
	[sflag:s10] =	ssyncpa.u1 $0x0;
	s10 =	simm.s32 $0x0;
	s9 =	sadd.s32 $0x1, s8  }
.LBB2_4:
0xc: {  	v2 =	vnsel vm1, $0x0, v2  }
0xd: {  	vm1 =	vgt.s32 v0, $0x0;
	v2 =	vmin.u32 v2, $0x4E7F  }
0xe: {  	v0 =	vnsel vm1, $0x0, v0  }
0xf: {  	v0 =	vmin.u32 v0, $0x4E7F  }
0x10: {  	[tilespmem:s15], [sflag:$0x1] =	stream.indirect_vreg.gather [hbm4b:s4+s10], $0x1, v1, vm0, $0x4038;
	[tilespmem:$0x100] =	vst v63  }
0x11: {  	(ifvalue) =	ssetifvalue $0x7FFFFFFF  }
0x12: {  	[tilespmem:s16], [sflag:$0x1] =	stream.indirect_vreg.gather [hbm4b:s4+s10], $0x1, v2, vm0, $0x4038;
	[tilespmem:$0x100] =	vst v63  }
0x13: {  	s29 =	sadd.s32 $0x10, s16;
	(ifvalue) =	ssetifvalue $0x7FFFFFFF  }
0x14: {  	[tilespmem:s29], [sflag:$0x1] =	stream.indirect_vreg.gather [hbm4b:s4+s10], $0x1, v0, vm0, $0x4038;
	[tilespmem:$0x100] =	vst v63  }
0x15: {  	_ =	swait.ge [sflag:s6], $0x40  }
0x16: {  	s30 =	sshrl.u32 s13, $0x3;
	[sflag:s6] =	ssyncset.done $0x0  }
0x17: {  	s31 =	sand.u32 $0x7, s13;
	s15 =	sadd.s32 s5, s30;
	[sflag:s6] =	ssyncadd.s32 $0xFFFFFFC0  }
0x18: {  	[hbm4b:s15+s31] =	stream.linear.scatter [tilespmem:s14], [sflag:$0x3], $0x40, $0x38;
	[tilespmem:$0x100] =	vst v63  }
.LBB2_5:
0x19: {  	s15 =	sadd.s32 $0x800, s11  }
0x1a: {  	p2 =	sgt.s32 s15, $0x9FF  }
0x1b: {  	s15 =	smov.u32 @p2 s3;
	p2 =	sne.s32 s12, s9  }
.Ltmp1:
0x1c: {  	p1 =	slt.u32 s12, $0x2;
	(pc) =	sbr.rel @!p2 .LBB2_6-.Ltmp1, $4  }
0x1d: {  	s14 =	simm.s32 @!p1 $0x3  }
0x1e: {  	s16 =	sadd.s32 $0x1, s12;
	_ =	swait.ge @!p1 [sflag:s14], $0x40  }
0x1f: {  	s13 =	smov.u32 s11;
	p0 =	por !p0, !p0;
	[sflag:s14] =	ssyncset.done @!p1 $0x0  }
0x20: {  	s12 =	smov.u32 s16;
	s11 =	smov.u32 s15;
	[sflag:s14] =	ssyncadd.s32 @!p1 $0xFFFFFFC0  }
.LBB2_1:
0x21: {  	p1 =	sge.u32 s12, s8  }
0x22: {  	s14 =	sxor.u32 @!p1 $0xFFFFFFFF, s12  }
0x23: {  	s31 =	sadd.s32 $0xFFFFFFFF, s12;
	s15 =	sshrl.u32 @!p1 s11, $0x3;
	s14 =	sshll.u32 @!p1 s14, $0x6  }
0x24: {  	s16 =	sand.u32 @!p1 $0x7, s11;
	s15 =	sadd.s32 @!p1 s2, s15;
	s14 =	sand.u32 @!p1 $0x40, s14  }
0x25: {  	[tilespmem:s14], [sflag:$0x2] =	stream.linear.gather @!p1 [hbm4b:s15+s16], $0x40, $0x38;
	[tilespmem:$0x100] =	vst v63  }
0x26: {  	p1 =	sge.u32 s31, s8  }
.Ltmp2:
0x27: {  	_ = 	snop;
	(pc) =	sbr.rel @p1 .LBB2_5-.Ltmp2, $1  }
0x28: {  	_ =	sdelay $0x3  }
0x29: {  	s14 =	simm.s32 $0x1  }
0x2a: {  	_ =	swait.ge [sflag:s7], $0x40;
	s14 =	simm.s32 @!p0 $0x0  }
0x2b: {  	[sflag:s7] =	ssyncset.done $0x0;
	s14 =	sshll.u32 s14, $0x6  }
0x2c: {  	[sflag:s7] =	ssyncadd.s32 $0xFFFFFFC0;
	(ifvalue) =	ssetifvalue $0x7FFFFFFF;
	v0 =	vld.msk [tilespmem:s14+$0x0 ss:$0x1], $0xffff;
	_ =	sdelay $0x4  }
0x2d: {  	s15 =	sadd.s32 $0x10, s14;
	vm1 =	vgt.s32 v0, $0x0  }
0x2e: {  	v2 =	vld.msk [tilespmem:s15+$0x0 ss:$0x1], $0xffff;
	v1 =	vnsel vm1, $0x0, v0  }
0x2f: {  	v1 =	vmin.u32 v1, $0x4E7F;
	_ =	sdelay $0x1  }
0x30: {  	s16 =	sshll.u32 s12, $0x6;
	s18 =	simm.s32 $0x20  }
0x31: {  	s16 =	sand.u32 $0x40, s16;
	s17 =	sadd.s32 $0x10, s15;
	s15 =	sor.u32 $0x80, s14  }
0x32: {  	s14 =	sor.u32 $0x80, s16;
	s16 =	sadd.s32 $0x10, s15;
	v0 =	vld.msk [tilespmem:s17+$0x0 ss:$0x1], $0xffff;
	vm1 =	vgt.s32 v2, $0x0;
	(ifvalue) =	ssetifvalue $0x7FFFFFFF  }
.LBB2_3:
0x33: {  	[tilespmem:s15], [sflag:$0x1] =	stream.indirect_vreg.gather [hbm4b:s4+s10], $0x1, v1, vm0, $0x4038;
	[tilespmem:$0x100] =	vst v63  }
0x34: {  	s18 =	sadd.s32 $0x10, s18  }
0x35: {  	v2 =	vnsel vm1, $0x0, v2;
	p1 =	slt.u32 s18, $0x30  }
.Ltmp3:
0x36: {  	s15 =	smov.u32 s16;
	v1 =	vmin.u32 v2, $0x4E7F;
	(pc) =	sbr.rel @p1 .LBB2_3-.Ltmp3, $3  }
0x37: {  	_ =	sdelay $0x1  }
0x38: {  	s17 =	sadd.s32 $0x10, s17  }
0x39: {  	vm1 =	vgt.s32 v0, $0x0;
	s16 =	sadd.s32 $0x10, s16;
	v2 =	vmov v0;
	(ifvalue) =	ssetifvalue $0x7FFFFFFF;
	v0 =	vld.msk [tilespmem:s17+$0x0 ss:$0x1], $0xffff  }
.Ltmp4:
0x3a: {  	_ = 	snop;
	(pc) =	sbr.rel .LBB2_4-.Ltmp4, $1  }
0x3b: {  	_ =	sdelay $0x3  }
.LBB2_6:
0x3c: {  	_ =	sfence.sel $0x180000  }
0x3d: {  	s2 =	simm.s32 $0x2;
	[bflag:$0x0] =	sbarrier.arrive $0xFFFF  }
0x3e: {  	s30 =	simm.s32 $0x3;
	[sflag:s2] =	ssyncpa.u1 $0x1  }
0x3f: {  	s31 =	simm.s32 $0x1;
	[sflag:s30] =	ssyncpa.u1 $0x1  }
0x40: {  	[sflag:s31] =	ssyncpa.u1 $0x1  }
0x41: {  	p0 =	sne.s32 s0, $0x0;
	_ =	strace $0x90000062  }
0x42: {  	s0 =	sadd.s32 @!p0 $0x100000, s1;
	[bflag:$0x2] =	sbarrier.arrive $0xFFFF  }
0x43: {  	[sflag:s0] =	ssyncadd.tile.s32 @!p0 $0x1;
	_ =	shalt  }
.Lfunc_end2:
_tile_overlayer_lowered:
.L_overlay_start_2:
0x44: {  	(tag) =	ssettag $0x2  }
0x45: {  	s0 =	rddreg [dreg:$0x0];
	s2 =	stileid.u32  }
0x46: {  	s1 =	rddreg [dreg:$0x1];
	p0 =	sne.s32 s2, $0x0  }
0x47: {  	s3 =	rddreg [dreg:$0x2];
	[bflag:$0x3] =	sbarrier.arrive $0xFFFF;
	s2 =	simm.s32 @!p0 $0x1C01  }
0x48: {  	[timem:s3], [sflag:s2] =	dma.local @!p0 [hbm:s0], s1  }
0x49: {  	s0 =	simm.s32 @!p0 $0x1  }
0x4a: {  	_ =	swait.ge @!p0 [sflag:s0], s1  }
0x4b: {  	s1 =	ssub.s32 @!p0 $0x0, s1;
	[sflag:s0] =	ssyncset.done @!p0 $0x0  }
0x4c: {  	[sflag:s0] =	ssyncadd.s32 @!p0 s1  }
0x4d: {  	[bflag:$0x3] =	sbarrier.arrive $0xFFFF  }
0x4e: {  	_ =	shalt  }

// kernel: gather_offload_async_start.8
scs
__scs_entry_jumppad:
0x0: {  	(pc) =	sbr.rel $0x88, $3  }
0x1: {  	(tag) =	ssettag $0x0;
	lr =	simm.s32 $0x1  }
0x2: {  	[smem:$0x3F9A] =	sst lr;
	_ =	strace $0xD0000000  }
0x3: {  	_ = 	snop  }
0x4: {  	_ = 	snop  }
0x5: {  	_ = 	snop  }
0x6: {  	_ = 	snop  }
0x7: {  	_ = 	snop  }
__scs_overlays_trampoline_lowered:
0x8: {  	[smem:$0x3FA9] =	sst s0  }
0x9: {  	[smem:$0x3FAA] =	sst s1  }
0xa: {  	[smem:$0x3FAB] =	sst s2  }
0xb: {  	[smem:$0x3FAC] =	sst s3  }
0xc: {  	[smem:$0x3FAD] =	sst s4  }
0xd: {  	[smem:$0x3FAE] =	sst s5  }
0xe: {  	[smem:$0x3FAF] =	sst s6  }
0xf: {  	[smem:$0x3FB0] =	sst s7  }
0x10: {  	[smem:$0x3FB1] =	sst s8  }
0x11: {  	[smem:$0x3FB2] =	sst s9;
	s0 =	simm.s32 @!p0 $0x0  }
0x12: {  	s1 =	sld [smem:$0x3F98];
	s0 =	simm.s32 @p0 $0x1  }
0x13: {  	[smem:$0x3FB3] =	sst s0;
	s0 =	simm.s32 @!p1 $0x0  }
0x14: {  	s2 =	sld [smem:$0x3F97];
	s0 =	simm.s32 @p1 $0x1  }
0x15: {  	[smem:$0x3FB4] =	sst s0;
	s0 =	simm.s32 @!p2 $0x0  }
0x16: {  	s3 =	sld [smem:$0x3FDB];
	s0 =	simm.s32 @p2 $0x1  }
0x17: {  	s4 =	simm.s32 $0x1BF5;
	[smem:$0x3FB6] =	sst s0  }
0x18: {  	s0 =	sld [smem:$0x3F99];
	_ =	swait.ge [sflag:s4], $0x0  }
0x19: {  	s7 =	sld [smem:$0x3F9A]  }
0x1a: {  	s8 =	sadd.s32 $0xFFFFE003, lr  }
0x1b: {  	s9 =	sadd.s32 $0xFFFFFEF7, lr;
	s5 =	simm.s32 $0xFFFFFFFF;
	p2 =	slt.u32 s8, $0xFFFFF086  }
0x1c: {  	p1 =	slt.u32 s9, $0xF7A;
	s5 =	simm.s32 @!p2 $0x0  }
0x1d: {  	s5 =	simm.s32 @p1 $0x1;
	p0 =	seq.s32 s7, s2  }
0x1e: {  	s7 =	smul.u32 @!p0 $0xF7A, s2;
	p2 =	seq.s32 @!p0 s5, $0x0  }
0x1f: {  	s9 =	smul.u32 $0xF7A, s1;
	s8 =	simm.s32 @!p0 $0x1BF5;
	p2 =	por !p2, p0  }
0x20: {  	[sflag:s8] =	ssyncset.s32 @!p0 $0xFFFFF086;
	s6 =	sadd.s32 @!p0 s3, s7;
	s7 =	simm.s32 @!p0 $0x108  }
0x21: {  	s3 =	sadd.s32 s3, s9;
	s6 =	sadd.s32 @!p0 $0x88, s6;
	s7 =	simm.s32 @p2 $0x1082  }
0x22: {  	[simem:s7], [sflag:s8] =	dma.local @!p0 [hbm:s6], $0xF7A  }
0x23: {  	s9 =	sor.u32 $0xD0000000, s2;
	s6 =	simm.s32 $0x108;
	_ =	swait.ge @!p0 [sflag:s8], $0x0  }
0x24: {  	s3 =	sadd.s32 $0x88, s3;
	s6 =	simm.s32 @!p1 $0x1082;
	[sflag:s4] =	ssyncset.s32 $0xFFFFF086  }
0x25: {  	[simem:s6], [sflag:s4] =	dma.local [hbm:s3], $0xF7A  }
0x26: {  	[smem:$0x3F9A] =	sst s1;
	(tag) =	ssettag s2;
	_ =	strace s9  }
0x27: {  	s1 =	sld [smem:$0x3FAA]  }
0x28: {  	s2 =	sld [smem:$0x3FAB]  }
0x29: {  	s4 =	sld [smem:$0x3FAD]  }
0x2a: {  	p0 =	seq.s32 s5, $0x0;
	s5 =	sld [smem:$0x3FAE]  }
0x2b: {  	s6 =	sld [smem:$0x3FAF]  }
0x2c: {  	s7 =	sld [smem:$0x3FB0]  }
0x2d: {  	s3 =	simm.s32 $0x108;
	s8 =	sld [smem:$0x3FB1]  }
0x2e: {  	s3 =	simm.s32 @!p0 $0x1082;
	s9 =	sld [smem:$0x3FB2]  }
0x2f: {  	lr =	sadd.s32 s0, s3;
	s0 =	sld [smem:$0x3FA9]  }
0x30: {  	s3 =	sld [smem:$0x3FAC]  }
0x31: {  	[smem:$0x3FB5] =	sst s10  }
0x32: {  	s10 =	sld [smem:$0x3FB3];
	_ =	sdelay $0x3  }
0x33: {  	p0 =	seq.s32 s10, $0x1;
	s10 =	sld [smem:$0x3FB5];
	_ =	sdelay $0x3  }
0x34: {  	[smem:$0x3FB5] =	sst s10  }
0x35: {  	s10 =	sld [smem:$0x3FB4];
	_ =	sdelay $0x3  }
0x36: {  	p1 =	seq.s32 s10, $0x1;
	s10 =	sld [smem:$0x3FB5];
	_ =	sdelay $0x3  }
0x37: {  	[smem:$0x3FB5] =	sst s10  }
0x38: {  	s10 =	sld [smem:$0x3FB6]  }
0x39: {  	_ = 	snop;
	(pc) =	sbr.ind lr, $3  }
0x3a: {  	_ = 	snop  }
0x3b: {  	_ = 	snop  }
0x3c: {  	p2 =	seq.s32 s10, $0x1;
	s10 =	sld [smem:$0x3FB5]  }
0x3d: {  	_ =	shalt  }
0x3e: {  	_ =	shalt  }
0x3f: {  	_ =	shalt  }
0x40: {  	_ =	shalt  }
0x41: {  	_ =	shalt  }
0x42: {  	_ =	shalt  }
0x43: {  	_ =	shalt  }
0x44: {  	_ =	shalt  }
0x45: {  	_ =	shalt  }
0x46: {  	_ =	shalt  }
0x47: {  	_ =	shalt  }
0x48: {  	_ =	shalt  }
0x49: {  	_ =	shalt  }
0x4a: {  	_ =	shalt  }
0x4b: {  	_ =	shalt  }
0x4c: {  	_ =	shalt  }
0x4d: {  	_ =	shalt  }
0x4e: {  	_ =	shalt  }
0x4f: {  	_ =	shalt  }
0x50: {  	_ =	shalt  }
0x51: {  	_ =	shalt  }
0x52: {  	_ =	shalt  }
0x53: {  	_ =	shalt  }
0x54: {  	_ =	shalt  }
0x55: {  	_ =	shalt  }
0x56: {  	_ =	shalt  }
0x57: {  	_ =	shalt  }
0x58: {  	_ =	shalt  }
0x59: {  	_ =	shalt  }
0x5a: {  	_ =	shalt  }
0x5b: {  	_ =	shalt  }
0x5c: {  	_ =	shalt  }
0x5d: {  	_ =	shalt  }
0x5e: {  	_ =	shalt  }
0x5f: {  	_ =	shalt  }
0x60: {  	_ =	shalt  }
0x61: {  	_ =	shalt  }
0x62: {  	_ =	shalt  }
0x63: {  	_ =	shalt  }
0x64: {  	_ =	shalt  }
0x65: {  	_ =	shalt  }
0x66: {  	_ =	shalt  }
0x67: {  	_ =	shalt  }
0x68: {  	_ =	shalt  }
0x69: {  	_ =	shalt  }
0x6a: {  	_ =	shalt  }
0x6b: {  	_ =	shalt  }
0x6c: {  	_ =	shalt  }
0x6d: {  	_ =	shalt  }
0x6e: {  	_ =	shalt  }
0x6f: {  	_ =	shalt  }
0x70: {  	_ =	shalt  }
0x71: {  	_ =	shalt  }
0x72: {  	_ =	shalt  }
0x73: {  	_ =	shalt  }
0x74: {  	_ =	shalt  }
0x75: {  	_ =	shalt  }
0x76: {  	_ =	shalt  }
0x77: {  	_ =	shalt  }
0x78: {  	_ =	shalt  }
0x79: {  	_ =	shalt  }
0x7a: {  	_ =	shalt  }
0x7b: {  	_ =	shalt  }
0x7c: {  	_ =	shalt  }
0x7d: {  	_ =	shalt  }
0x7e: {  	_ =	shalt  }
0x7f: {  	_ =	shalt  }
0x80: {  	_ =	shalt  }
0x81: {  	_ =	shalt  }
0x82: {  	_ =	shalt  }
0x83: {  	_ =	shalt  }
0x84: {  	_ =	shalt  }
0x85: {  	_ =	shalt  }
0x86: {  	_ =	shalt  }
0x87: {  	_ =	shalt  }
.Lfunc_end0:
.L_simem_size_0:
called_computation.10_lowered:
.L_overlay_start_0:
0x88: {  	s2 =	sld [smem:$0x3FD9]  }
0x89: {  	s3 =	sld [smem:$0x3FFE];
	_ =	sdelay $0x1  }
0x8a: {  	s1 =	srdreg.scid  }
0x8b: {  	s0 =	sand.u32 $0x1, s1  }
0x8c: {  	s17 =	sshll.u32 s0, $0xA;
	s2 =	sadd.s32 s3, s2  }
0x8d: {  	s2 =	sadd.s32 s2, s17  }
0x8e: {  	[smem:$0x3FC1] =	sst s2  }
0x8f: {  	_ = 	snop  }
0x90: {  	s18 =	sld [smem:$0x3FD0];
	(tm) =	ssettm $0x1  }
0x91: {  	s19 =	sld [smem:$0x3FFB];
	_ =	sdelay $0x3  }
0x92: {  	_ =	strace s19  }
0x93: {  	s2 =	sld [smem:$0x3FFC];
	_ =	sdelay $0x3  }
0x94: {  	_ =	strace s2  }
0x95: {  	s2 =	sld [smem:$0x3FFD];
	_ =	sdelay $0x3  }
0x96: {  	_ =	strace s2  }
0x97: {  	_ =	strace $0x8FFFFFFF  }
0x98: {  	s20 =	sld [smem:$0x3FDB];
	_ =	sdelay $0x1  }
0x99: {  	s4 =	simm.s32 $_scs_section_size  }
0x9a: {  	s5 =	simm.s32 $_size__tile_overlayer_lowered;
	s6 =	simm.s32 $_tile_overlayer_lowered  }
0x9b: {  	s7 =	simm.s32 $0x1BFF;
	s21 =	sshll.u32 s6, $0x1;
	s4 =	sadd.s32 s4, s20  }
0x9c: {  	s22 =	simm.s32 $0x0;
	s5 =	sshll.u32 s5, $0x1;
	s6 =	sadd.s32 s21, s4  }
0x9d: {  	[timem:s22], [sflag:s7] =	dma.local [hbm:s6], s5  }
0x9e: {  	_ =	swait.ge [sflag:s7], s5  }
0x9f: {  	s5 =	ssub.s32 $0x0, s5;
	[sflag:s7] =	ssyncset.done $0x0  }
0xa0: {  	[sflag:s7] =	ssyncadd.s32 s5;
	_ =	sdelay $0x1  }
0xa1: {  	s23 =	simm.s32 $0x1B8B  }
0xa2: {  	_ =	swait.ge [sflag:s23], $0x1  }
0xa3: {  	[sflag:s23] =	ssyncset.done $0x0  }
0xa4: {  	[sflag:s23] =	ssyncadd.s32 $0xFFFFFFFF  }
0xa5: {  	s5 =	sld [smem:$0x0]  }
0xa6: {  	s6 =	sand.u32 $0xFFFFFFFE, s1  }
0xa7: {  	p0 =	sne.s32 s1, s6  }
0xa8: {  	s6 =	sshll.u32 @p0 s6, $0xE  }
0xa9: {  	s6 =	sadd.s32 @p0 $0x11B8D, s6;
	s7 =	sshll.u32 @p0 s5, $0x11  }
0xaa: {  	s6 =	sor.u32 @p0 s7, s6  }
0xab: {  	[sflag:s6] =	ssyncadd.remote.s32 @p0 $0x1;
	_ =	sdelay $0x1  }
0xac: {  	s6 =	simm.s32 @p0 $0x1B8D  }
0xad: {  	_ =	swait.eq @p0 [sflag:s6], $0x1  }
0xae: {  	[sflag:s6] =	ssyncadd.s32 @p0 $0xFFFFFFFF  }
0xaf: {  	s7 =	sshll.u32 @!p0 s1, $0xE  }
0xb0: {  	s7 =	sor.u32 @!p0 $0x4000, s7;
	s6 =	simm.s32 @!p0 $0x1B8D  }
0xb1: {  	s5 =	sshll.u32 @!p0 s5, $0x11;
	s7 =	sadd.s32 @!p0 $0x11B8D, s7;
	_ =	swait.eq @!p0 [sflag:s6], $0x1  }
0xb2: {  	s5 =	sor.u32 @!p0 s5, s7;
	[sflag:s6] =	ssyncadd.s32 @!p0 $0xFFFFFFFF  }
0xb3: {  	s25 =	simm.s32 $0x1B8E;
	s24 =	sld [smem:$0x3FFE];
	[sflag:s5] =	ssyncadd.remote.s32 @!p0 $0x1  }
0xb4: {  	s26 =	simm.s32 $execute0_lowered;
	[smem:$0x3FD2] =	sst s25  }
0xb5: {  	s6 =	sshll.u32 s26, $0x1;
	_ =	strace $0x8000005E;
	[dreg:$0x1] =	wrdreg $0xFFFFFFFF  }
0xb6: {  	s28 =	simm.s32 $_size_execute0_lowered;
	s4 =	sadd.s32 s4, s6;
	[dreg:$0x0] =	wrdreg $0x0  }
0xb7: {  	s6 =	sshll.u32 s28, $0x1;
	[dreg:$0x2] =	wrdreg s4  }
0xb8: {  	[dreg:$0x3] =	wrdreg s6  }
0xb9: {  	[dreg:$0x4] =	wrdreg $0xC0  }
0xba: {  	_ =	task [dreg:s22], $0x5FFFF  }
0xbb: {  	[dreg:$0x1] =	wrdreg $0xFFFFFFFF  }
0xbc: {  	[dreg:$0x0] =	wrdreg $0x60  }
0xbd: {  	[dreg:$0x2] =	wrdreg s24  }
0xbe: {  	[dreg:$0x3] =	wrdreg s18  }
0xbf: {  	[dreg:$0x4] =	wrdreg $0xB  }
0xc0: {  	_ =	task.clear_ibuf [dreg:s22], $0x5FFFF;
	_ =	strace $0x9000005E  }
0xc1: {  	s29 =	simm.s32 $0xB;
	_ =	strace $0x80000060  }
0xc2: {  	_ =	swait.ge [sflag:s29], $0x1  }
0xc3: {  	[sflag:s29] =	ssyncadd.s32 $0xFFFFFFFF  }
0xc4: {  	_ =	strace $0x90000060  }
0xc5: {  	_ =	sfence  }
0xc6: {  	s30 =	sld [smem:$0x0];
	_ =	sdelay $0x2  }
0xc7: {  	s31 =	sshll.u32 s1, $0xD;
	s1 =	sshrl.u32 s1, $0x2  }
0xc8: {  	s4 =	sand.u32 $0x4000, s31;
	s1 =	sadd.s32 s1, s30  }
0xc9: {  	s0 =	sor.u32 s4, s0;
	s1 =	sshll.u32 s1, $0x11  }
0xca: {  	s0 =	sor.u32 s1, s0  }
0xcb: {  	s0 =	sadd.s32 $0x8F2B, s0  }
0xcc: {  	[sflag:s0] =	ssyncadd.remote.s32 $0x1  }
0xcd: {  	_ =	sfence.sel $0xFFFF  }
0xce: {  	[dreg:$0x0] =	wrdreg $0xFFFFFFFF;
	(pc) =	sbr.abs _section_cstart, $3  }
0xcf: {  	[dreg:$0x1] =	wrdreg $0xFFFFFFFF  }
0xd0: {  	_ =	task.clear_ibuf [dreg:s22], $0x2FFFF;
	_ =	strace $0x9FFFFFFF  }
0xd1: {  	(tm) =	ssettm $0x7FFFFFFF  }
tec
execute0_lowered:
.L_overlay_start_1:
0x0: {  	(tag) =	ssettag $0x1  }
0x1: {  	s1 =	srdreg.scid;
	s5 =	rddreg [dreg:$0x0]  }
0x2: {  	s0 =	stileid.u32;
	s2 =	rddreg [dreg:$0x1];
	s6 =	simm.s32 $0x1  }
0x3: {  	s9 =	simm.s32 $0x1;
	s10 =	simm.s32 $0x3;
	s1 =	sshll.u32 s1, $0x6  }
0x4: {  	s13 =	simm.s32 $0x0;
	s3 =	sshll.u32 s0, $0x7;
	s4 =	sand.u32 $0x40, s1  }
0x5: {  	s12 =	simm.s32 $0x0;
	s1 =	rddreg [dreg:$0x2];
	s3 =	sor.u32 s3, s4  }
0x6: {  	_ =	strace $0x8000005F;
	s4 =	sadd.s32 $0x1600, s5;
	s8 =	ssub.s32 $0xA00, s3  }
.Ltmp0:
0x7: {  	s5 =	sadd.s32 $0x3200, s5;
	s7 =	sand.u32 $0x7C0, s8;
	(pc) =	sbr.rel .LBB2_1-.Ltmp0, $4  }
0x8: {  	[sflag:s6] =	ssyncpa.u1 $0x0;
	s11 =	smov.u32 s3;
	p0 =	sne.s32 s7, $0x0  }
0x9: {  	s8 =	sshrl.u32 s8, $0xB;
	s7 =	simm.s32 $0x2;
	s9 =	simm.s32 @!p0 $0x0  }
0xa: {  	[sflag:s7] =	ssyncpa.u1 $0x0;
	p0 =	por $0x0, $0x0;
	s8 =	sadd.s32 s9, s8  }
0xb: {  	vm0 =	vmmov $0xffff;
	[sflag:s10] =	ssyncpa.u1 $0x0;
	s10 =	simm.s32 $0x0;
	s9 =	sadd.s32 $0x1, s8  }
.LBB2_4:
0xc: {  	v2 =	vnsel vm1, $0x0, v2  }
0xd: {  	vm1 =	vgt.s32 v0, $0x0;
	v2 =	vmin.u32 v2, $0x4E7F  }
0xe: {  	v0 =	vnsel vm1, $0x0, v0  }
0xf: {  	v0 =	vmin.u32 v0, $0x4E7F  }
0x10: {  	[tilespmem:s15], [sflag:$0x1] =	stream.indirect_vreg.gather [hbm4b:s4+s10], $0x1, v1, vm0, $0x4038;
	[tilespmem:$0x100] =	vst v63  }
0x11: {  	(ifvalue) =	ssetifvalue $0x7FFFFFFF  }
0x12: {  	[tilespmem:s16], [sflag:$0x1] =	stream.indirect_vreg.gather [hbm4b:s4+s10], $0x1, v2, vm0, $0x4038;
	[tilespmem:$0x100] =	vst v63  }
0x13: {  	s29 =	sadd.s32 $0x10, s16;
	(ifvalue) =	ssetifvalue $0x7FFFFFFF  }
0x14: {  	[tilespmem:s29], [sflag:$0x1] =	stream.indirect_vreg.gather [hbm4b:s4+s10], $0x1, v0, vm0, $0x4038;
	[tilespmem:$0x100] =	vst v63  }
0x15: {  	_ =	swait.ge [sflag:s6], $0x40  }
0x16: {  	s30 =	sshrl.u32 s13, $0x3;
	[sflag:s6] =	ssyncset.done $0x0  }
0x17: {  	s31 =	sand.u32 $0x7, s13;
	s15 =	sadd.s32 s5, s30;
	[sflag:s6] =	ssyncadd.s32 $0xFFFFFFC0  }
0x18: {  	[hbm4b:s15+s31] =	stream.linear.scatter [tilespmem:s14], [sflag:$0x3], $0x40, $0x38;
	[tilespmem:$0x100] =	vst v63  }
.LBB2_5:
0x19: {  	s15 =	sadd.s32 $0x800, s11  }
0x1a: {  	p2 =	sgt.s32 s15, $0x9FF  }
0x1b: {  	s15 =	smov.u32 @p2 s3;
	p2 =	sne.s32 s12, s9  }
.Ltmp1:
0x1c: {  	p1 =	slt.u32 s12, $0x2;
	(pc) =	sbr.rel @!p2 .LBB2_6-.Ltmp1, $4  }
0x1d: {  	s14 =	simm.s32 @!p1 $0x3  }
0x1e: {  	s16 =	sadd.s32 $0x1, s12;
	_ =	swait.ge @!p1 [sflag:s14], $0x40  }
0x1f: {  	s13 =	smov.u32 s11;
	p0 =	por !p0, !p0;
	[sflag:s14] =	ssyncset.done @!p1 $0x0  }
0x20: {  	s12 =	smov.u32 s16;
	s11 =	smov.u32 s15;
	[sflag:s14] =	ssyncadd.s32 @!p1 $0xFFFFFFC0  }
.LBB2_1:
0x21: {  	p1 =	sge.u32 s12, s8  }
0x22: {  	s14 =	sxor.u32 @!p1 $0xFFFFFFFF, s12  }
0x23: {  	s31 =	sadd.s32 $0xFFFFFFFF, s12;
	s15 =	sshrl.u32 @!p1 s11, $0x3;
	s14 =	sshll.u32 @!p1 s14, $0x6  }
0x24: {  	s16 =	sand.u32 @!p1 $0x7, s11;
	s15 =	sadd.s32 @!p1 s2, s15;
	s14 =	sand.u32 @!p1 $0x40, s14  }
0x25: {  	[tilespmem:s14], [sflag:$0x2] =	stream.linear.gather @!p1 [hbm4b:s15+s16], $0x40, $0x38;
	[tilespmem:$0x100] =	vst v63  }
0x26: {  	p1 =	sge.u32 s31, s8  }
.Ltmp2:
0x27: {  	_ = 	snop;
	(pc) =	sbr.rel @p1 .LBB2_5-.Ltmp2, $1  }
0x28: {  	_ =	sdelay $0x3  }
0x29: {  	s14 =	simm.s32 $0x1  }
0x2a: {  	_ =	swait.ge [sflag:s7], $0x40;
	s14 =	simm.s32 @!p0 $0x0  }
0x2b: {  	[sflag:s7] =	ssyncset.done $0x0;
	s14 =	sshll.u32 s14, $0x6  }
0x2c: {  	[sflag:s7] =	ssyncadd.s32 $0xFFFFFFC0;
	(ifvalue) =	ssetifvalue $0x7FFFFFFF;
	v0 =	vld.msk [tilespmem:s14+$0x0 ss:$0x1], $0xffff;
	_ =	sdelay $0x4  }
0x2d: {  	s15 =	sadd.s32 $0x10, s14;
	vm1 =	vgt.s32 v0, $0x0  }
0x2e: {  	v2 =	vld.msk [tilespmem:s15+$0x0 ss:$0x1], $0xffff;
	v1 =	vnsel vm1, $0x0, v0  }
0x2f: {  	v1 =	vmin.u32 v1, $0x4E7F;
	_ =	sdelay $0x1  }
0x30: {  	s16 =	sshll.u32 s12, $0x6;
	s18 =	simm.s32 $0x20  }
0x31: {  	s16 =	sand.u32 $0x40, s16;
	s17 =	sadd.s32 $0x10, s15;
	s15 =	sor.u32 $0x80, s14  }
0x32: {  	s14 =	sor.u32 $0x80, s16;
	s16 =	sadd.s32 $0x10, s15;
	v0 =	vld.msk [tilespmem:s17+$0x0 ss:$0x1], $0xffff;
	vm1 =	vgt.s32 v2, $0x0;
	(ifvalue) =	ssetifvalue $0x7FFFFFFF  }
.LBB2_3:
0x33: {  	[tilespmem:s15], [sflag:$0x1] =	stream.indirect_vreg.gather [hbm4b:s4+s10], $0x1, v1, vm0, $0x4038;
	[tilespmem:$0x100] =	vst v63  }
0x34: {  	s18 =	sadd.s32 $0x10, s18  }
0x35: {  	v2 =	vnsel vm1, $0x0, v2;
	p1 =	slt.u32 s18, $0x30  }
.Ltmp3:
0x36: {  	s15 =	smov.u32 s16;
	v1 =	vmin.u32 v2, $0x4E7F;
	(pc) =	sbr.rel @p1 .LBB2_3-.Ltmp3, $3  }
0x37: {  	_ =	sdelay $0x1  }
0x38: {  	s17 =	sadd.s32 $0x10, s17  }
0x39: {  	vm1 =	vgt.s32 v0, $0x0;
	s16 =	sadd.s32 $0x10, s16;
	v2 =	vmov v0;
	(ifvalue) =	ssetifvalue $0x7FFFFFFF;
	v0 =	vld.msk [tilespmem:s17+$0x0 ss:$0x1], $0xffff  }
.Ltmp4:
0x3a: {  	_ = 	snop;
	(pc) =	sbr.rel .LBB2_4-.Ltmp4, $1  }
0x3b: {  	_ =	sdelay $0x3  }
.LBB2_6:
0x3c: {  	_ =	sfence.sel $0x180000  }
0x3d: {  	s2 =	simm.s32 $0x2;
	[bflag:$0x0] =	sbarrier.arrive $0xFFFF  }
0x3e: {  	s30 =	simm.s32 $0x3;
	[sflag:s2] =	ssyncpa.u1 $0x1  }
0x3f: {  	s31 =	simm.s32 $0x1;
	[sflag:s30] =	ssyncpa.u1 $0x1  }
0x40: {  	[sflag:s31] =	ssyncpa.u1 $0x1  }
0x41: {  	p0 =	sne.s32 s0, $0x0;
	_ =	strace $0x9000005F  }
0x42: {  	s0 =	sadd.s32 @!p0 $0x100000, s1;
	[bflag:$0x2] =	sbarrier.arrive $0xFFFF  }
0x43: {  	[sflag:s0] =	ssyncadd.tile.s32 @!p0 $0x1;
	_ =	shalt  }
.Lfunc_end2:
_tile_overlayer_lowered:
.L_overlay_start_2:
0x44: {  	(tag) =	ssettag $0x2  }
0x45: {  	s0 =	rddreg [dreg:$0x0];
	s2 =	stileid.u32  }
0x46: {  	s1 =	rddreg [dreg:$0x1];
	p0 =	sne.s32 s2, $0x0  }
0x47: {  	s3 =	rddreg [dreg:$0x2];
	[bflag:$0x3] =	sbarrier.arrive $0xFFFF;
	s2 =	simm.s32 @!p0 $0x1C01  }
0x48: {  	[timem:s3], [sflag:s2] =	dma.local @!p0 [hbm:s0], s1  }
0x49: {  	s0 =	simm.s32 @!p0 $0x1  }
0x4a: {  	_ =	swait.ge @!p0 [sflag:s0], s1  }
0x4b: {  	s1 =	ssub.s32 @!p0 $0x0, s1;
	[sflag:s0] =	ssyncset.done @!p0 $0x0  }
0x4c: {  	[sflag:s0] =	ssyncadd.s32 @!p0 s1  }
0x4d: {  	[bflag:$0x3] =	sbarrier.arrive $0xFFFF  }
0x4e: {  	_ =	shalt  }

// kernel: gather_offload_async_start.9
scs
__scs_entry_jumppad:
0x0: {  	(pc) =	sbr.rel $0x88, $3  }
0x1: {  	(tag) =	ssettag $0x0;
	lr =	simm.s32 $0x1  }
0x2: {  	[smem:$0x3F9A] =	sst lr;
	_ =	strace $0xD0000000  }
0x3: {  	_ = 	snop  }
0x4: {  	_ = 	snop  }
0x5: {  	_ = 	snop  }
0x6: {  	_ = 	snop  }
0x7: {  	_ = 	snop  }
__scs_overlays_trampoline_lowered:
0x8: {  	[smem:$0x3FA9] =	sst s0  }
0x9: {  	[smem:$0x3FAA] =	sst s1  }
0xa: {  	[smem:$0x3FAB] =	sst s2  }
0xb: {  	[smem:$0x3FAC] =	sst s3  }
0xc: {  	[smem:$0x3FAD] =	sst s4  }
0xd: {  	[smem:$0x3FAE] =	sst s5  }
0xe: {  	[smem:$0x3FAF] =	sst s6  }
0xf: {  	[smem:$0x3FB0] =	sst s7  }
0x10: {  	[smem:$0x3FB1] =	sst s8  }
0x11: {  	[smem:$0x3FB2] =	sst s9;
	s0 =	simm.s32 @!p0 $0x0  }
0x12: {  	s1 =	sld [smem:$0x3F98];
	s0 =	simm.s32 @p0 $0x1  }
0x13: {  	[smem:$0x3FB3] =	sst s0;
	s0 =	simm.s32 @!p1 $0x0  }
0x14: {  	s2 =	sld [smem:$0x3F97];
	s0 =	simm.s32 @p1 $0x1  }
0x15: {  	[smem:$0x3FB4] =	sst s0;
	s0 =	simm.s32 @!p2 $0x0  }
0x16: {  	s3 =	sld [smem:$0x3FDB];
	s0 =	simm.s32 @p2 $0x1  }
0x17: {  	s4 =	simm.s32 $0x1BF5;
	[smem:$0x3FB6] =	sst s0  }
0x18: {  	s0 =	sld [smem:$0x3F99];
	_ =	swait.ge [sflag:s4], $0x0  }
0x19: {  	s7 =	sld [smem:$0x3F9A]  }
0x1a: {  	s8 =	sadd.s32 $0xFFFFE003, lr  }
0x1b: {  	s9 =	sadd.s32 $0xFFFFFEF7, lr;
	s5 =	simm.s32 $0xFFFFFFFF;
	p2 =	slt.u32 s8, $0xFFFFF086  }
0x1c: {  	p1 =	slt.u32 s9, $0xF7A;
	s5 =	simm.s32 @!p2 $0x0  }
0x1d: {  	s5 =	simm.s32 @p1 $0x1;
	p0 =	seq.s32 s7, s2  }
0x1e: {  	s7 =	smul.u32 @!p0 $0xF7A, s2;
	p2 =	seq.s32 @!p0 s5, $0x0  }
0x1f: {  	s9 =	smul.u32 $0xF7A, s1;
	s8 =	simm.s32 @!p0 $0x1BF5;
	p2 =	por !p2, p0  }
0x20: {  	[sflag:s8] =	ssyncset.s32 @!p0 $0xFFFFF086;
	s6 =	sadd.s32 @!p0 s3, s7;
	s7 =	simm.s32 @!p0 $0x108  }
0x21: {  	s3 =	sadd.s32 s3, s9;
	s6 =	sadd.s32 @!p0 $0x88, s6;
	s7 =	simm.s32 @p2 $0x1082  }
0x22: {  	[simem:s7], [sflag:s8] =	dma.local @!p0 [hbm:s6], $0xF7A  }
0x23: {  	s9 =	sor.u32 $0xD0000000, s2;
	s6 =	simm.s32 $0x108;
	_ =	swait.ge @!p0 [sflag:s8], $0x0  }
0x24: {  	s3 =	sadd.s32 $0x88, s3;
	s6 =	simm.s32 @!p1 $0x1082;
	[sflag:s4] =	ssyncset.s32 $0xFFFFF086  }
0x25: {  	[simem:s6], [sflag:s4] =	dma.local [hbm:s3], $0xF7A  }
0x26: {  	[smem:$0x3F9A] =	sst s1;
	(tag) =	ssettag s2;
	_ =	strace s9  }
0x27: {  	s1 =	sld [smem:$0x3FAA]  }
0x28: {  	s2 =	sld [smem:$0x3FAB]  }
0x29: {  	s4 =	sld [smem:$0x3FAD]  }
0x2a: {  	p0 =	seq.s32 s5, $0x0;
	s5 =	sld [smem:$0x3FAE]  }
0x2b: {  	s6 =	sld [smem:$0x3FAF]  }
0x2c: {  	s7 =	sld [smem:$0x3FB0]  }
0x2d: {  	s3 =	simm.s32 $0x108;
	s8 =	sld [smem:$0x3FB1]  }
0x2e: {  	s3 =	simm.s32 @!p0 $0x1082;
	s9 =	sld [smem:$0x3FB2]  }
0x2f: {  	lr =	sadd.s32 s0, s3;
	s0 =	sld [smem:$0x3FA9]  }
0x30: {  	s3 =	sld [smem:$0x3FAC]  }
0x31: {  	[smem:$0x3FB5] =	sst s10  }
0x32: {  	s10 =	sld [smem:$0x3FB3];
	_ =	sdelay $0x3  }
0x33: {  	p0 =	seq.s32 s10, $0x1;
	s10 =	sld [smem:$0x3FB5];
	_ =	sdelay $0x3  }
0x34: {  	[smem:$0x3FB5] =	sst s10  }
0x35: {  	s10 =	sld [smem:$0x3FB4];
	_ =	sdelay $0x3  }
0x36: {  	p1 =	seq.s32 s10, $0x1;
	s10 =	sld [smem:$0x3FB5];
	_ =	sdelay $0x3  }
0x37: {  	[smem:$0x3FB5] =	sst s10  }
0x38: {  	s10 =	sld [smem:$0x3FB6]  }
0x39: {  	_ = 	snop;
	(pc) =	sbr.ind lr, $3  }
0x3a: {  	_ = 	snop  }
0x3b: {  	_ = 	snop  }
0x3c: {  	p2 =	seq.s32 s10, $0x1;
	s10 =	sld [smem:$0x3FB5]  }
0x3d: {  	_ =	shalt  }
0x3e: {  	_ =	shalt  }
0x3f: {  	_ =	shalt  }
0x40: {  	_ =	shalt  }
0x41: {  	_ =	shalt  }
0x42: {  	_ =	shalt  }
0x43: {  	_ =	shalt  }
0x44: {  	_ =	shalt  }
0x45: {  	_ =	shalt  }
0x46: {  	_ =	shalt  }
0x47: {  	_ =	shalt  }
0x48: {  	_ =	shalt  }
0x49: {  	_ =	shalt  }
0x4a: {  	_ =	shalt  }
0x4b: {  	_ =	shalt  }
0x4c: {  	_ =	shalt  }
0x4d: {  	_ =	shalt  }
0x4e: {  	_ =	shalt  }
0x4f: {  	_ =	shalt  }
0x50: {  	_ =	shalt  }
0x51: {  	_ =	shalt  }
0x52: {  	_ =	shalt  }
0x53: {  	_ =	shalt  }
0x54: {  	_ =	shalt  }
0x55: {  	_ =	shalt  }
0x56: {  	_ =	shalt  }
0x57: {  	_ =	shalt  }
0x58: {  	_ =	shalt  }
0x59: {  	_ =	shalt  }
0x5a: {  	_ =	shalt  }
0x5b: {  	_ =	shalt  }
0x5c: {  	_ =	shalt  }
0x5d: {  	_ =	shalt  }
0x5e: {  	_ =	shalt  }
0x5f: {  	_ =	shalt  }
0x60: {  	_ =	shalt  }
0x61: {  	_ =	shalt  }
0x62: {  	_ =	shalt  }
0x63: {  	_ =	shalt  }
0x64: {  	_ =	shalt  }
0x65: {  	_ =	shalt  }
0x66: {  	_ =	shalt  }
0x67: {  	_ =	shalt  }
0x68: {  	_ =	shalt  }
0x69: {  	_ =	shalt  }
0x6a: {  	_ =	shalt  }
0x6b: {  	_ =	shalt  }
0x6c: {  	_ =	shalt  }
0x6d: {  	_ =	shalt  }
0x6e: {  	_ =	shalt  }
0x6f: {  	_ =	shalt  }
0x70: {  	_ =	shalt  }
0x71: {  	_ =	shalt  }
0x72: {  	_ =	shalt  }
0x73: {  	_ =	shalt  }
0x74: {  	_ =	shalt  }
0x75: {  	_ =	shalt  }
0x76: {  	_ =	shalt  }
0x77: {  	_ =	shalt  }
0x78: {  	_ =	shalt  }
0x79: {  	_ =	shalt  }
0x7a: {  	_ =	shalt  }
0x7b: {  	_ =	shalt  }
0x7c: {  	_ =	shalt  }
0x7d: {  	_ =	shalt  }
0x7e: {  	_ =	shalt  }
0x7f: {  	_ =	shalt  }
0x80: {  	_ =	shalt  }
0x81: {  	_ =	shalt  }
0x82: {  	_ =	shalt  }
0x83: {  	_ =	shalt  }
0x84: {  	_ =	shalt  }
0x85: {  	_ =	shalt  }
0x86: {  	_ =	shalt  }
0x87: {  	_ =	shalt  }
.Lfunc_end0:
.L_simem_size_0:
called_computation.11_lowered:
.L_overlay_start_0:
0x88: {  	s2 =	sld [smem:$0x3FD9]  }
0x89: {  	s3 =	sld [smem:$0x3FFE];
	_ =	sdelay $0x1  }
0x8a: {  	s1 =	srdreg.scid  }
0x8b: {  	s0 =	sand.u32 $0x1, s1  }
0x8c: {  	s17 =	sshll.u32 s0, $0xA;
	s2 =	sadd.s32 s3, s2  }
0x8d: {  	s2 =	sadd.s32 s2, s17  }
0x8e: {  	[smem:$0x3FC1] =	sst s2  }
0x8f: {  	_ = 	snop  }
0x90: {  	s18 =	sld [smem:$0x3FD0];
	(tm) =	ssettm $0x1  }
0x91: {  	s19 =	sld [smem:$0x3FFB];
	_ =	sdelay $0x3  }
0x92: {  	_ =	strace s19  }
0x93: {  	s2 =	sld [smem:$0x3FFC];
	_ =	sdelay $0x3  }
0x94: {  	_ =	strace s2  }
0x95: {  	s2 =	sld [smem:$0x3FFD];
	_ =	sdelay $0x3  }
0x96: {  	_ =	strace s2  }
0x97: {  	_ =	strace $0x8FFFFFFF  }
0x98: {  	s20 =	sld [smem:$0x3FDB];
	_ =	sdelay $0x1  }
0x99: {  	s4 =	simm.s32 $_scs_section_size  }
0x9a: {  	s5 =	simm.s32 $_size__tile_overlayer_lowered;
	s6 =	simm.s32 $_tile_overlayer_lowered  }
0x9b: {  	s7 =	simm.s32 $0x1BFF;
	s21 =	sshll.u32 s6, $0x1;
	s4 =	sadd.s32 s4, s20  }
0x9c: {  	s22 =	simm.s32 $0x0;
	s5 =	sshll.u32 s5, $0x1;
	s6 =	sadd.s32 s21, s4  }
0x9d: {  	[timem:s22], [sflag:s7] =	dma.local [hbm:s6], s5  }
0x9e: {  	_ =	swait.ge [sflag:s7], s5  }
0x9f: {  	s5 =	ssub.s32 $0x0, s5;
	[sflag:s7] =	ssyncset.done $0x0  }
0xa0: {  	[sflag:s7] =	ssyncadd.s32 s5;
	_ =	sdelay $0x1  }
0xa1: {  	s23 =	simm.s32 $0x1B8B  }
0xa2: {  	_ =	swait.ge [sflag:s23], $0x1  }
0xa3: {  	[sflag:s23] =	ssyncset.done $0x0  }
0xa4: {  	[sflag:s23] =	ssyncadd.s32 $0xFFFFFFFF  }
0xa5: {  	s5 =	sld [smem:$0x0]  }
0xa6: {  	s6 =	sand.u32 $0xFFFFFFFE, s1  }
0xa7: {  	p0 =	sne.s32 s1, s6  }
0xa8: {  	s6 =	sshll.u32 @p0 s6, $0xE  }
0xa9: {  	s6 =	sadd.s32 @p0 $0x11B8D, s6;
	s7 =	sshll.u32 @p0 s5, $0x11  }
0xaa: {  	s6 =	sor.u32 @p0 s7, s6  }
0xab: {  	[sflag:s6] =	ssyncadd.remote.s32 @p0 $0x1;
	_ =	sdelay $0x1  }
0xac: {  	s6 =	simm.s32 @p0 $0x1B8D  }
0xad: {  	_ =	swait.eq @p0 [sflag:s6], $0x1  }
0xae: {  	[sflag:s6] =	ssyncadd.s32 @p0 $0xFFFFFFFF  }
0xaf: {  	s7 =	sshll.u32 @!p0 s1, $0xE  }
0xb0: {  	s7 =	sor.u32 @!p0 $0x4000, s7;
	s6 =	simm.s32 @!p0 $0x1B8D  }
0xb1: {  	s5 =	sshll.u32 @!p0 s5, $0x11;
	s7 =	sadd.s32 @!p0 $0x11B8D, s7;
	_ =	swait.eq @!p0 [sflag:s6], $0x1  }
0xb2: {  	s5 =	sor.u32 @!p0 s5, s7;
	[sflag:s6] =	ssyncadd.s32 @!p0 $0xFFFFFFFF  }
0xb3: {  	s25 =	simm.s32 $0x1B8E;
	s24 =	sld [smem:$0x3FFE];
	[sflag:s5] =	ssyncadd.remote.s32 @!p0 $0x1  }
0xb4: {  	s26 =	simm.s32 $execute0_lowered;
	[smem:$0x3FD2] =	sst s25  }
0xb5: {  	s6 =	sshll.u32 s26, $0x1;
	_ =	strace $0x8000005B;
	[dreg:$0x1] =	wrdreg $0xFFFFFFFF  }
0xb6: {  	s28 =	simm.s32 $_size_execute0_lowered;
	s4 =	sadd.s32 s4, s6;
	[dreg:$0x0] =	wrdreg $0x0  }
0xb7: {  	s6 =	sshll.u32 s28, $0x1;
	[dreg:$0x2] =	wrdreg s4  }
0xb8: {  	[dreg:$0x3] =	wrdreg s6  }
0xb9: {  	[dreg:$0x4] =	wrdreg $0xC0  }
0xba: {  	_ =	task [dreg:s22], $0x5FFFF  }
0xbb: {  	[dreg:$0x1] =	wrdreg $0xFFFFFFFF  }
0xbc: {  	[dreg:$0x0] =	wrdreg $0x60  }
0xbd: {  	[dreg:$0x2] =	wrdreg s24  }
0xbe: {  	[dreg:$0x3] =	wrdreg s18  }
0xbf: {  	[dreg:$0x4] =	wrdreg $0xC  }
0xc0: {  	_ =	task.clear_ibuf [dreg:s22], $0x5FFFF;
	_ =	strace $0x9000005B  }
0xc1: {  	s29 =	simm.s32 $0xC;
	_ =	strace $0x8000005D  }
0xc2: {  	_ =	swait.ge [sflag:s29], $0x1  }
0xc3: {  	[sflag:s29] =	ssyncadd.s32 $0xFFFFFFFF  }
0xc4: {  	_ =	strace $0x9000005D  }
0xc5: {  	_ =	sfence  }
0xc6: {  	s30 =	sld [smem:$0x0];
	_ =	sdelay $0x2  }
0xc7: {  	s31 =	sshll.u32 s1, $0xD;
	s1 =	sshrl.u32 s1, $0x2  }
0xc8: {  	s4 =	sand.u32 $0x4000, s31;
	s1 =	sadd.s32 s1, s30  }
0xc9: {  	s0 =	sor.u32 s4, s0;
	s1 =	sshll.u32 s1, $0x11  }
0xca: {  	s0 =	sor.u32 s1, s0  }
0xcb: {  	s0 =	sadd.s32 $0x8F2B, s0  }
0xcc: {  	[sflag:s0] =	ssyncadd.remote.s32 $0x1  }
0xcd: {  	_ =	sfence.sel $0xFFFF  }
0xce: {  	[dreg:$0x0] =	wrdreg $0xFFFFFFFF;
	(pc) =	sbr.abs _section_cstart, $3  }
0xcf: {  	[dreg:$0x1] =	wrdreg $0xFFFFFFFF  }
0xd0: {  	_ =	task.clear_ibuf [dreg:s22], $0x2FFFF;
	_ =	strace $0x9FFFFFFF  }
0xd1: {  	(tm) =	ssettm $0x7FFFFFFF  }
tec
execute0_lowered:
.L_overlay_start_1:
0x0: {  	(tag) =	ssettag $0x1  }
0x1: {  	s1 =	srdreg.scid;
	s5 =	rddreg [dreg:$0x0]  }
0x2: {  	s0 =	stileid.u32;
	s2 =	rddreg [dreg:$0x1];
	s6 =	simm.s32 $0x1  }
0x3: {  	s9 =	simm.s32 $0x1;
	s10 =	simm.s32 $0x3;
	s1 =	sshll.u32 s1, $0x6  }
0x4: {  	s13 =	simm.s32 $0x0;
	s3 =	sshll.u32 s0, $0x7;
	s4 =	sand.u32 $0x40, s1  }
0x5: {  	s12 =	simm.s32 $0x0;
	s1 =	rddreg [dreg:$0x2];
	s3 =	sor.u32 s3, s4  }
0x6: {  	_ =	strace $0x8000005C;
	s4 =	sadd.s32 $0xC00, s5;
	s8 =	ssub.s32 $0xA00, s3  }
.Ltmp0:
0x7: {  	s5 =	sadd.s32 $0x3000, s5;
	s7 =	sand.u32 $0x7C0, s8;
	(pc) =	sbr.rel .LBB2_1-.Ltmp0, $4  }
0x8: {  	[sflag:s6] =	ssyncpa.u1 $0x0;
	s11 =	smov.u32 s3;
	p0 =	sne.s32 s7, $0x0  }
0x9: {  	s8 =	sshrl.u32 s8, $0xB;
	s7 =	simm.s32 $0x2;
	s9 =	simm.s32 @!p0 $0x0  }
0xa: {  	[sflag:s7] =	ssyncpa.u1 $0x0;
	p0 =	por $0x0, $0x0;
	s8 =	sadd.s32 s9, s8  }
0xb: {  	vm0 =	vmmov $0xffff;
	[sflag:s10] =	ssyncpa.u1 $0x0;
	s10 =	simm.s32 $0x0;
	s9 =	sadd.s32 $0x1, s8  }
.LBB2_4:
0xc: {  	v2 =	vnsel vm1, $0x0, v2  }
0xd: {  	vm1 =	vgt.s32 v0, $0x0;
	v2 =	vmin.u32 v2, $0x4E7F  }
0xe: {  	v0 =	vnsel vm1, $0x0, v0  }
0xf: {  	v0 =	vmin.u32 v0, $0x4E7F  }
0x10: {  	[tilespmem:s15], [sflag:$0x1] =	stream.indirect_vreg.gather [hbm4b:s4+s10], $0x1, v1, vm0, $0x4038;
	[tilespmem:$0x100] =	vst v63  }
0x11: {  	(ifvalue) =	ssetifvalue $0x7FFFFFFF  }
0x12: {  	[tilespmem:s16], [sflag:$0x1] =	stream.indirect_vreg.gather [hbm4b:s4+s10], $0x1, v2, vm0, $0x4038;
	[tilespmem:$0x100] =	vst v63  }
0x13: {  	s29 =	sadd.s32 $0x10, s16;
	(ifvalue) =	ssetifvalue $0x7FFFFFFF  }
0x14: {  	[tilespmem:s29], [sflag:$0x1] =	stream.indirect_vreg.gather [hbm4b:s4+s10], $0x1, v0, vm0, $0x4038;
	[tilespmem:$0x100] =	vst v63  }
0x15: {  	_ =	swait.ge [sflag:s6], $0x40  }
0x16: {  	s30 =	sshrl.u32 s13, $0x3;
	[sflag:s6] =	ssyncset.done $0x0  }
0x17: {  	s31 =	sand.u32 $0x7, s13;
	s15 =	sadd.s32 s5, s30;
	[sflag:s6] =	ssyncadd.s32 $0xFFFFFFC0  }
0x18: {  	[hbm4b:s15+s31] =	stream.linear.scatter [tilespmem:s14], [sflag:$0x3], $0x40, $0x38;
	[tilespmem:$0x100] =	vst v63  }
.LBB2_5:
0x19: {  	s15 =	sadd.s32 $0x800, s11  }
0x1a: {  	p2 =	sgt.s32 s15, $0x9FF  }
0x1b: {  	s15 =	smov.u32 @p2 s3;
	p2 =	sne.s32 s12, s9  }
.Ltmp1:
0x1c: {  	p1 =	slt.u32 s12, $0x2;
	(pc) =	sbr.rel @!p2 .LBB2_6-.Ltmp1, $4  }
0x1d: {  	s14 =	simm.s32 @!p1 $0x3  }
0x1e: {  	s16 =	sadd.s32 $0x1, s12;
	_ =	swait.ge @!p1 [sflag:s14], $0x40  }
0x1f: {  	s13 =	smov.u32 s11;
	p0 =	por !p0, !p0;
	[sflag:s14] =	ssyncset.done @!p1 $0x0  }
0x20: {  	s12 =	smov.u32 s16;
	s11 =	smov.u32 s15;
	[sflag:s14] =	ssyncadd.s32 @!p1 $0xFFFFFFC0  }
.LBB2_1:
0x21: {  	p1 =	sge.u32 s12, s8  }
0x22: {  	s14 =	sxor.u32 @!p1 $0xFFFFFFFF, s12  }
0x23: {  	s31 =	sadd.s32 $0xFFFFFFFF, s12;
	s15 =	sshrl.u32 @!p1 s11, $0x3;
	s14 =	sshll.u32 @!p1 s14, $0x6  }
0x24: {  	s16 =	sand.u32 @!p1 $0x7, s11;
	s15 =	sadd.s32 @!p1 s2, s15;
	s14 =	sand.u32 @!p1 $0x40, s14  }
0x25: {  	[tilespmem:s14], [sflag:$0x2] =	stream.linear.gather @!p1 [hbm4b:s15+s16], $0x40, $0x38;
	[tilespmem:$0x100] =	vst v63  }
0x26: {  	p1 =	sge.u32 s31, s8  }
.Ltmp2:
0x27: {  	_ = 	snop;
	(pc) =	sbr.rel @p1 .LBB2_5-.Ltmp2, $1  }
0x28: {  	_ =	sdelay $0x3  }
0x29: {  	s14 =	simm.s32 $0x1  }
0x2a: {  	_ =	swait.ge [sflag:s7], $0x40;
	s14 =	simm.s32 @!p0 $0x0  }
0x2b: {  	[sflag:s7] =	ssyncset.done $0x0;
	s14 =	sshll.u32 s14, $0x6  }
0x2c: {  	[sflag:s7] =	ssyncadd.s32 $0xFFFFFFC0;
	(ifvalue) =	ssetifvalue $0x7FFFFFFF;
	v0 =	vld.msk [tilespmem:s14+$0x0 ss:$0x1], $0xffff;
	_ =	sdelay $0x4  }
0x2d: {  	s15 =	sadd.s32 $0x10, s14;
	vm1 =	vgt.s32 v0, $0x0  }
0x2e: {  	v2 =	vld.msk [tilespmem:s15+$0x0 ss:$0x1], $0xffff;
	v1 =	vnsel vm1, $0x0, v0  }
0x2f: {  	v1 =	vmin.u32 v1, $0x4E7F;
	_ =	sdelay $0x1  }
0x30: {  	s16 =	sshll.u32 s12, $0x6;
	s18 =	simm.s32 $0x20  }
0x31: {  	s16 =	sand.u32 $0x40, s16;
	s17 =	sadd.s32 $0x10, s15;
	s15 =	sor.u32 $0x80, s14  }
0x32: {  	s14 =	sor.u32 $0x80, s16;
	s16 =	sadd.s32 $0x10, s15;
	v0 =	vld.msk [tilespmem:s17+$0x0 ss:$0x1], $0xffff;
	vm1 =	vgt.s32 v2, $0x0;
	(ifvalue) =	ssetifvalue $0x7FFFFFFF  }
.LBB2_3:
0x33: {  	[tilespmem:s15], [sflag:$0x1] =	stream.indirect_vreg.gather [hbm4b:s4+s10], $0x1, v1, vm0, $0x4038;
	[tilespmem:$0x100] =	vst v63  }
0x34: {  	s18 =	sadd.s32 $0x10, s18  }
0x35: {  	v2 =	vnsel vm1, $0x0, v2;
	p1 =	slt.u32 s18, $0x30  }
.Ltmp3:
0x36: {  	s15 =	smov.u32 s16;
	v1 =	vmin.u32 v2, $0x4E7F;
	(pc) =	sbr.rel @p1 .LBB2_3-.Ltmp3, $3  }
0x37: {  	_ =	sdelay $0x1  }
0x38: {  	s17 =	sadd.s32 $0x10, s17  }
0x39: {  	vm1 =	vgt.s32 v0, $0x0;
	s16 =	sadd.s32 $0x10, s16;
	v2 =	vmov v0;
	(ifvalue) =	ssetifvalue $0x7FFFFFFF;
	v0 =	vld.msk [tilespmem:s17+$0x0 ss:$0x1], $0xffff  }
.Ltmp4:
0x3a: {  	_ = 	snop;
	(pc) =	sbr.rel .LBB2_4-.Ltmp4, $1  }
0x3b: {  	_ =	sdelay $0x3  }
.LBB2_6:
0x3c: {  	_ =	sfence.sel $0x180000  }
0x3d: {  	s2 =	simm.s32 $0x2;
	[bflag:$0x0] =	sbarrier.arrive $0xFFFF  }
0x3e: {  	s30 =	simm.s32 $0x3;
	[sflag:s2] =	ssyncpa.u1 $0x1  }
0x3f: {  	s31 =	simm.s32 $0x1;
	[sflag:s30] =	ssyncpa.u1 $0x1  }
0x40: {  	[sflag:s31] =	ssyncpa.u1 $0x1  }
0x41: {  	p0 =	sne.s32 s0, $0x0;
	_ =	strace $0x9000005C  }
0x42: {  	s0 =	sadd.s32 @!p0 $0x100000, s1;
	[bflag:$0x2] =	sbarrier.arrive $0xFFFF  }
0x43: {  	[sflag:s0] =	ssyncadd.tile.s32 @!p0 $0x1;
	_ =	shalt  }
.Lfunc_end2:
_tile_overlayer_lowered:
.L_overlay_start_2:
0x44: {  	(tag) =	ssettag $0x2  }
0x45: {  	s0 =	rddreg [dreg:$0x0];
	s2 =	stileid.u32  }
0x46: {  	s1 =	rddreg [dreg:$0x1];
	p0 =	sne.s32 s2, $0x0  }
0x47: {  	s3 =	rddreg [dreg:$0x2];
	[bflag:$0x3] =	sbarrier.arrive $0xFFFF;
	s2 =	simm.s32 @!p0 $0x1C01  }
0x48: {  	[timem:s3], [sflag:s2] =	dma.local @!p0 [hbm:s0], s1  }
0x49: {  	s0 =	simm.s32 @!p0 $0x1  }
0x4a: {  	_ =	swait.ge @!p0 [sflag:s0], s1  }
0x4b: {  	s1 =	ssub.s32 @!p0 $0x0, s1;
	[sflag:s0] =	ssyncset.done @!p0 $0x0  }
0x4c: {  	[sflag:s0] =	ssyncadd.s32 @!p0 s1  }
0x4d: {  	[bflag:$0x3] =	sbarrier.arrive $0xFFFF  }
0x4e: {  	_ =	shalt  }

// kernel: gather_offload_async_start
scs
__scs_entry_jumppad:
0x0: {  	(pc) =	sbr.rel $0x88, $3  }
0x1: {  	(tag) =	ssettag $0x0;
	lr =	simm.s32 $0x1  }
0x2: {  	[smem:$0x3F9A] =	sst lr;
	_ =	strace $0xD0000000  }
0x3: {  	_ = 	snop  }
0x4: {  	_ = 	snop  }
0x5: {  	_ = 	snop  }
0x6: {  	_ = 	snop  }
0x7: {  	_ = 	snop  }
__scs_overlays_trampoline_lowered:
0x8: {  	[smem:$0x3FA9] =	sst s0  }
0x9: {  	[smem:$0x3FAA] =	sst s1  }
0xa: {  	[smem:$0x3FAB] =	sst s2  }
0xb: {  	[smem:$0x3FAC] =	sst s3  }
0xc: {  	[smem:$0x3FAD] =	sst s4  }
0xd: {  	[smem:$0x3FAE] =	sst s5  }
0xe: {  	[smem:$0x3FAF] =	sst s6  }
0xf: {  	[smem:$0x3FB0] =	sst s7  }
0x10: {  	[smem:$0x3FB1] =	sst s8  }
0x11: {  	[smem:$0x3FB2] =	sst s9;
	s0 =	simm.s32 @!p0 $0x0  }
0x12: {  	s1 =	sld [smem:$0x3F98];
	s0 =	simm.s32 @p0 $0x1  }
0x13: {  	[smem:$0x3FB3] =	sst s0;
	s0 =	simm.s32 @!p1 $0x0  }
0x14: {  	s2 =	sld [smem:$0x3F97];
	s0 =	simm.s32 @p1 $0x1  }
0x15: {  	[smem:$0x3FB4] =	sst s0;
	s0 =	simm.s32 @!p2 $0x0  }
0x16: {  	s3 =	sld [smem:$0x3FDB];
	s0 =	simm.s32 @p2 $0x1  }
0x17: {  	s4 =	simm.s32 $0x1BF5;
	[smem:$0x3FB6] =	sst s0  }
0x18: {  	s0 =	sld [smem:$0x3F99];
	_ =	swait.ge [sflag:s4], $0x0  }
0x19: {  	s7 =	sld [smem:$0x3F9A]  }
0x1a: {  	s8 =	sadd.s32 $0xFFFFE003, lr  }
0x1b: {  	s9 =	sadd.s32 $0xFFFFFEF7, lr;
	s5 =	simm.s32 $0xFFFFFFFF;
	p2 =	slt.u32 s8, $0xFFFFF086  }
0x1c: {  	p1 =	slt.u32 s9, $0xF7A;
	s5 =	simm.s32 @!p2 $0x0  }
0x1d: {  	s5 =	simm.s32 @p1 $0x1;
	p0 =	seq.s32 s7, s2  }
0x1e: {  	s7 =	smul.u32 @!p0 $0xF7A, s2;
	p2 =	seq.s32 @!p0 s5, $0x0  }
0x1f: {  	s9 =	smul.u32 $0xF7A, s1;
	s8 =	simm.s32 @!p0 $0x1BF5;
	p2 =	por !p2, p0  }
0x20: {  	[sflag:s8] =	ssyncset.s32 @!p0 $0xFFFFF086;
	s6 =	sadd.s32 @!p0 s3, s7;
	s7 =	simm.s32 @!p0 $0x108  }
0x21: {  	s3 =	sadd.s32 s3, s9;
	s6 =	sadd.s32 @!p0 $0x88, s6;
	s7 =	simm.s32 @p2 $0x1082  }
0x22: {  	[simem:s7], [sflag:s8] =	dma.local @!p0 [hbm:s6], $0xF7A  }
0x23: {  	s9 =	sor.u32 $0xD0000000, s2;
	s6 =	simm.s32 $0x108;
	_ =	swait.ge @!p0 [sflag:s8], $0x0  }
0x24: {  	s3 =	sadd.s32 $0x88, s3;
	s6 =	simm.s32 @!p1 $0x1082;
	[sflag:s4] =	ssyncset.s32 $0xFFFFF086  }
0x25: {  	[simem:s6], [sflag:s4] =	dma.local [hbm:s3], $0xF7A  }
0x26: {  	[smem:$0x3F9A] =	sst s1;
	(tag) =	ssettag s2;
	_ =	strace s9  }
0x27: {  	s1 =	sld [smem:$0x3FAA]  }
0x28: {  	s2 =	sld [smem:$0x3FAB]  }
0x29: {  	s4 =	sld [smem:$0x3FAD]  }
0x2a: {  	p0 =	seq.s32 s5, $0x0;
	s5 =	sld [smem:$0x3FAE]  }
0x2b: {  	s6 =	sld [smem:$0x3FAF]  }
0x2c: {  	s7 =	sld [smem:$0x3FB0]  }
0x2d: {  	s3 =	simm.s32 $0x108;
	s8 =	sld [smem:$0x3FB1]  }
0x2e: {  	s3 =	simm.s32 @!p0 $0x1082;
	s9 =	sld [smem:$0x3FB2]  }
0x2f: {  	lr =	sadd.s32 s0, s3;
	s0 =	sld [smem:$0x3FA9]  }
0x30: {  	s3 =	sld [smem:$0x3FAC]  }
0x31: {  	[smem:$0x3FB5] =	sst s10  }
0x32: {  	s10 =	sld [smem:$0x3FB3];
	_ =	sdelay $0x3  }
0x33: {  	p0 =	seq.s32 s10, $0x1;
	s10 =	sld [smem:$0x3FB5];
	_ =	sdelay $0x3  }
0x34: {  	[smem:$0x3FB5] =	sst s10  }
0x35: {  	s10 =	sld [smem:$0x3FB4];
	_ =	sdelay $0x3  }
0x36: {  	p1 =	seq.s32 s10, $0x1;
	s10 =	sld [smem:$0x3FB5];
	_ =	sdelay $0x3  }
0x37: {  	[smem:$0x3FB5] =	sst s10  }
0x38: {  	s10 =	sld [smem:$0x3FB6]  }
0x39: {  	_ = 	snop;
	(pc) =	sbr.ind lr, $3  }
0x3a: {  	_ = 	snop  }
0x3b: {  	_ = 	snop  }
0x3c: {  	p2 =	seq.s32 s10, $0x1;
	s10 =	sld [smem:$0x3FB5]  }
0x3d: {  	_ =	shalt  }
0x3e: {  	_ =	shalt  }
0x3f: {  	_ =	shalt  }
0x40: {  	_ =	shalt  }
0x41: {  	_ =	shalt  }
0x42: {  	_ =	shalt  }
0x43: {  	_ =	shalt  }
0x44: {  	_ =	shalt  }
0x45: {  	_ =	shalt  }
0x46: {  	_ =	shalt  }
0x47: {  	_ =	shalt  }
0x48: {  	_ =	shalt  }
0x49: {  	_ =	shalt  }
0x4a: {  	_ =	shalt  }
0x4b: {  	_ =	shalt  }
0x4c: {  	_ =	shalt  }
0x4d: {  	_ =	shalt  }
0x4e: {  	_ =	shalt  }
0x4f: {  	_ =	shalt  }
0x50: {  	_ =	shalt  }
0x51: {  	_ =	shalt  }
0x52: {  	_ =	shalt  }
0x53: {  	_ =	shalt  }
0x54: {  	_ =	shalt  }
0x55: {  	_ =	shalt  }
0x56: {  	_ =	shalt  }
0x57: {  	_ =	shalt  }
0x58: {  	_ =	shalt  }
0x59: {  	_ =	shalt  }
0x5a: {  	_ =	shalt  }
0x5b: {  	_ =	shalt  }
0x5c: {  	_ =	shalt  }
0x5d: {  	_ =	shalt  }
0x5e: {  	_ =	shalt  }
0x5f: {  	_ =	shalt  }
0x60: {  	_ =	shalt  }
0x61: {  	_ =	shalt  }
0x62: {  	_ =	shalt  }
0x63: {  	_ =	shalt  }
0x64: {  	_ =	shalt  }
0x65: {  	_ =	shalt  }
0x66: {  	_ =	shalt  }
0x67: {  	_ =	shalt  }
0x68: {  	_ =	shalt  }
0x69: {  	_ =	shalt  }
0x6a: {  	_ =	shalt  }
0x6b: {  	_ =	shalt  }
0x6c: {  	_ =	shalt  }
0x6d: {  	_ =	shalt  }
0x6e: {  	_ =	shalt  }
0x6f: {  	_ =	shalt  }
0x70: {  	_ =	shalt  }
0x71: {  	_ =	shalt  }
0x72: {  	_ =	shalt  }
0x73: {  	_ =	shalt  }
0x74: {  	_ =	shalt  }
0x75: {  	_ =	shalt  }
0x76: {  	_ =	shalt  }
0x77: {  	_ =	shalt  }
0x78: {  	_ =	shalt  }
0x79: {  	_ =	shalt  }
0x7a: {  	_ =	shalt  }
0x7b: {  	_ =	shalt  }
0x7c: {  	_ =	shalt  }
0x7d: {  	_ =	shalt  }
0x7e: {  	_ =	shalt  }
0x7f: {  	_ =	shalt  }
0x80: {  	_ =	shalt  }
0x81: {  	_ =	shalt  }
0x82: {  	_ =	shalt  }
0x83: {  	_ =	shalt  }
0x84: {  	_ =	shalt  }
0x85: {  	_ =	shalt  }
0x86: {  	_ =	shalt  }
0x87: {  	_ =	shalt  }
.Lfunc_end0:
.L_simem_size_0:
called_computation.2_lowered:
.L_overlay_start_0:
0x88: {  	s0 =	sld [smem:$0x3FD9]  }
0x89: {  	s1 =	sld [smem:$0x3FFE];
	_ =	sdelay $0x3  }
0x8a: {  	s0 =	sadd.s32 s1, s0  }
0x8b: {  	[smem:$0x3FC1] =	sst s0  }
0x8c: {  	_ = 	snop  }
0x8d: {  	s0 =	sld [smem:$0x3FD0];
	(tm) =	ssettm $0x1  }
0x8e: {  	s16 =	sld [smem:$0x3FFB];
	_ =	sdelay $0x3  }
0x8f: {  	_ =	strace s16  }
0x90: {  	s1 =	sld [smem:$0x3FFC];
	_ =	sdelay $0x3  }
0x91: {  	_ =	strace s1  }
0x92: {  	s1 =	sld [smem:$0x3FFD];
	_ =	sdelay $0x3  }
0x93: {  	_ =	strace s1  }
0x94: {  	_ =	strace $0x8FFFFFFF  }
0x95: {  	s17 =	sld [smem:$0x3FDB];
	_ =	sdelay $0x1  }
0x96: {  	s2 =	simm.s32 $_scs_section_size  }
0x97: {  	s3 =	simm.s32 $_size__tile_overlayer_lowered;
	s4 =	simm.s32 $_tile_overlayer_lowered  }
0x98: {  	s20 =	simm.s32 $0x1BFF;
	s19 =	sshll.u32 s4, $0x1;
	s1 =	sadd.s32 s2, s17  }
0x99: {  	s5 =	simm.s32 $0x0;
	s18 =	sshll.u32 s3, $0x1;
	s3 =	sadd.s32 s19, s1  }
0x9a: {  	[timem:s5], [sflag:s20] =	dma.local [hbm:s3], s18  }
0x9b: {  	_ =	swait.ge [sflag:s20], s18  }
0x9c: {  	s2 =	ssub.s32 $0x0, s18;
	[sflag:s20] =	ssyncset.done $0x0  }
0x9d: {  	[sflag:s20] =	ssyncadd.s32 s2;
	_ =	sdelay $0x1  }
0x9e: {  	s21 =	simm.s32 $0x1B8B  }
0x9f: {  	_ =	swait.ge [sflag:s21], $0x1  }
0xa0: {  	[sflag:s21] =	ssyncset.done $0x0  }
0xa1: {  	s23 =	simm.s32 $0x1B8E;
	s22 =	sld [smem:$0x3FFE];
	[sflag:s21] =	ssyncadd.s32 $0xFFFFFFFF  }
0xa2: {  	s24 =	simm.s32 $execute0_lowered;
	[smem:$0x3FD2] =	sst s23  }
0xa3: {  	s3 =	sshll.u32 s24, $0x1;
	_ =	strace $0x8000006A;
	[dreg:$0x1] =	wrdreg $0xFFFFFFFF  }
0xa4: {  	s25 =	simm.s32 $_size_execute0_lowered;
	s1 =	sadd.s32 s1, s3;
	[dreg:$0x0] =	wrdreg $0x0  }
0xa5: {  	s3 =	sshll.u32 s25, $0x1;
	[dreg:$0x2] =	wrdreg s1  }
0xa6: {  	[dreg:$0x3] =	wrdreg s3  }
0xa7: {  	[dreg:$0x4] =	wrdreg $0xC0  }
0xa8: {  	_ =	task [dreg:s5], $0x5FFFF  }
0xa9: {  	[dreg:$0x1] =	wrdreg $0xFFFFFFFF  }
0xaa: {  	[dreg:$0x0] =	wrdreg $0x60  }
0xab: {  	[dreg:$0x2] =	wrdreg s22  }
0xac: {  	[dreg:$0x3] =	wrdreg s0  }
0xad: {  	[dreg:$0x4] =	wrdreg $0x9  }
0xae: {  	_ =	task.clear_ibuf [dreg:s5], $0x5FFFF;
	_ =	strace $0x9000006A  }
0xaf: {  	s26 =	simm.s32 $0x9;
	_ =	strace $0x8000006C  }
0xb0: {  	_ =	swait.ge [sflag:s26], $0x1  }
0xb1: {  	[sflag:s26] =	ssyncadd.s32 $0xFFFFFFFF  }
0xb2: {  	_ =	strace $0x9000006C  }
0xb3: {  	_ =	sfence  }
0xb4: {  	s28 =	sld [smem:$0x0];
	_ =	sdelay $0x1  }
0xb5: {  	s29 =	srdreg.scid  }
0xb6: {  	s30 =	sshll.u32 s29, $0xD;
	s31 =	sshrl.u32 s29, $0x2  }
0xb7: {  	s2 =	sand.u32 $0x4000, s30;
	s1 =	sand.u32 $0x1, s29;
	s0 =	sadd.s32 s31, s28  }
0xb8: {  	s1 =	sor.u32 s2, s1;
	s0 =	sshll.u32 s0, $0x11  }
0xb9: {  	s0 =	sor.u32 s0, s1  }
0xba: {  	s0 =	sadd.s32 $0x8F2B, s0  }
0xbb: {  	[sflag:s0] =	ssyncadd.remote.s32 $0x1  }
0xbc: {  	_ =	sfence.sel $0xFFFF  }
0xbd: {  	[dreg:$0x0] =	wrdreg $0xFFFFFFFF;
	(pc) =	sbr.abs _section_cstart, $3  }
0xbe: {  	[dreg:$0x1] =	wrdreg $0xFFFFFFFF  }
0xbf: {  	_ =	task.clear_ibuf [dreg:s5], $0x2FFFF;
	_ =	strace $0x9FFFFFFF  }
0xc0: {  	(tm) =	ssettm $0x7FFFFFFF  }
0xc1: {  	_ =	shalt  }
tec
execute0_lowered:
.L_overlay_start_1:
0x0: {  	(tag) =	ssettag $0x1  }
0x1: {  	s0 =	stileid.u32  }
0x2: {  	s1 =	smin.u32 s0, $0x9  }
0x3: {  	s1 =	sadd.s32 s0, s1  }
0x4: {  	s2 =	simm.s32 $0xA0;
	p0 =	slt.u32 s0, $0x9;
	s1 =	smul.u32 $0x50, s1  }
0x5: {  	s2 =	simm.s32 @!p0 $0x50  }
0x6: {  	s2 =	sadd.s32 s2, s1  }
0x7: {  	s3 =	smin.u32 s2, $0x7D0  }
0x8: {  	s7 =	ssub.s32 s3, s1  }
0x9: {  	p0 =	sgt.s32 s7, $0x0  }
0xa: {  	s7 =	simm.s32 @!p0 $0x0  }
0xb: {  	s9 =	rddreg [dreg:$0x0];
	s31 =	smul.u32 $0xCCCD, s7  }
0xc: {  	s4 =	rddreg [dreg:$0x1];
	s6 =	simm.s32 $0x1  }
0xd: {  	s11 =	simm.s32 $0x3;
	s13 =	simm.s32 $0x0;
	s8 =	sshrl.u32 s31, $0x16  }
0xe: {  	s12 =	simm.s32 $0x0;
	s5 =	sadd.s32 $0x2C00, s9;
	s10 =	smul.u32 $0x50, s8  }
.Ltmp0:
0xf: {  	s9 =	sadd.s32 $0xCC00, s9;
	s2 =	rddreg [dreg:$0x2];
	(pc) =	sbr.rel .LBB2_1-.Ltmp0, $4  }
0x10: {  	_ =	strace $0x8000006B;
	p0 =	sne.s32 s7, s10;
	s10 =	simm.s32 $0x1  }
0x11: {  	[sflag:s6] =	ssyncpa.u1 $0x0;
	s7 =	simm.s32 $0x2;
	s10 =	simm.s32 @!p0 $0x0  }
0x12: {  	[sflag:s7] =	ssyncpa.u1 $0x0;
	p0 =	por $0x0, $0x0;
	s8 =	sadd.s32 s8, s10  }
0x13: {  	vm0 =	vmmov $0xff;
	vm1 =	vcmask $0x3F20;
	[sflag:s11] =	ssyncpa.u1 $0x0;
	s11 =	smov.u32 s1;
	s10 =	sadd.s32 $0x1, s8  }
.LBB2_6:
0x14: {  	[hbm:s17] =	stream.linear.scatter [tilespmem:s14], [sflag:$0x3], $0x400, $0x38;
	[tilespmem:$0x50A0] =	vst v63  }
.LBB2_7:
0x15: {  	s13 =	sadd.s32 $0x50, s11  }
0x16: {  	s15 =	smov.u32 s1;
	p2 =	slt.s32 s13, s3  }
0x17: {  	s15 =	smov.u32 @p2 s13;
	p2 =	sne.s32 s12, s10  }
.Ltmp1:
0x18: {  	p1 =	slt.u32 s12, $0x2;
	(pc) =	sbr.rel @!p2 .LBB2_8-.Ltmp1, $4  }
0x19: {  	s14 =	simm.s32 @!p1 $0x3  }
0x1a: {  	s16 =	sadd.s32 $0x1, s12;
	_ =	swait.ge @!p1 [sflag:s14], $0x2800  }
0x1b: {  	p0 =	por !p0, !p0;
	s13 =	smov.u32 s11;
	[sflag:s14] =	ssyncset.done @!p1 $0x0  }
0x1c: {  	s12 =	smov.u32 s16;
	s11 =	smov.u32 s15;
	[sflag:s14] =	ssyncadd.s32 @!p1 $0xFFFFD800  }
.LBB2_1:
0x1d: {  	p1 =	sge.u32 s12, s8  }
0x1e: {  	s14 =	sxor.u32 @!p1 $0xFFFFFFFF, s12  }
0x1f: {  	s14 =	sand.u32 @!p1 $0x1, s14  }
0x20: {  	s14 =	smul.u32 @!p1 $0x140, s14  }
0x21: {  	s31 =	sadd.s32 $0xFFFFFFFF, s12;
	s15 =	sshrl.u32 @!p1 s11, $0x3  }
0x22: {  	s16 =	sand.u32 @!p1 $0x7, s11;
	s15 =	sadd.s32 @!p1 s4, s15;
	s14 =	sshrl.u32 @!p1 s14, $0x2  }
0x23: {  	[tilespmem:s14], [sflag:$0x2] =	stream.linear.gather @!p1 [hbm4b:s15+s16], $0x50, $0x38;
	[tilespmem:$0x50A0] =	vst v63  }
0x24: {  	p1 =	sge.u32 s31, s8  }
.Ltmp2:
0x25: {  	_ = 	snop;
	(pc) =	sbr.rel @p1 .LBB2_7-.Ltmp2, $1  }
0x26: {  	_ =	sdelay $0x3  }
0x27: {  	s14 =	simm.s32 $0x1  }
0x28: {  	s14 =	simm.s32 @!p0 $0x0  }
0x29: {  	s15 =	smul.u32 $0x140, s14  }
0x2a: {  	_ =	swait.ge [sflag:s7], $0x50  }
0x2b: {  	[sflag:s7] =	ssyncset.done $0x0;
	s16 =	sshrl.u32 s15, $0x2  }
0x2c: {  	[sflag:s7] =	ssyncadd.s32 $0xFFFFFFB0;
	s15 =	sadd.s32 $0x0, s16  }
0x2d: {  	v0 =	vld.msk [tilespmem:s15+$0x0 ss:$0x1], $0xffff;
	_ =	sdelay $0x4  }
0x2e: {  	vm2 =	vgt.s32 v0, $0x0  }
0x2f: {  	v0 =	vnsel vm2, $0x0, v0  }
0x30: {  	v0 =	vmin.u32 v0, $0x9FF  }
0x31: {  	v0 =	vshll.u32 v0, $0x4  }
0x32: {  	s14 =	smul.u32 $0xA000, s14;
	_ =	sdelay $0x1  }
0x33: {  	s14 =	sshrl.u32 s14, $0x2  }
0x34: {  	s14 =	sor.u32 $0xA0, s14  }
0x35: {  	[tilespmem:s14], [sflag:$0x1] =	stream.indirect_vreg.gather [hbm:s5], $0x80, v0, vm0, $0x38;
	[tilespmem:$0x50A0] =	vst v63  }
0x36: {  	s17 =	sadd.s32 $0x10, s16;
	s15 =	sadd.s32 $0x400, s14  }
0x37: {  	[tilespmem:s15], [sflag:$0x1] =	stream.indirect_vreg.gather [hbm:s5], $0x80, v0, vm1, $0x38;
	[tilespmem:$0x50A0] =	vst v63  }
0x38: {  	s18 =	simm.s32 $0x80;
	v0 =	vld.msk [tilespmem:s17+$0x0 ss:$0x1], $0xffff;
	s17 =	smov.u32 s14  }
.LBB2_3:
0x39: {  	p1 =	sne.s32 s18, $0x100;
	_ =	sdelay $0x4  }
0x3a: {  	vm2 =	vgt.s32 v0, $0x0  }
0x3b: {  	v0 =	vnsel vm2, $0x0, v0  }
0x3c: {  	v0 =	vmin.u32 v0, $0x9FF  }
0x3d: {  	v0 =	vshll.u32 v0, $0x4;
	_ =	sdelay $0x3  }
.Ltmp3:
0x3e: {  	s19 =	sshra.s32 s18, $0x2;
	s17 =	sadd.s32 $0x800, s17;
	(pc) =	sbr.rel @p1 .LBB2_3-.Ltmp3, $4  }
0x3f: {  	[tilespmem:s17], [sflag:$0x1] =	stream.indirect_vreg.gather [hbm:s5], $0x80, v0, vm0, $0x38;
	[tilespmem:$0x50A0] =	vst v63  }
0x40: {  	s19 =	sadd.s32 s19, s16;
	s20 =	sadd.s32 $0x400, s17  }
0x41: {  	[tilespmem:s20], [sflag:$0x1] =	stream.indirect_vreg.gather [hbm:s5], $0x80, v0, vm1, $0x38;
	[tilespmem:$0x50A0] =	vst v63  }
0x42: {  	s18 =	sadd.s32 $0x40, s18;
	v0 =	vld.msk [tilespmem:s19+$0x0 ss:$0x1], $0xffff  }
0x43: {  	_ =	sdelay $0x3  }
0x44: {  	vm2 =	vgt.s32 v0, $0x0  }
0x45: {  	v0 =	vnsel vm2, $0x0, v0  }
0x46: {  	v0 =	vmin.u32 v0, $0x9FF  }
0x47: {  	v0 =	vshll.u32 v0, $0x4;
	_ =	sdelay $0x3  }
0x48: {  	s16 =	sadd.s32 $0x800, s17  }
0x49: {  	[tilespmem:s16], [sflag:$0x1] =	stream.indirect_vreg.gather [hbm:s5], $0x80, v0, vm0, $0x38;
	[tilespmem:$0x50A0] =	vst v63  }
0x4a: {  	s16 =	sadd.s32 $0x400, s16  }
0x4b: {  	[tilespmem:s16], [sflag:$0x1] =	stream.indirect_vreg.gather [hbm:s5], $0x80, v0, vm1, $0x38;
	[tilespmem:$0x50A0] =	vst v63  }
0x4c: {  	s13 =	sshll.u32 s13, $0x4;
	_ =	swait.ge [sflag:s6], $0x2800  }
0x4d: {  	s13 =	sadd.s32 s13, s9;
	[sflag:s6] =	ssyncset.done $0x0  }
0x4e: {  	s17 =	sadd.s32 $0x0, s13;
	s16 =	simm.s32 $0x80;
	[sflag:s6] =	ssyncadd.s32 $0xFFFFD800  }
.LBB2_5:
0x4f: {  	[hbm:s17] =	stream.linear.scatter [tilespmem:s14], [sflag:$0x3], $0x400, $0x38;
	[tilespmem:$0x50A0] =	vst v63  }
0x50: {  	s17 =	smov.u32 s16;
	s14 =	smov.u32 s15;
	p1 =	sne.s32 s16, $0x480  }
.Ltmp4:
0x51: {  	s16 =	sadd.s32 $0x80, s16;
	(pc) =	sbr.rel @p1 .LBB2_5-.Ltmp4, $2  }
0x52: {  	_ =	sdelay $0x2  }
0x53: {  	s15 =	sadd.s32 $0x400, s15;
	s17 =	sadd.s32 s17, s13  }
.Ltmp5:
0x54: {  	_ = 	snop;
	(pc) =	sbr.rel .LBB2_6-.Ltmp5, $1  }
0x55: {  	_ =	sdelay $0x3  }
.LBB2_8:
0x56: {  	_ =	sfence.sel $0x180000  }
0x57: {  	s1 =	simm.s32 $0x2;
	[bflag:$0x0] =	sbarrier.arrive $0xFFFF  }
0x58: {  	s30 =	simm.s32 $0x3;
	[sflag:s1] =	ssyncpa.u1 $0x1  }
0x59: {  	s31 =	simm.s32 $0x1;
	[sflag:s30] =	ssyncpa.u1 $0x1  }
0x5a: {  	[sflag:s31] =	ssyncpa.u1 $0x1  }
0x5b: {  	p0 =	sne.s32 s0, $0x0;
	_ =	strace $0x9000006B  }
0x5c: {  	s0 =	sadd.s32 @!p0 $0x100000, s2;
	[bflag:$0x2] =	sbarrier.arrive $0xFFFF  }
0x5d: {  	[sflag:s0] =	ssyncadd.tile.s32 @!p0 $0x1;
	_ =	shalt  }
.Lfunc_end2:
_tile_overlayer_lowered:
.L_overlay_start_2:
0x5e: {  	(tag) =	ssettag $0x2  }
0x5f: {  	s0 =	rddreg [dreg:$0x0];
	s2 =	stileid.u32  }
0x60: {  	s1 =	rddreg [dreg:$0x1];
	p0 =	sne.s32 s2, $0x0  }
0x61: {  	s3 =	rddreg [dreg:$0x2];
	[bflag:$0x3] =	sbarrier.arrive $0xFFFF;
	s2 =	simm.s32 @!p0 $0x1C01  }
0x62: {  	[timem:s3], [sflag:s2] =	dma.local @!p0 [hbm:s0], s1  }
0x63: {  	s0 =	simm.s32 @!p0 $0x1  }
0x64: {  	_ =	swait.ge @!p0 [sflag:s0], s1  }
0x65: {  	s1 =	ssub.s32 @!p0 $0x0, s1;
	[sflag:s0] =	ssyncset.done @!p0 $0x0  }
0x66: {  	[sflag:s0] =	ssyncadd.s32 @!p0 s1  }
0x67: {  	[bflag:$0x3] =	sbarrier.arrive $0xFFFF  }
0x68: {  	_ =	shalt  }

// kernel: scatter_offload_async_start.1
scs
__scs_entry_jumppad:
0x0: {  	(pc) =	sbr.rel $0x88, $3  }
0x1: {  	(tag) =	ssettag $0x0;
	lr =	simm.s32 $0x1  }
0x2: {  	[smem:$0x3F9A] =	sst lr;
	_ =	strace $0xD0000000  }
0x3: {  	_ = 	snop  }
0x4: {  	_ = 	snop  }
0x5: {  	_ = 	snop  }
0x6: {  	_ = 	snop  }
0x7: {  	_ = 	snop  }
__scs_overlays_trampoline_lowered:
0x8: {  	[smem:$0x3FA9] =	sst s0  }
0x9: {  	[smem:$0x3FAA] =	sst s1  }
0xa: {  	[smem:$0x3FAB] =	sst s2  }
0xb: {  	[smem:$0x3FAC] =	sst s3  }
0xc: {  	[smem:$0x3FAD] =	sst s4  }
0xd: {  	[smem:$0x3FAE] =	sst s5  }
0xe: {  	[smem:$0x3FAF] =	sst s6  }
0xf: {  	[smem:$0x3FB0] =	sst s7  }
0x10: {  	[smem:$0x3FB1] =	sst s8  }
0x11: {  	[smem:$0x3FB2] =	sst s9;
	s0 =	simm.s32 @!p0 $0x0  }
0x12: {  	s1 =	sld [smem:$0x3F98];
	s0 =	simm.s32 @p0 $0x1  }
0x13: {  	[smem:$0x3FB3] =	sst s0;
	s0 =	simm.s32 @!p1 $0x0  }
0x14: {  	s2 =	sld [smem:$0x3F97];
	s0 =	simm.s32 @p1 $0x1  }
0x15: {  	[smem:$0x3FB4] =	sst s0;
	s0 =	simm.s32 @!p2 $0x0  }
0x16: {  	s3 =	sld [smem:$0x3FDB];
	s0 =	simm.s32 @p2 $0x1  }
0x17: {  	s4 =	simm.s32 $0x1BF5;
	[smem:$0x3FB6] =	sst s0  }
0x18: {  	s0 =	sld [smem:$0x3F99];
	_ =	swait.ge [sflag:s4], $0x0  }
0x19: {  	s7 =	sld [smem:$0x3F9A]  }
0x1a: {  	s8 =	sadd.s32 $0xFFFFE003, lr  }
0x1b: {  	s9 =	sadd.s32 $0xFFFFFEF7, lr;
	s5 =	simm.s32 $0xFFFFFFFF;
	p2 =	slt.u32 s8, $0xFFFFF086  }
0x1c: {  	p1 =	slt.u32 s9, $0xF7A;
	s5 =	simm.s32 @!p2 $0x0  }
0x1d: {  	s5 =	simm.s32 @p1 $0x1;
	p0 =	seq.s32 s7, s2  }
0x1e: {  	s7 =	smul.u32 @!p0 $0xF7A, s2;
	p2 =	seq.s32 @!p0 s5, $0x0  }
0x1f: {  	s9 =	smul.u32 $0xF7A, s1;
	s8 =	simm.s32 @!p0 $0x1BF5;
	p2 =	por !p2, p0  }
0x20: {  	[sflag:s8] =	ssyncset.s32 @!p0 $0xFFFFF086;
	s6 =	sadd.s32 @!p0 s3, s7;
	s7 =	simm.s32 @!p0 $0x108  }
0x21: {  	s3 =	sadd.s32 s3, s9;
	s6 =	sadd.s32 @!p0 $0x88, s6;
	s7 =	simm.s32 @p2 $0x1082  }
0x22: {  	[simem:s7], [sflag:s8] =	dma.local @!p0 [hbm:s6], $0xF7A  }
0x23: {  	s9 =	sor.u32 $0xD0000000, s2;
	s6 =	simm.s32 $0x108;
	_ =	swait.ge @!p0 [sflag:s8], $0x0  }
0x24: {  	s3 =	sadd.s32 $0x88, s3;
	s6 =	simm.s32 @!p1 $0x1082;
	[sflag:s4] =	ssyncset.s32 $0xFFFFF086  }
0x25: {  	[simem:s6], [sflag:s4] =	dma.local [hbm:s3], $0xF7A  }
0x26: {  	[smem:$0x3F9A] =	sst s1;
	(tag) =	ssettag s2;
	_ =	strace s9  }
0x27: {  	s1 =	sld [smem:$0x3FAA]  }
0x28: {  	s2 =	sld [smem:$0x3FAB]  }
0x29: {  	s4 =	sld [smem:$0x3FAD]  }
0x2a: {  	p0 =	seq.s32 s5, $0x0;
	s5 =	sld [smem:$0x3FAE]  }
0x2b: {  	s6 =	sld [smem:$0x3FAF]  }
0x2c: {  	s7 =	sld [smem:$0x3FB0]  }
0x2d: {  	s3 =	simm.s32 $0x108;
	s8 =	sld [smem:$0x3FB1]  }
0x2e: {  	s3 =	simm.s32 @!p0 $0x1082;
	s9 =	sld [smem:$0x3FB2]  }
0x2f: {  	lr =	sadd.s32 s0, s3;
	s0 =	sld [smem:$0x3FA9]  }
0x30: {  	s3 =	sld [smem:$0x3FAC]  }
0x31: {  	[smem:$0x3FB5] =	sst s10  }
0x32: {  	s10 =	sld [smem:$0x3FB3];
	_ =	sdelay $0x3  }
0x33: {  	p0 =	seq.s32 s10, $0x1;
	s10 =	sld [smem:$0x3FB5];
	_ =	sdelay $0x3  }
0x34: {  	[smem:$0x3FB5] =	sst s10  }
0x35: {  	s10 =	sld [smem:$0x3FB4];
	_ =	sdelay $0x3  }
0x36: {  	p1 =	seq.s32 s10, $0x1;
	s10 =	sld [smem:$0x3FB5];
	_ =	sdelay $0x3  }
0x37: {  	[smem:$0x3FB5] =	sst s10  }
0x38: {  	s10 =	sld [smem:$0x3FB6]  }
0x39: {  	_ = 	snop;
	(pc) =	sbr.ind lr, $3  }
0x3a: {  	_ = 	snop  }
0x3b: {  	_ = 	snop  }
0x3c: {  	p2 =	seq.s32 s10, $0x1;
	s10 =	sld [smem:$0x3FB5]  }
0x3d: {  	_ =	shalt  }
0x3e: {  	_ =	shalt  }
0x3f: {  	_ =	shalt  }
0x40: {  	_ =	shalt  }
0x41: {  	_ =	shalt  }
0x42: {  	_ =	shalt  }
0x43: {  	_ =	shalt  }
0x44: {  	_ =	shalt  }
0x45: {  	_ =	shalt  }
0x46: {  	_ =	shalt  }
0x47: {  	_ =	shalt  }
0x48: {  	_ =	shalt  }
0x49: {  	_ =	shalt  }
0x4a: {  	_ =	shalt  }
0x4b: {  	_ =	shalt  }
0x4c: {  	_ =	shalt  }
0x4d: {  	_ =	shalt  }
0x4e: {  	_ =	shalt  }
0x4f: {  	_ =	shalt  }
0x50: {  	_ =	shalt  }
0x51: {  	_ =	shalt  }
0x52: {  	_ =	shalt  }
0x53: {  	_ =	shalt  }
0x54: {  	_ =	shalt  }
0x55: {  	_ =	shalt  }
0x56: {  	_ =	shalt  }
0x57: {  	_ =	shalt  }
0x58: {  	_ =	shalt  }
0x59: {  	_ =	shalt  }
0x5a: {  	_ =	shalt  }
0x5b: {  	_ =	shalt  }
0x5c: {  	_ =	shalt  }
0x5d: {  	_ =	shalt  }
0x5e: {  	_ =	shalt  }
0x5f: {  	_ =	shalt  }
0x60: {  	_ =	shalt  }
0x61: {  	_ =	shalt  }
0x62: {  	_ =	shalt  }
0x63: {  	_ =	shalt  }
0x64: {  	_ =	shalt  }
0x65: {  	_ =	shalt  }
0x66: {  	_ =	shalt  }
0x67: {  	_ =	shalt  }
0x68: {  	_ =	shalt  }
0x69: {  	_ =	shalt  }
0x6a: {  	_ =	shalt  }
0x6b: {  	_ =	shalt  }
0x6c: {  	_ =	shalt  }
0x6d: {  	_ =	shalt  }
0x6e: {  	_ =	shalt  }
0x6f: {  	_ =	shalt  }
0x70: {  	_ =	shalt  }
0x71: {  	_ =	shalt  }
0x72: {  	_ =	shalt  }
0x73: {  	_ =	shalt  }
0x74: {  	_ =	shalt  }
0x75: {  	_ =	shalt  }
0x76: {  	_ =	shalt  }
0x77: {  	_ =	shalt  }
0x78: {  	_ =	shalt  }
0x79: {  	_ =	shalt  }
0x7a: {  	_ =	shalt  }
0x7b: {  	_ =	shalt  }
0x7c: {  	_ =	shalt  }
0x7d: {  	_ =	shalt  }
0x7e: {  	_ =	shalt  }
0x7f: {  	_ =	shalt  }
0x80: {  	_ =	shalt  }
0x81: {  	_ =	shalt  }
0x82: {  	_ =	shalt  }
0x83: {  	_ =	shalt  }
0x84: {  	_ =	shalt  }
0x85: {  	_ =	shalt  }
0x86: {  	_ =	shalt  }
0x87: {  	_ =	shalt  }
.Lfunc_end0:
.L_simem_size_0:
called_computation.1_lowered:
.L_overlay_start_0:
0x88: {  	s0 =	sld [smem:$0x3FD9]  }
0x89: {  	s1 =	sld [smem:$0x3FFE];
	_ =	sdelay $0x3  }
0x8a: {  	s0 =	sadd.s32 s1, s0  }
0x8b: {  	[smem:$0x3FC1] =	sst s0  }
0x8c: {  	_ = 	snop  }
0x8d: {  	s14 =	sld [smem:$0x3FD0];
	(tm) =	ssettm $0x1  }
0x8e: {  	s15 =	sld [smem:$0x3FFB];
	_ =	sdelay $0x3  }
0x8f: {  	_ =	strace s15  }
0x90: {  	s0 =	sld [smem:$0x3FFC];
	_ =	sdelay $0x3  }
0x91: {  	_ =	strace s0  }
0x92: {  	s0 =	sld [smem:$0x3FFD];
	_ =	sdelay $0x3  }
0x93: {  	_ =	strace s0  }
0x94: {  	_ =	strace $0x8FFFFFFF  }
0x95: {  	s16 =	sld [smem:$0x3FDB];
	_ =	sdelay $0x1  }
0x96: {  	s2 =	simm.s32 $_scs_section_size  }
0x97: {  	s3 =	simm.s32 $_size__tile_overlayer_lowered;
	s4 =	simm.s32 $_tile_overlayer_lowered  }
0x98: {  	s5 =	simm.s32 $0x1BFF;
	s17 =	sshll.u32 s4, $0x1;
	s2 =	sadd.s32 s2, s16  }
0x99: {  	s18 =	simm.s32 $0x0;
	s3 =	sshll.u32 s3, $0x1;
	s4 =	sadd.s32 s17, s2  }
0x9a: {  	[timem:s18], [sflag:s5] =	dma.local [hbm:s4], s3  }
0x9b: {  	_ =	swait.ge [sflag:s5], s3  }
0x9c: {  	s3 =	ssub.s32 $0x0, s3;
	[sflag:s5] =	ssyncset.done $0x0  }
0x9d: {  	[sflag:s5] =	ssyncadd.s32 s3;
	_ =	sdelay $0x1  }
0x9e: {  	s19 =	simm.s32 $0x1B8B  }
0x9f: {  	_ =	swait.ge [sflag:s19], $0x1  }
0xa0: {  	[sflag:s19] =	ssyncset.done $0x0  }
0xa1: {  	s21 =	simm.s32 $0x1B8E;
	s20 =	sld [smem:$0x3FFE];
	[sflag:s19] =	ssyncadd.s32 $0xFFFFFFFF  }
0xa2: {  	s22 =	simm.s32 $execute0_lowered;
	[smem:$0x3FD2] =	sst s21  }
0xa3: {  	s4 =	sshll.u32 s22, $0x1;
	_ =	strace $0x80000064;
	[dreg:$0x1] =	wrdreg $0xFFFFFFFF  }
0xa4: {  	s23 =	simm.s32 $_size_execute0_lowered;
	s4 =	sadd.s32 s2, s4;
	[dreg:$0x0] =	wrdreg $0x0  }
0xa5: {  	s5 =	sshll.u32 s23, $0x1;
	[dreg:$0x2] =	wrdreg s4  }
0xa6: {  	[dreg:$0x3] =	wrdreg s5  }
0xa7: {  	[dreg:$0x4] =	wrdreg $0xC0  }
0xa8: {  	s24 =	simm.s32 $execute1_lowered;
	_ =	task [dreg:s18], $0x5FFFF  }
0xa9: {  	s4 =	sshll.u32 s24, $0x1;
	[dreg:$0x1] =	wrdreg $0xFFFFFFFF  }
0xaa: {  	s2 =	sadd.s32 s2, s4;
	[dreg:$0x0] =	wrdreg $0x60  }
0xab: {  	[dreg:$0x2] =	wrdreg s2  }
0xac: {  	[dreg:$0x3] =	wrdreg s20  }
0xad: {  	[dreg:$0x4] =	wrdreg $0x9  }
0xae: {  	_ =	task.clear_ibuf [dreg:s18], $0x5FFFF;
	_ =	strace $0x90000064  }
0xaf: {  	s25 =	simm.s32 $0x9;
	_ =	strace $0x80000066  }
0xb0: {  	_ =	swait.ge [sflag:s25], $0x1  }
0xb1: {  	[sflag:s25] =	ssyncadd.s32 $0xFFFFFFFF  }
0xb2: {  	_ =	strace $0x90000066  }
0xb3: {  	_ =	strace $0x80000067;
	[dreg:$0x1] =	wrdreg $0xFFFFFFFF  }
0xb4: {  	[dreg:$0x0] =	wrdreg $0x2030  }
0xb5: {  	[dreg:$0x2] =	wrdreg s20  }
0xb6: {  	[dreg:$0x3] =	wrdreg s14  }
0xb7: {  	[dreg:$0x4] =	wrdreg $0xA  }
0xb8: {  	_ =	task.clear_ibuf [dreg:s18], $0x5FFFF;
	_ =	strace $0x90000067  }
0xb9: {  	s26 =	simm.s32 $0xA;
	_ =	strace $0x80000069  }
0xba: {  	_ =	swait.ge [sflag:s26], $0x1  }
0xbb: {  	[sflag:s26] =	ssyncadd.s32 $0xFFFFFFFF  }
0xbc: {  	_ =	strace $0x90000069  }
0xbd: {  	_ =	sfence  }
0xbe: {  	s28 =	sld [smem:$0x0];
	_ =	sdelay $0x1  }
0xbf: {  	s29 =	srdreg.scid  }
0xc0: {  	s30 =	sshll.u32 s29, $0xD;
	s31 =	sshrl.u32 s29, $0x2  }
0xc1: {  	s3 =	sand.u32 $0x4000, s30;
	s2 =	sand.u32 $0x1, s29;
	s1 =	sadd.s32 s31, s28  }
0xc2: {  	s2 =	sor.u32 s3, s2;
	s1 =	sshll.u32 s1, $0x11  }
0xc3: {  	s1 =	sor.u32 s1, s2  }
0xc4: {  	s1 =	sadd.s32 $0x8F2B, s1  }
0xc5: {  	[sflag:s1] =	ssyncadd.remote.s32 $0x1  }
0xc6: {  	_ =	sfence.sel $0xFFFF  }
0xc7: {  	[dreg:$0x0] =	wrdreg $0xFFFFFFFF;
	(pc) =	sbr.abs _section_cstart, $3  }
0xc8: {  	[dreg:$0x1] =	wrdreg $0xFFFFFFFF  }
0xc9: {  	_ =	task.clear_ibuf [dreg:s18], $0x2FFFF;
	_ =	strace $0x9FFFFFFF  }
0xca: {  	(tm) =	ssettm $0x7FFFFFFF  }
0xcb: {  	_ =	shalt  }
tec
execute0_lowered:
.L_overlay_start_1:
0x0: {  	(tag) =	ssettag $0x1  }
0x1: {  	s0 =	rddreg [dreg:$0x0]  }
0x2: {  	s1 =	rddreg [dreg:$0x1]  }
0x3: {  	s2 =	rddreg [dreg:$0x2];
	s3 =	stileid.u32  }
0x4: {  	[bflag:$0x3] =	sbarrier.arrive $0xFFFF;
	s4 =	simm.s32 $_size_execute1_lowered;
	p0 =	sne.s32 s3, $0x0  }
0x5: {  	s4 =	sshll.u32 s4, $0x1;
	s5 =	simm.s32 @!p0 $0x1C3F;
	s6 =	simm.s32 @!p0 $0x4060  }
0x6: {  	[timem:s6], [sflag:s5] =	dma.local @!p0 [hbm:s0], s4  }
0x7: {  	s26 =	simm.s32 $0x1;
	s28 =	simm.s32 $0x2;
	_ =	strace $0x80000065  }
0x8: {  	s29 =	simm.s32 $0x0;
	s3 =	sshll.u32 s3, $0x4;
	[sflag:s26] =	ssyncpa.u1 $0x0  }
0x9: {  	s30 =	simm.s32 $0x80;
	s1 =	sadd.s32 s3, s1;
	[sflag:s28] =	ssyncpa.u1 $0x0  }
0xa: {  	[tilespmem:s30], [sflag:$0x1] =	stream.linear.gather [hbm4b:s1+s29], $0x80, $0x38;
	[tilespmem:$0x200] =	vst v63  }
0xb: {  	_ =	swait.ge [sflag:s26], $0x80  }
0xc: {  	[sflag:s26] =	ssyncset.done $0x0  }
0xd: {  	[sflag:s26] =	ssyncadd.s32 $0xFFFFFF80  }
0xe: {  	v0 =	vld [tilespmem:$0x80]  }
0xf: {  	v1 =	vld [tilespmem:$0x90]  }
0x10: {  	v2 =	vld [tilespmem:$0xA0]  }
0x11: {  	v3 =	vld [tilespmem:$0xB0]  }
0x12: {  	v4 =	vld [tilespmem:$0xC0]  }
0x13: {  	v61 =	vld [tilespmem:$0xD0];
	[tilespmem:$0x180] =	vst v0  }
0x14: {  	v62 =	vld [tilespmem:$0xE0];
	[tilespmem:$0x190] =	vst v1  }
0x15: {  	v63 =	vld [tilespmem:$0xF0];
	[tilespmem:$0x1A0] =	vst v2  }
0x16: {  	[tilespmem:$0x1B0] =	vst v3  }
0x17: {  	[tilespmem:$0x1C0] =	vst v4  }
0x18: {  	[tilespmem:$0x1D0] =	vst v61  }
0x19: {  	[tilespmem:$0x1E0] =	vst v62  }
0x1a: {  	s31 =	simm.s32 $0x180;
	s1 =	sadd.s32 $0x400, s1;
	[tilespmem:$0x1F0] =	vst v63  }
0x1b: {  	[hbm4b:s1+s29] =	stream.linear.scatter [tilespmem:s31], [sflag:$0x2], $0x80, $0x38;
	[tilespmem:$0x200] =	vst v63  }
0x1c: {  	_ =	swait.ge [sflag:s28], $0x80  }
0x1d: {  	[sflag:s28] =	ssyncset.done $0x0  }
0x1e: {  	[sflag:s28] =	ssyncadd.s32 $0xFFFFFF80  }
0x1f: {  	_ =	sfence.sel $0x180000  }
0x20: {  	[bflag:$0x0] =	sbarrier.arrive $0xFFFF  }
0x21: {  	[sflag:s26] =	ssyncpa.u1 $0x1  }
0x22: {  	[sflag:s28] =	ssyncpa.u1 $0x1  }
0x23: {  	_ =	strace $0x90000065  }
0x24: {  	s0 =	sadd.s32 @!p0 $0x100000, s2;
	[bflag:$0x2] =	sbarrier.arrive $0xFFFF  }
0x25: {  	[sflag:s0] =	ssyncadd.tile.s32 @!p0 $0x1;
	s0 =	simm.s32 @!p0 $0x3F  }
0x26: {  	_ =	swait.ge @!p0 [sflag:s0], s4  }
0x27: {  	s1 =	ssub.s32 @!p0 $0x0, s4;
	[sflag:s0] =	ssyncset.done @!p0 $0x0  }
0x28: {  	[sflag:s0] =	ssyncadd.s32 @!p0 s1  }
0x29: {  	[bflag:$0x3] =	sbarrier.arrive $0xFFFF  }
0x2a: {  	_ =	shalt  }
.Lfunc_end2:
execute1_lowered:
.L_overlay_start_2:
0x2b: {  	(tag) =	ssettag $0x2  }
0x2c: {  	s5 =	rddreg [dreg:$0x0]  }
0x2d: {  	s6 =	rddreg [dreg:$0x1]  }
0x2e: {  	s0 =	rddreg [dreg:$0x2];
	_ =	strace $0x80000068;
	s7 =	stileid.u32  }
0x2f: {  	s3 =	simm.s32 $0x3E;
	s1 =	sadd.s32 $0x400, s5;
	p0 =	sne.s32 s7, $0x0  }
0x30: {  	[sflag:s3] =	ssyncpa.u1 $0x0;
	s4 =	simm.s32 @!p0 $0x1C3E;
	s2 =	simm.s32 @!p0 $0x0  }
0x31: {  	[spmem:s2], [sflag:s4] =	dma.local @!p0 [hbm:s1], $0x100  }
0x32: {  	s4 =	simm.s32 @!p0 $0x3E  }
0x33: {  	_ =	swait.ge @!p0 [sflag:s4], $0x100  }
0x34: {  	[sflag:s4] =	ssyncset.done @!p0 $0x0  }
0x35: {  	[sflag:s4] =	ssyncadd.s32 @!p0 $0xFFFFFF00  }
0x36: {  	s31 =	simm.s32 $0x1;
	s10 =	simm.s32 $0x2;
	[bflag:$0x0] =	sbarrier.arrive $0xFFFF  }
0x37: {  	s8 =	simm.s32 $0x0;
	s7 =	smul.u32 $0x14, s7;
	[sflag:s3] =	ssyncpa.u1 $0x1  }
0x38: {  	s9 =	simm.s32 $0x120;
	s5 =	sadd.s32 $0x200, s5;
	[sflag:s31] =	ssyncpa.u1 $0x0  }
0x39: {  	s6 =	sadd.s32 s6, s7;
	(ifvalue) =	ssetifvalue $0x800;
	[sflag:s10] =	ssyncpa.u1 $0x0  }
0x3a: {  	[tilespmem:s9], [sflag:$0x2] =	stream.linear.gather [hbm4b:s6+s8], $0xA0, $0x38;
	[tilespmem:$0x300] =	vst v63  }
0x3b: {  	s11 =	simm.s32 $0x260;
	s5 =	sadd.s32 s5, s7  }
0x3c: {  	[tilespmem:s11], [sflag:$0x2] =	stream.linear.gather [hbm4b:s5+s8], $0xA0, $0x38;
	[tilespmem:$0x300] =	vst v63  }
0x3d: {  	_ =	swait.ge [sflag:s10], $0x140  }
0x3e: {  	[sflag:s10] =	ssyncset.done $0x0  }
0x3f: {  	[sflag:s10] =	ssyncadd.s32 $0xFFFFFEC0  }
0x40: {  	v0 =	vld.msk [tilespmem:s9+$0x0 ss:$0x1], $0xffff;
	_ =	sdelay $0x4  }
0x41: {  	v0 =	vmin.u32 v0, $0x800;
	_ =	sdelay $0x3  }
0x42: {  	vm0 =	vmmov $0xffff;
	s12 =	simm.s32 $0x130  }
0x43: {  	[spmem:s8] =	stream.indirect_vreg.scatter.add.s32 [tilespmem:s11], [sflag:$0x1], $0x1, v0, vm0, $0x4038;
	[tilespmem:$0x300] =	vst v63  }
0x44: {  	v0 =	vld.msk [tilespmem:s12+$0x0 ss:$0x1], $0xffff;
	_ =	sdelay $0x4  }
0x45: {  	v0 =	vmin.u32 v0, $0x800;
	_ =	sdelay $0x3  }
0x46: {  	s13 =	simm.s32 $0x270;
	s14 =	simm.s32 $0x140  }
0x47: {  	[spmem:s8] =	stream.indirect_vreg.scatter.add.s32 [tilespmem:s13], [sflag:$0x1], $0x1, v0, vm0, $0x4038;
	[tilespmem:$0x300] =	vst v63  }
0x48: {  	v0 =	vld.msk [tilespmem:s14+$0x0 ss:$0x1], $0xffff;
	_ =	sdelay $0x4  }
0x49: {  	v0 =	vmin.u32 v0, $0x800;
	_ =	sdelay $0x3  }
0x4a: {  	s15 =	simm.s32 $0x280;
	s16 =	simm.s32 $0x150  }
0x4b: {  	[spmem:s8] =	stream.indirect_vreg.scatter.add.s32 [tilespmem:s15], [sflag:$0x1], $0x1, v0, vm0, $0x4038;
	[tilespmem:$0x300] =	vst v63  }
0x4c: {  	v0 =	vld.msk [tilespmem:s16+$0x0 ss:$0x1], $0xffff;
	_ =	sdelay $0x4  }
0x4d: {  	v0 =	vmin.u32 v0, $0x800;
	_ =	sdelay $0x3  }
0x4e: {  	s17 =	simm.s32 $0x290;
	s18 =	simm.s32 $0x160  }
0x4f: {  	[spmem:s8] =	stream.indirect_vreg.scatter.add.s32 [tilespmem:s17], [sflag:$0x1], $0x1, v0, vm0, $0x4038;
	[tilespmem:$0x300] =	vst v63  }
0x50: {  	v0 =	vld.msk [tilespmem:s18+$0x0 ss:$0x1], $0xffff;
	_ =	sdelay $0x4  }
0x51: {  	v0 =	vmin.u32 v0, $0x800;
	_ =	sdelay $0x3  }
0x52: {  	s19 =	simm.s32 $0x2A0;
	s20 =	simm.s32 $0x170  }
0x53: {  	[spmem:s8] =	stream.indirect_vreg.scatter.add.s32 [tilespmem:s19], [sflag:$0x1], $0x1, v0, vm0, $0x4038;
	[tilespmem:$0x300] =	vst v63  }
0x54: {  	v0 =	vld.msk [tilespmem:s20+$0x0 ss:$0x1], $0xffff;
	_ =	sdelay $0x4  }
0x55: {  	v0 =	vmin.u32 v0, $0x800;
	_ =	sdelay $0x3  }
0x56: {  	s21 =	simm.s32 $0x2B0;
	s22 =	simm.s32 $0x180  }
0x57: {  	[spmem:s8] =	stream.indirect_vreg.scatter.add.s32 [tilespmem:s21], [sflag:$0x1], $0x1, v0, vm0, $0x4038;
	[tilespmem:$0x300] =	vst v63  }
0x58: {  	v0 =	vld.msk [tilespmem:s22+$0x0 ss:$0x1], $0xffff;
	_ =	sdelay $0x4  }
0x59: {  	v0 =	vmin.u32 v0, $0x800;
	_ =	sdelay $0x3  }
0x5a: {  	s23 =	simm.s32 $0x2C0;
	s24 =	simm.s32 $0x190  }
0x5b: {  	[spmem:s8] =	stream.indirect_vreg.scatter.add.s32 [tilespmem:s23], [sflag:$0x1], $0x1, v0, vm0, $0x4038;
	[tilespmem:$0x300] =	vst v63  }
0x5c: {  	v0 =	vld.msk [tilespmem:s24+$0x0 ss:$0x1], $0xffff;
	_ =	sdelay $0x4  }
0x5d: {  	v0 =	vmin.u32 v0, $0x800;
	_ =	sdelay $0x3  }
0x5e: {  	s25 =	simm.s32 $0x2D0;
	s26 =	simm.s32 $0x1A0  }
0x5f: {  	[spmem:s8] =	stream.indirect_vreg.scatter.add.s32 [tilespmem:s25], [sflag:$0x1], $0x1, v0, vm0, $0x4038;
	[tilespmem:$0x300] =	vst v63  }
0x60: {  	v0 =	vld.msk [tilespmem:s26+$0x0 ss:$0x1], $0xffff;
	_ =	sdelay $0x4  }
0x61: {  	v0 =	vmin.u32 v0, $0x800;
	_ =	sdelay $0x3  }
0x62: {  	s28 =	simm.s32 $0x2E0;
	s29 =	simm.s32 $0x1B0  }
0x63: {  	[spmem:s8] =	stream.indirect_vreg.scatter.add.s32 [tilespmem:s28], [sflag:$0x1], $0x1, v0, vm0, $0x4038;
	[tilespmem:$0x300] =	vst v63  }
0x64: {  	v0 =	vld.msk [tilespmem:s29+$0x0 ss:$0x1], $0xffff;
	_ =	sdelay $0x4  }
0x65: {  	v0 =	vmin.u32 v0, $0x800;
	_ =	sdelay $0x3  }
0x66: {  	s30 =	simm.s32 $0x2F0  }
0x67: {  	[spmem:s8] =	stream.indirect_vreg.scatter.add.s32 [tilespmem:s30], [sflag:$0x1], $0x1, v0, vm0, $0x4038;
	[tilespmem:$0x300] =	vst v63  }
0x68: {  	_ =	swait.ge [sflag:s31], $0xA0  }
0x69: {  	[sflag:s31] =	ssyncset.done $0x0  }
0x6a: {  	[sflag:s31] =	ssyncadd.s32 $0xFFFFFF60  }
0x6b: {  	_ =	sfence.sel $0x180000  }
0x6c: {  	[bflag:$0x0] =	sbarrier.arrive $0xFFFF  }
0x6d: {  	[sflag:s10] =	ssyncpa.u1 $0x1  }
0x6e: {  	[sflag:s31] =	ssyncpa.u1 $0x1  }
0x6f: {  	_ =	sfence.stream.spmem  }
0x70: {  	s31 =	simm.s32 $0x3D;
	[bflag:$0x0] =	sbarrier.arrive $0xFFFF  }
0x71: {  	s3 =	simm.s32 @p0 $0x3D;
	[sflag:s31] =	ssyncpa.u1 $0x0  }
0x72: {  	[sflag:s3] =	ssyncpa.u1 @p0 $0x1  }
0x73: {  	[bflag:$0x0] =	sbarrier.arrive @p0 $0xFFFF  }
0x74: {  	_ =	strace @p0 $0x90000068  }
0x75: {  	s3 =	simm.s32 @!p0 $0x1C3D;
	[bflag:$0x2] =	sbarrier.arrive @p0 $0xFFFF  }
0x76: {  	[hbm:s1], [sflag:s3] =	dma.local @!p0 [spmem:s2], $0x100  }
0x77: {  	s1 =	simm.s32 @!p0 $0x3D  }
0x78: {  	_ =	swait.ge @!p0 [sflag:s1], $0x100  }
0x79: {  	[sflag:s1] =	ssyncset.done @!p0 $0x0  }
0x7a: {  	[sflag:s1] =	ssyncadd.s32 @!p0 $0xFFFFFF00  }
0x7b: {  	[sflag:s1] =	ssyncpa.u1 @!p0 $0x1  }
0x7c: {  	[bflag:$0x0] =	sbarrier.arrive @!p0 $0xFFFF  }
0x7d: {  	_ =	strace @!p0 $0x90000068  }
0x7e: {  	s0 =	sadd.s32 @!p0 $0x100000, s0;
	[bflag:$0x2] =	sbarrier.arrive @!p0 $0xFFFF  }
0x7f: {  	[sflag:s0] =	ssyncadd.tile.s32 @!p0 $0x1;
	_ =	shalt  }
.Lfunc_end3:
_tile_overlayer_lowered:
.L_overlay_start_3:
0x80: {  	(tag) =	ssettag $0x3  }
0x81: {  	s0 =	rddreg [dreg:$0x0];
	s2 =	stileid.u32  }
0x82: {  	s1 =	rddreg [dreg:$0x1];
	p0 =	sne.s32 s2, $0x0  }
0x83: {  	s3 =	rddreg [dreg:$0x2];
	[bflag:$0x3] =	sbarrier.arrive $0xFFFF;
	s2 =	simm.s32 @!p0 $0x1C01  }
0x84: {  	[timem:s3], [sflag:s2] =	dma.local @!p0 [hbm:s0], s1  }
0x85: {  	s0 =	simm.s32 @!p0 $0x1  }
0x86: {  	_ =	swait.ge @!p0 [sflag:s0], s1  }
0x87: {  	s1 =	ssub.s32 @!p0 $0x0, s1;
	[sflag:s0] =	ssyncset.done @!p0 $0x0  }
0x88: {  	[sflag:s0] =	ssyncadd.s32 @!p0 s1  }
0x89: {  	[bflag:$0x3] =	sbarrier.arrive $0xFFFF  }
0x8a: {  	_ =	shalt  }

// kernel: scatter_offload_async_start
scs
__scs_entry_jumppad:
0x0: {  	(pc) =	sbr.rel $0x88, $3  }
0x1: {  	(tag) =	ssettag $0x0;
	lr =	simm.s32 $0x1  }
0x2: {  	[smem:$0x3F9A] =	sst lr;
	_ =	strace $0xD0000000  }
0x3: {  	_ = 	snop  }
0x4: {  	_ = 	snop  }
0x5: {  	_ = 	snop  }
0x6: {  	_ = 	snop  }
0x7: {  	_ = 	snop  }
__scs_overlays_trampoline_lowered:
0x8: {  	[smem:$0x3FA9] =	sst s0  }
0x9: {  	[smem:$0x3FAA] =	sst s1  }
0xa: {  	[smem:$0x3FAB] =	sst s2  }
0xb: {  	[smem:$0x3FAC] =	sst s3  }
0xc: {  	[smem:$0x3FAD] =	sst s4  }
0xd: {  	[smem:$0x3FAE] =	sst s5  }
0xe: {  	[smem:$0x3FAF] =	sst s6  }
0xf: {  	[smem:$0x3FB0] =	sst s7  }
0x10: {  	[smem:$0x3FB1] =	sst s8  }
0x11: {  	[smem:$0x3FB2] =	sst s9;
	s0 =	simm.s32 @!p0 $0x0  }
0x12: {  	s1 =	sld [smem:$0x3F98];
	s0 =	simm.s32 @p0 $0x1  }
0x13: {  	[smem:$0x3FB3] =	sst s0;
	s0 =	simm.s32 @!p1 $0x0  }
0x14: {  	s2 =	sld [smem:$0x3F97];
	s0 =	simm.s32 @p1 $0x1  }
0x15: {  	[smem:$0x3FB4] =	sst s0;
	s0 =	simm.s32 @!p2 $0x0  }
0x16: {  	s3 =	sld [smem:$0x3FDB];
	s0 =	simm.s32 @p2 $0x1  }
0x17: {  	s4 =	simm.s32 $0x1BF5;
	[smem:$0x3FB6] =	sst s0  }
0x18: {  	s0 =	sld [smem:$0x3F99];
	_ =	swait.ge [sflag:s4], $0x0  }
0x19: {  	s7 =	sld [smem:$0x3F9A]  }
0x1a: {  	s8 =	sadd.s32 $0xFFFFE003, lr  }
0x1b: {  	s9 =	sadd.s32 $0xFFFFFEF7, lr;
	s5 =	simm.s32 $0xFFFFFFFF;
	p2 =	slt.u32 s8, $0xFFFFF086  }
0x1c: {  	p1 =	slt.u32 s9, $0xF7A;
	s5 =	simm.s32 @!p2 $0x0  }
0x1d: {  	s5 =	simm.s32 @p1 $0x1;
	p0 =	seq.s32 s7, s2  }
0x1e: {  	s7 =	smul.u32 @!p0 $0xF7A, s2;
	p2 =	seq.s32 @!p0 s5, $0x0  }
0x1f: {  	s9 =	smul.u32 $0xF7A, s1;
	s8 =	simm.s32 @!p0 $0x1BF5;
	p2 =	por !p2, p0  }
0x20: {  	[sflag:s8] =	ssyncset.s32 @!p0 $0xFFFFF086;
	s6 =	sadd.s32 @!p0 s3, s7;
	s7 =	simm.s32 @!p0 $0x108  }
0x21: {  	s3 =	sadd.s32 s3, s9;
	s6 =	sadd.s32 @!p0 $0x88, s6;
	s7 =	simm.s32 @p2 $0x1082  }
0x22: {  	[simem:s7], [sflag:s8] =	dma.local @!p0 [hbm:s6], $0xF7A  }
0x23: {  	s9 =	sor.u32 $0xD0000000, s2;
	s6 =	simm.s32 $0x108;
	_ =	swait.ge @!p0 [sflag:s8], $0x0  }
0x24: {  	s3 =	sadd.s32 $0x88, s3;
	s6 =	simm.s32 @!p1 $0x1082;
	[sflag:s4] =	ssyncset.s32 $0xFFFFF086  }
0x25: {  	[simem:s6], [sflag:s4] =	dma.local [hbm:s3], $0xF7A  }
0x26: {  	[smem:$0x3F9A] =	sst s1;
	(tag) =	ssettag s2;
	_ =	strace s9  }
0x27: {  	s1 =	sld [smem:$0x3FAA]  }
0x28: {  	s2 =	sld [smem:$0x3FAB]  }
0x29: {  	s4 =	sld [smem:$0x3FAD]  }
0x2a: {  	p0 =	seq.s32 s5, $0x0;
	s5 =	sld [smem:$0x3FAE]  }
0x2b: {  	s6 =	sld [smem:$0x3FAF]  }
0x2c: {  	s7 =	sld [smem:$0x3FB0]  }
0x2d: {  	s3 =	simm.s32 $0x108;
	s8 =	sld [smem:$0x3FB1]  }
0x2e: {  	s3 =	simm.s32 @!p0 $0x1082;
	s9 =	sld [smem:$0x3FB2]  }
0x2f: {  	lr =	sadd.s32 s0, s3;
	s0 =	sld [smem:$0x3FA9]  }
0x30: {  	s3 =	sld [smem:$0x3FAC]  }
0x31: {  	[smem:$0x3FB5] =	sst s10  }
0x32: {  	s10 =	sld [smem:$0x3FB3];
	_ =	sdelay $0x3  }
0x33: {  	p0 =	seq.s32 s10, $0x1;
	s10 =	sld [smem:$0x3FB5];
	_ =	sdelay $0x3  }
0x34: {  	[smem:$0x3FB5] =	sst s10  }
0x35: {  	s10 =	sld [smem:$0x3FB4];
	_ =	sdelay $0x3  }
0x36: {  	p1 =	seq.s32 s10, $0x1;
	s10 =	sld [smem:$0x3FB5];
	_ =	sdelay $0x3  }
0x37: {  	[smem:$0x3FB5] =	sst s10  }
0x38: {  	s10 =	sld [smem:$0x3FB6]  }
0x39: {  	_ = 	snop;
	(pc) =	sbr.ind lr, $3  }
0x3a: {  	_ = 	snop  }
0x3b: {  	_ = 	snop  }
0x3c: {  	p2 =	seq.s32 s10, $0x1;
	s10 =	sld [smem:$0x3FB5]  }
0x3d: {  	_ =	shalt  }
0x3e: {  	_ =	shalt  }
0x3f: {  	_ =	shalt  }
0x40: {  	_ =	shalt  }
0x41: {  	_ =	shalt  }
0x42: {  	_ =	shalt  }
0x43: {  	_ =	shalt  }
0x44: {  	_ =	shalt  }
0x45: {  	_ =	shalt  }
0x46: {  	_ =	shalt  }
0x47: {  	_ =	shalt  }
0x48: {  	_ =	shalt  }
0x49: {  	_ =	shalt  }
0x4a: {  	_ =	shalt  }
0x4b: {  	_ =	shalt  }
0x4c: {  	_ =	shalt  }
0x4d: {  	_ =	shalt  }
0x4e: {  	_ =	shalt  }
0x4f: {  	_ =	shalt  }
0x50: {  	_ =	shalt  }
0x51: {  	_ =	shalt  }
0x52: {  	_ =	shalt  }
0x53: {  	_ =	shalt  }
0x54: {  	_ =	shalt  }
0x55: {  	_ =	shalt  }
0x56: {  	_ =	shalt  }
0x57: {  	_ =	shalt  }
0x58: {  	_ =	shalt  }
0x59: {  	_ =	shalt  }
0x5a: {  	_ =	shalt  }
0x5b: {  	_ =	shalt  }
0x5c: {  	_ =	shalt  }
0x5d: {  	_ =	shalt  }
0x5e: {  	_ =	shalt  }
0x5f: {  	_ =	shalt  }
0x60: {  	_ =	shalt  }
0x61: {  	_ =	shalt  }
0x62: {  	_ =	shalt  }
0x63: {  	_ =	shalt  }
0x64: {  	_ =	shalt  }
0x65: {  	_ =	shalt  }
0x66: {  	_ =	shalt  }
0x67: {  	_ =	shalt  }
0x68: {  	_ =	shalt  }
0x69: {  	_ =	shalt  }
0x6a: {  	_ =	shalt  }
0x6b: {  	_ =	shalt  }
0x6c: {  	_ =	shalt  }
0x6d: {  	_ =	shalt  }
0x6e: {  	_ =	shalt  }
0x6f: {  	_ =	shalt  }
0x70: {  	_ =	shalt  }
0x71: {  	_ =	shalt  }
0x72: {  	_ =	shalt  }
0x73: {  	_ =	shalt  }
0x74: {  	_ =	shalt  }
0x75: {  	_ =	shalt  }
0x76: {  	_ =	shalt  }
0x77: {  	_ =	shalt  }
0x78: {  	_ =	shalt  }
0x79: {  	_ =	shalt  }
0x7a: {  	_ =	shalt  }
0x7b: {  	_ =	shalt  }
0x7c: {  	_ =	shalt  }
0x7d: {  	_ =	shalt  }
0x7e: {  	_ =	shalt  }
0x7f: {  	_ =	shalt  }
0x80: {  	_ =	shalt  }
0x81: {  	_ =	shalt  }
0x82: {  	_ =	shalt  }
0x83: {  	_ =	shalt  }
0x84: {  	_ =	shalt  }
0x85: {  	_ =	shalt  }
0x86: {  	_ =	shalt  }
0x87: {  	_ =	shalt  }
.Lfunc_end0:
.L_simem_size_0:
called_computation_lowered:
.L_overlay_start_0:
0x88: {  	s0 =	sld [smem:$0x3FD9]  }
0x89: {  	s1 =	sld [smem:$0x3FFE];
	_ =	sdelay $0x3  }
0x8a: {  	s0 =	sadd.s32 s1, s0  }
0x8b: {  	[smem:$0x3FC1] =	sst s0  }
0x8c: {  	_ = 	snop  }
0x8d: {  	s0 =	sld [smem:$0x3FD0];
	(tm) =	ssettm $0x1  }
0x8e: {  	s16 =	sld [smem:$0x3FFB];
	_ =	sdelay $0x3  }
0x8f: {  	_ =	strace s16  }
0x90: {  	s1 =	sld [smem:$0x3FFC];
	_ =	sdelay $0x3  }
0x91: {  	_ =	strace s1  }
0x92: {  	s1 =	sld [smem:$0x3FFD];
	_ =	sdelay $0x3  }
0x93: {  	_ =	strace s1  }
0x94: {  	_ =	strace $0x8FFFFFFF  }
0x95: {  	s17 =	sld [smem:$0x3FDB];
	_ =	sdelay $0x1  }
0x96: {  	s2 =	simm.s32 $_scs_section_size  }
0x97: {  	s3 =	simm.s32 $_size__tile_overlayer_lowered;
	s4 =	simm.s32 $_tile_overlayer_lowered  }
0x98: {  	s20 =	simm.s32 $0x1BFF;
	s19 =	sshll.u32 s4, $0x1;
	s1 =	sadd.s32 s2, s17  }
0x99: {  	s5 =	simm.s32 $0x0;
	s18 =	sshll.u32 s3, $0x1;
	s3 =	sadd.s32 s19, s1  }
0x9a: {  	[timem:s5], [sflag:s20] =	dma.local [hbm:s3], s18  }
0x9b: {  	_ =	swait.ge [sflag:s20], s18  }
0x9c: {  	s2 =	ssub.s32 $0x0, s18;
	[sflag:s20] =	ssyncset.done $0x0  }
0x9d: {  	[sflag:s20] =	ssyncadd.s32 s2;
	_ =	sdelay $0x1  }
0x9e: {  	s21 =	simm.s32 $0x1B8B  }
0x9f: {  	_ =	swait.ge [sflag:s21], $0x1  }
0xa0: {  	[sflag:s21] =	ssyncset.done $0x0  }
0xa1: {  	s23 =	simm.s32 $0x1B8E;
	s22 =	sld [smem:$0x3FFE];
	[sflag:s21] =	ssyncadd.s32 $0xFFFFFFFF  }
0xa2: {  	s24 =	simm.s32 $execute0_lowered;
	[smem:$0x3FD2] =	sst s23  }
0xa3: {  	s3 =	sshll.u32 s24, $0x1;
	_ =	strace $0x80000052;
	[dreg:$0x1] =	wrdreg $0xFFFFFFFF  }
0xa4: {  	s25 =	simm.s32 $_size_execute0_lowered;
	s1 =	sadd.s32 s1, s3;
	[dreg:$0x0] =	wrdreg $0x0  }
0xa5: {  	s3 =	sshll.u32 s25, $0x1;
	[dreg:$0x2] =	wrdreg s1  }
0xa6: {  	[dreg:$0x3] =	wrdreg s3  }
0xa7: {  	[dreg:$0x4] =	wrdreg $0xC0  }
0xa8: {  	_ =	task [dreg:s5], $0x5FFFF  }
0xa9: {  	[dreg:$0x1] =	wrdreg $0xFFFFFFFF  }
0xaa: {  	[dreg:$0x0] =	wrdreg $0x60  }
0xab: {  	[dreg:$0x2] =	wrdreg s0  }
0xac: {  	[dreg:$0x3] =	wrdreg s22  }
0xad: {  	[dreg:$0x4] =	wrdreg $0x9  }
0xae: {  	_ =	task.clear_ibuf [dreg:s5], $0x5FFFF;
	_ =	strace $0x90000052  }
0xaf: {  	s26 =	simm.s32 $0x9;
	_ =	strace $0x80000054  }
0xb0: {  	_ =	swait.ge [sflag:s26], $0x1  }
0xb1: {  	[sflag:s26] =	ssyncadd.s32 $0xFFFFFFFF  }
0xb2: {  	_ =	strace $0x90000054  }
0xb3: {  	_ =	sfence  }
0xb4: {  	s28 =	sld [smem:$0x0];
	_ =	sdelay $0x1  }
0xb5: {  	s29 =	srdreg.scid  }
0xb6: {  	s30 =	sshll.u32 s29, $0xD;
	s31 =	sshrl.u32 s29, $0x2  }
0xb7: {  	s2 =	sand.u32 $0x4000, s30;
	s1 =	sand.u32 $0x1, s29;
	s0 =	sadd.s32 s31, s28  }
0xb8: {  	s1 =	sor.u32 s2, s1;
	s0 =	sshll.u32 s0, $0x11  }
0xb9: {  	s0 =	sor.u32 s0, s1  }
0xba: {  	s0 =	sadd.s32 $0x8F2B, s0  }
0xbb: {  	[sflag:s0] =	ssyncadd.remote.s32 $0x1  }
0xbc: {  	_ =	sfence.sel $0xFFFF  }
0xbd: {  	[dreg:$0x0] =	wrdreg $0xFFFFFFFF;
	(pc) =	sbr.abs _section_cstart, $3  }
0xbe: {  	[dreg:$0x1] =	wrdreg $0xFFFFFFFF  }
0xbf: {  	_ =	task.clear_ibuf [dreg:s5], $0x2FFFF;
	_ =	strace $0x9FFFFFFF  }
0xc0: {  	(tm) =	ssettm $0x7FFFFFFF  }
0xc1: {  	_ =	shalt  }
tec
execute0_lowered:
.L_overlay_start_1:
0x0: {  	(tag) =	ssettag $0x1  }
0x1: {  	s1 =	rddreg [dreg:$0x0]  }
0x2: {  	s7 =	rddreg [dreg:$0x1]  }
0x3: {  	s0 =	rddreg [dreg:$0x2]  }
0x4: {  	s3 =	stileid.u32;
	_ =	strace $0x80000053;
	s4 =	simm.s32 $0x3E  }
0x5: {  	p0 =	sne.s32 s3, $0x0;
	[sflag:s4] =	ssyncpa.u1 $0x0  }
0x6: {  	s30 =	smin.u32 s3, $0x9;
	s2 =	simm.s32 @!p0 $0x1C3E;
	s5 =	simm.s32 @!p0 $0x0  }
0x7: {  	[spmem:s5], [sflag:s2] =	dma.local @!p0 [hbm:s1], $0x100  }
0x8: {  	s2 =	sadd.s32 s3, s30  }
0x9: {  	p1 =	slt.u32 s3, $0x9;
	s3 =	simm.s32 $0x3C0;
	s2 =	smul.u32 $0x1E0, s2  }
0xa: {  	s3 =	simm.s32 @!p1 $0x1E0  }
0xb: {  	s3 =	sadd.s32 s3, s2  }
0xc: {  	s3 =	smin.u32 s3, $0x2EE0  }
0xd: {  	s8 =	ssub.s32 s3, s2  }
0xe: {  	p1 =	sgt.s32 s8, $0x0  }
0xf: {  	s8 =	simm.s32 @!p1 $0x0  }
0x10: {  	s5 =	simm.s32 @!p0 $0x3E;
	s31 =	smul.u32 $0x8889, s8  }
0x11: {  	_ =	swait.ge @!p0 [sflag:s5], $0x100  }
0x12: {  	s6 =	simm.s32 $0x2;
	[sflag:s5] =	ssyncset.done @!p0 $0x0;
	s9 =	sshrl.u32 s31, $0x18  }
0x13: {  	s11 =	simm.s32 $0x0;
	[sflag:s5] =	ssyncadd.s32 @!p0 $0xFFFFFF00;
	s10 =	smul.u32 $0x1E0, s9  }
.Ltmp0:
0x14: {  	s5 =	sadd.s32 $0x800, s7;
	[bflag:$0x0] =	sbarrier.arrive $0xFFFF;
	(pc) =	sbr.rel .LBB2_1-.Ltmp0, $4  }
0x15: {  	s7 =	sadd.s32 $0xE00, s7;
	[sflag:s4] =	ssyncpa.u1 $0x1;
	s4 =	simm.s32 $0x1  }
0x16: {  	[sflag:s4] =	ssyncpa.u1 $0x0;
	p1 =	sne.s32 s8, s10;
	s8 =	simm.s32 $0x1  }
0x17: {  	(ifvalue) =	ssetifvalue $0x800;
	[sflag:s6] =	ssyncpa.u1 $0x0;
	s8 =	simm.s32 @!p1 $0x0  }
0x18: {  	vm0 =	vmmov $0xffff;
	s10 =	smov.u32 s2;
	s8 =	sadd.s32 s9, s8;
	s9 =	simm.s32 $0x0  }
.LBB2_5:
0x19: {  	p2 =	sne.s32 s11, s8  }
.Ltmp1:
0x1a: {  	_ = 	snop;
	(pc) =	sbr.rel @!p2 .LBB2_6-.Ltmp1, $4  }
0x1b: {  	_ = 	snop  }
0x1c: {  	s12 =	sadd.s32 $0x1E0, s10  }
0x1d: {  	s10 =	smov.u32 s2;
	s13 =	sadd.s32 $0x1, s11;
	p1 =	slt.s32 s12, s3  }
0x1e: {  	s11 =	smov.u32 s13;
	s10 =	smov.u32 @p1 s12  }
.LBB2_1:
0x1f: {  	p1 =	sge.u32 s11, s8  }
0x20: {  	s12 =	sxor.u32 @!p1 $0xFFFFFFFF, s11  }
0x21: {  	s12 =	sand.u32 @!p1 $0x1, s12  }
0x22: {  	s12 =	smul.u32 @!p1 $0x1E0, s12  }
0x23: {  	s13 =	sshrl.u32 @!p1 s10, $0x3  }
0x24: {  	s16 =	sand.u32 @!p1 $0x7, s10;
	s14 =	sadd.s32 @!p1 s5, s13;
	s15 =	sadd.s32 @!p1 $0x80, s12  }
0x25: {  	[tilespmem:s15], [sflag:$0x2] =	stream.linear.gather @!p1 [hbm4b:s14+s16], $0x1E0, $0x38;
	[tilespmem:$0x800] =	vst v63  }
0x26: {  	s13 =	sadd.s32 @!p1 s7, s13;
	s12 =	sadd.s32 @!p1 $0x440, s12  }
0x27: {  	[tilespmem:s12], [sflag:$0x2] =	stream.linear.gather @!p1 [hbm4b:s13+s16], $0x1E0, $0x38;
	[tilespmem:$0x800] =	vst v63  }
0x28: {  	p1 =	seq.s32 s11, $0x0  }
.Ltmp2:
0x29: {  	_ = 	snop;
	(pc) =	sbr.rel @p1 .LBB2_5-.Ltmp2, $1  }
0x2a: {  	_ =	sdelay $0x3  }
0x2b: {  	s12 =	sand.u32 $0x1, s11  }
0x2c: {  	_ =	swait.ge [sflag:s6], $0x3C0;
	p1 =	seq.s32 s12, $0x1;
	s12 =	simm.s32 $0x1E0  }
0x2d: {  	[sflag:s6] =	ssyncset.done $0x0;
	s12 =	simm.s32 @!p1 $0x0  }
0x2e: {  	[sflag:s6] =	ssyncadd.s32 $0xFFFFFC40;
	s14 =	sadd.s32 $0x80, s12  }
0x2f: {  	v0 =	vld.msk [tilespmem:s14+$0x0 ss:$0x1], $0xffff;
	_ =	sdelay $0x4  }
0x30: {  	v0 =	vmin.u32 v0, $0x800;
	_ =	sdelay $0x3  }
0x31: {  	s13 =	simm.s32 $0x0;
	s12 =	sadd.s32 $0x440, s12;
	s14 =	sadd.s32 $0x10, s14  }
0x32: {  	[spmem:s9] =	stream.indirect_vreg.scatter.add.s32 [tilespmem:s12], [sflag:$0x1], $0x1, v0, vm0, $0x4038;
	[tilespmem:$0x800] =	vst v63  }
.LBB2_3:
0x33: {  	v0 =	vld.msk [tilespmem:s14+$0x0 ss:$0x1], $0xffff;
	s13 =	sadd.s32 $0x10, s13  }
0x34: {  	p1 =	slt.u32 s13, $0x1D0;
	_ =	sdelay $0x4  }
0x35: {  	v0 =	vmin.u32 v0, $0x800  }
.Ltmp3:
0x36: {  	(pc) =	sbr.rel @p1 .LBB2_3-.Ltmp3, $3  }
0x37: {  	_ =	sdelay $0x1  }
0x38: {  	s14 =	sadd.s32 $0x10, s14;
	s12 =	sadd.s32 $0x10, s12  }
0x39: {  	[spmem:s9] =	stream.indirect_vreg.scatter.add.s32 [tilespmem:s12], [sflag:$0x1], $0x1, v0, vm0, $0x4038;
	[tilespmem:$0x800] =	vst v63  }
.Ltmp4:
0x3a: {  	(pc) =	sbr.rel .LBB2_5-.Ltmp4, $4  }
0x3b: {  	_ = 	snop  }
0x3c: {  	_ =	swait.ge [sflag:s4], $0x1E0  }
0x3d: {  	[sflag:s4] =	ssyncset.done $0x0  }
0x3e: {  	[sflag:s4] =	ssyncadd.s32 $0xFFFFFE20  }
.LBB2_6:
0x3f: {  	_ =	sfence.sel $0x180000  }
0x40: {  	s2 =	simm.s32 $0x2;
	[bflag:$0x0] =	sbarrier.arrive $0xFFFF  }
0x41: {  	s30 =	simm.s32 $0x1;
	[sflag:s2] =	ssyncpa.u1 $0x1  }
0x42: {  	[sflag:s30] =	ssyncpa.u1 $0x1  }
0x43: {  	_ =	sfence.stream.spmem  }
0x44: {  	s31 =	simm.s32 $0x3D;
	[bflag:$0x0] =	sbarrier.arrive $0xFFFF  }
0x45: {  	s2 =	simm.s32 @p0 $0x3D;
	[sflag:s31] =	ssyncpa.u1 $0x0  }
0x46: {  	[sflag:s2] =	ssyncpa.u1 @p0 $0x1  }
0x47: {  	[bflag:$0x0] =	sbarrier.arrive @p0 $0xFFFF  }
0x48: {  	_ =	strace @p0 $0x90000053  }
0x49: {  	s3 =	simm.s32 @!p0 $0x1C3D;
	s2 =	simm.s32 @!p0 $0x0;
	[bflag:$0x2] =	sbarrier.arrive @p0 $0xFFFF  }
0x4a: {  	[hbm:s1], [sflag:s3] =	dma.local @!p0 [spmem:s2], $0x100  }
0x4b: {  	s1 =	simm.s32 @!p0 $0x3D  }
0x4c: {  	_ =	swait.ge @!p0 [sflag:s1], $0x100  }
0x4d: {  	[sflag:s1] =	ssyncset.done @!p0 $0x0  }
0x4e: {  	[sflag:s1] =	ssyncadd.s32 @!p0 $0xFFFFFF00  }
0x4f: {  	[sflag:s1] =	ssyncpa.u1 @!p0 $0x1  }
0x50: {  	[bflag:$0x0] =	sbarrier.arrive @!p0 $0xFFFF  }
0x51: {  	_ =	strace @!p0 $0x90000053  }
0x52: {  	s0 =	sadd.s32 @!p0 $0x100000, s0;
	[bflag:$0x2] =	sbarrier.arrive @!p0 $0xFFFF  }
0x53: {  	[sflag:s0] =	ssyncadd.tile.s32 @!p0 $0x1;
	_ =	shalt  }
.Lfunc_end2:
_tile_overlayer_lowered:
.L_overlay_start_2:
0x54: {  	(tag) =	ssettag $0x2  }
0x55: {  	s0 =	rddreg [dreg:$0x0];
	s2 =	stileid.u32  }
0x56: {  	s1 =	rddreg [dreg:$0x1];
	p0 =	sne.s32 s2, $0x0  }
0x57: {  	s3 =	rddreg [dreg:$0x2];
	[bflag:$0x3] =	sbarrier.arrive $0xFFFF;
	s2 =	simm.s32 @!p0 $0x1C01  }
0x58: {  	[timem:s3], [sflag:s2] =	dma.local @!p0 [hbm:s0], s1  }
0x59: {  	s0 =	simm.s32 @!p0 $0x1  }
0x5a: {  	_ =	swait.ge @!p0 [sflag:s0], s1  }
0x5b: {  	s1 =	ssub.s32 @!p0 $0x0, s1;
	[sflag:s0] =	ssyncset.done @!p0 $0x0  }
0x5c: {  	[sflag:s0] =	ssyncadd.s32 @!p0 s1  }
0x5d: {  	[bflag:$0x3] =	sbarrier.arrive $0xFFFF  }
0x5e: {  	_ =	shalt  }

</sc_bundles>
